<compile_context>
chip_gen: v7x
topology: tpu7x:2x2x1
jax: 0.10.2.dev20260603
libtpu: 0.0.44.dev20260713+nightly
codegen_flags: <defaults>
</compile_context>

<pallas_src>
import jax
import jax.numpy as jnp
from jax import lax
from jax.experimental import pallas as pl
from jax.experimental.pallas import tpu as pltpu, tpu_sc as plsc

N = 10000
E = 160000
D = 256
DH = 128
NC, NS = 2, 16
N_PAD = 10240
ROWS = N_PAD // NS
EPT = E // NS
CW = 80
NCH = EPT // CW
GC = 25
NG = NCH // GC
CWD = 80
NCHD = 63
EPW = NCHD * CWD
K = (N + 1) // 2


def _sc_mesh():
    return plsc.VectorSubcoreMesh(core_axis_name="c", subcore_axis_name="s",
                                  num_cores=NC, num_subcores=NS)


def _deg_body(dst_hbm, ones_hbm, zeros_hbm, out0_hbm, out1_hbm,
              dst_ref, ones_ref, sem, acc):
    c = lax.axis_index("c")
    s = lax.axis_index("s")
    w = c * NS + s
    pltpu.sync_copy(dst_hbm.at[w], dst_ref)
    pltpu.sync_copy(ones_hbm, ones_ref)
    pltpu.sync_copy(zeros_hbm, acc.at[pl.ds(s * ROWS, ROWS)])
    plsc.subcore_barrier()

    WIN = 8

    def step(j, carry):
        pltpu.async_copy(ones_ref, acc.at[dst_ref.at[j]], sem, add=True)

        @pl.when(j >= WIN)
        def _():
            pltpu.make_async_copy(ones_ref, acc.at[dst_ref.at[j - WIN]],
                                  sem).wait()

        return carry

    lax.fori_loop(0, NCHD, step, 0)

    def drain(j, carry):
        pltpu.make_async_copy(ones_ref, acc.at[dst_ref.at[j]], sem).wait()
        return carry

    lax.fori_loop(0, WIN, drain, 0)
    plsc.subcore_barrier()

    @pl.when(c == 0)
    def _():
        pltpu.sync_copy(acc.at[pl.ds(s * ROWS, ROWS)],
                        out0_hbm.at[pl.ds(s * ROWS, ROWS)])

    @pl.when(c == 1)
    def _():
        pltpu.sync_copy(acc.at[pl.ds(s * ROWS, ROWS)],
                        out1_hbm.at[pl.ds(s * ROWS, ROWS)])


def _deg_kernel(dst_w, ones_d, zeros_d):
    return pl.kernel(
        _deg_body,
        out_type=(jax.ShapeDtypeStruct((N_PAD, DH), jnp.float32),
                  jax.ShapeDtypeStruct((N_PAD, DH), jnp.float32)),
        mesh=_sc_mesh(),
        scratch_types=[
            pltpu.VMEM((NCHD, CWD), jnp.int32),
            pltpu.VMEM((CWD, DH), jnp.float32),
            pltpu.SemaphoreType.DMA,
            pltpu.VMEM_SHARED((N_PAD, DH), jnp.float32),
        ],
    )(dst_w, ones_d, zeros_d)


def _agg_body(plo_hbm, phi_hbm, src_hbm, dst_hbm, out_lo_hbm, out_hi_hbm,
              src_ref, dst_ref, buf0, buf1, gsem0, gsem1, acc):
    c = lax.axis_index("c")
    s = lax.axis_index("s")
    bufs = (buf0, buf1)
    gsems = (gsem0, gsem1)

    def run(p_hbm, out_hbm):
        pltpu.sync_copy(p_hbm.at[pl.ds(s * ROWS, ROWS)],
                        acc.at[pl.ds(s * ROWS, ROWS)])
        plsc.subcore_barrier()

        def fire_g(l, b):
            pltpu.async_copy(p_hbm.at[src_ref.at[l]], bufs[b], gsems[b])

        def wait_g(b):
            pltpu.make_async_copy(p_hbm.at[pl.ds(0, CW)], bufs[b],
                                  gsems[b]).wait()

        def group(g, carry):
            pltpu.sync_copy(src_hbm.at[s * NG + g], src_ref)
            pltpu.sync_copy(dst_hbm.at[s * NG + g], dst_ref)
            fire_g(0, 0)

            def pair(j, c2):
                a = 2 * j
                fire_g(a + 1, 1)
                wait_g(0)
                pltpu.sync_copy(buf0, acc.at[dst_ref.at[a]], add=True)
                fire_g(a + 2, 0)
                wait_g(1)
                pltpu.sync_copy(buf1, acc.at[dst_ref.at[a + 1]], add=True)
                return c2

            lax.fori_loop(0, (GC - 1) // 2, pair, 0)
            wait_g(0)
            pltpu.sync_copy(buf0, acc.at[dst_ref.at[GC - 1]], add=True)
            return carry

        lax.fori_loop(0, NG, group, 0)
        plsc.subcore_barrier()
        pltpu.sync_copy(acc.at[pl.ds(s * ROWS, ROWS)],
                        out_hbm.at[pl.ds(s * ROWS, ROWS)])

    @pl.when(c == 0)
    def _():
        run(plo_hbm, out_lo_hbm)

    @pl.when(c == 1)
    def _():
        run(phi_hbm, out_hi_hbm)


def _agg_kernel(p_lo, p_hi, src_r, dst_r):
    return pl.kernel(
        _agg_body,
        out_type=(jax.ShapeDtypeStruct((N_PAD, DH), jnp.float32),
                  jax.ShapeDtypeStruct((N_PAD, DH), jnp.float32)),
        mesh=_sc_mesh(),
        scratch_types=[
            pltpu.VMEM((GC, CW), jnp.int32),
            pltpu.VMEM((GC, CW), jnp.int32),
            pltpu.VMEM((CW, DH), jnp.float32),
            pltpu.VMEM((CW, DH), jnp.float32),
            pltpu.SemaphoreType.DMA,
            pltpu.SemaphoreType.DMA,
            pltpu.VMEM_SHARED((N_PAD, DH), jnp.float32),
        ],
    )(p_lo, p_hi, src_r, dst_r)


def _mm_body(x_ref, w_ref, h_ref):
    h_ref[...] = jnp.dot(x_ref[...], w_ref[...],
                         preferred_element_type=jnp.float32)


def _matmul0(x, W0):
    return pl.pallas_call(
        _mm_body,
        grid=(10,),
        in_specs=[
            pl.BlockSpec((N // 10, D), lambda i: (i, 0)),
            pl.BlockSpec((D, D), lambda i: (0, 0)),
        ],
        out_specs=pl.BlockSpec((N // 10, D), lambda i: (i, 0)),
        out_shape=jax.ShapeDtypeStruct((N_PAD, D), jnp.float32),
    )(x, W0)


def _p0_body(h_ref, d0_ref, d1_ref, plo_ref, phi_ref, dis_ref):
    deg = d0_ref[...][:, :1] + d1_ref[...][:, :1] + 1.0
    dis = lax.rsqrt(deg)
    p = h_ref[...] * dis
    plo_ref[...] = p[:, :DH]
    phi_ref[...] = p[:, DH:]
    dis_ref[...] = jnp.broadcast_to(dis, (ROWS, 16))


def _pass1(h0, deg0, deg1):
    return pl.pallas_call(
        _p0_body,
        grid=(NS,),
        in_specs=[
            pl.BlockSpec((ROWS, D), lambda i: (i, 0)),
            pl.BlockSpec((ROWS, DH), lambda i: (i, 0)),
            pl.BlockSpec((ROWS, DH), lambda i: (i, 0)),
        ],
        out_specs=[
            pl.BlockSpec((ROWS, DH), lambda i: (i, 0)),
            pl.BlockSpec((ROWS, DH), lambda i: (i, 0)),
            pl.BlockSpec((ROWS, 16), lambda i: (i, 0)),
        ],
        out_shape=[
            jax.ShapeDtypeStruct((N_PAD, DH), jnp.float32),
            jax.ShapeDtypeStruct((N_PAD, DH), jnp.float32),
            jax.ShapeDtypeStruct((N_PAD, 16), jnp.float32),
        ],
    )(h0, deg0, deg1)


def _p1_body(slo_ref, shi_ref, dis_ref, b_ref, w_ref, plo_ref, phi_ref):
    s = jnp.concatenate([slo_ref[...], shi_ref[...]], axis=1)
    dis = dis_ref[...][:, :1]
    h = jnp.maximum(s * dis + b_ref[...], 0.0)
    p = jnp.dot(h, w_ref[...], preferred_element_type=jnp.float32) * dis
    plo_ref[...] = p[:, :DH]
    phi_ref[...] = p[:, DH:]


def _pass2(s_lo, s_hi, dis16, b0, W1):
    return pl.pallas_call(
        _p1_body,
        grid=(NS,),
        in_specs=[
            pl.BlockSpec((ROWS, DH), lambda i: (i, 0)),
            pl.BlockSpec((ROWS, DH), lambda i: (i, 0)),
            pl.BlockSpec((ROWS, 16), lambda i: (i, 0)),
            pl.BlockSpec((D,), lambda i: (0,)),
            pl.BlockSpec((D, D), lambda i: (0, 0)),
        ],
        out_specs=[
            pl.BlockSpec((ROWS, DH), lambda i: (i, 0)),
            pl.BlockSpec((ROWS, DH), lambda i: (i, 0)),
        ],
        out_shape=[
            jax.ShapeDtypeStruct((N_PAD, DH), jnp.float32),
            jax.ShapeDtypeStruct((N_PAD, DH), jnp.float32),
        ],
    )(s_lo, s_hi, dis16, b0, W1)


def _head_body(slo_ref, shi_ref, dis_ref, b_ref, pw_ref, lw_ref, lb_ref,
               out_ref):
    s = jnp.concatenate([slo_ref[...], shi_ref[...]], axis=1)
    dis = dis_ref[...][:, :1]
    h = jnp.maximum(s * dis + b_ref[...], 0.0)
    row = lax.broadcasted_iota(jnp.int32, (N_PAD, 1), 0)
    valid = row < N
    h = jnp.where(valid, h, 0.0)

    pw = pw_ref[...]
    wn = jnp.sqrt(jnp.sum(pw * pw))
    raw = lax.dot_general(h, pw, (((1,), (1,)), ((), ())),
                          preferred_element_type=jnp.float32)
    score = jnp.tanh(raw / wn)
    score_m = jnp.where(valid, score, -2.0)

    bits = lax.bitcast_convert_type(score_m, jnp.uint32)
    top = jnp.uint32(0x80000000)
    ukey = jnp.where(bits >= top, ~bits, bits | top)

    def bit_step(i, t):
        cand = t | (top >> i)
        cnt = jnp.sum(jnp.where(ukey >= cand, 1, 0))
        return jnp.where(cnt >= K, cand, t)

    t = lax.fori_loop(0, 32, bit_step, jnp.uint32(0))
    cnt_gt = jnp.sum(jnp.where(ukey > t, 1, 0))
    cnt_eq = jnp.sum(jnp.where(ukey == t, 1, 0))
    frac = (K - cnt_gt).astype(jnp.float32) / jnp.maximum(cnt_eq, 1).astype(jnp.float32)
    w = jnp.where(ukey > t, score, jnp.where(ukey == t, score * frac, 0.0))

    ws = lax.dot_general(w, h, (((0,), (0,)), ((), ())),
                         preferred_element_type=jnp.float32)
    pooled = ws * (1.0 / K)
    out = jnp.dot(pooled, lw_ref[...],
                  preferred_element_type=jnp.float32) + lb_ref[...]
    m = jnp.max(out, axis=1, keepdims=True)
    z = out - m
    lse = jnp.log(jnp.sum(jnp.exp(z), axis=1, keepdims=True))
    out_ref[...] = z - lse


def _head(s_lo, s_hi, dis16, b1, pool_w, lin_w, lin_b):
    return pl.pallas_call(
        _head_body,
        grid=(1,),
        in_specs=[
            pl.BlockSpec((N_PAD, DH), lambda i: (0, 0)),
            pl.BlockSpec((N_PAD, DH), lambda i: (0, 0)),
            pl.BlockSpec((N_PAD, 16), lambda i: (0, 0)),
            pl.BlockSpec((D,), lambda i: (0,)),
            pl.BlockSpec((1, D), lambda i: (0, 0)),
            pl.BlockSpec((D, D), lambda i: (0, 0)),
            pl.BlockSpec((D,), lambda i: (0,)),
        ],
        out_specs=pl.BlockSpec((1, D), lambda i: (0, 0)),
        out_shape=jax.ShapeDtypeStruct((1, D), jnp.float32),
    )(s_lo, s_hi, dis16, b1, pool_w, lin_w, lin_b)


def kernel(x, edge_index, batch, W0, b0, W1, b1, pool_w, lin_w, lin_b):
    src = edge_index[0].astype(jnp.int32)
    dst = edge_index[1].astype(jnp.int32)
    src_r = src.reshape(NS * NG, GC, CW)
    dst_r = dst.reshape(NS * NG, GC, CW)
    npad_e = NC * NS * EPW - E
    pad_dst = N + 16 + (jnp.arange(npad_e, dtype=jnp.int32) % (N_PAD - N - 16))
    dst_w = jnp.concatenate([dst, pad_dst]).reshape(NC * NS, NCHD, CWD)

    ones_d = jnp.ones((CWD, DH), jnp.float32)
    zeros_d = jnp.zeros((ROWS, DH), jnp.float32)

    h0 = _matmul0(x, W0)
    deg0, deg1 = _deg_kernel(dst_w, ones_d, zeros_d)
    p0_lo, p0_hi, dis16 = _pass1(h0, deg0, deg1)
    s0_lo, s0_hi = _agg_kernel(p0_lo, p0_hi, src_r, dst_r)
    p1_lo, p1_hi = _pass2(s0_lo, s0_hi, dis16, b0, W1)
    s1_lo, s1_hi = _agg_kernel(p1_lo, p1_hi, src_r, dst_r)
    return _head(s1_lo, s1_hi, dis16, b1,
                 pool_w.reshape(1, D), lin_w, lin_b)

# --- scband reference (transcript-rebuilt; emitter-appended) ---
"""Pipeline reference for scband-conv-gnn-8632884265126 (READ-ONLY COPY).

The authoritative reference and input builder live on the scoring server;
editing this copy changes nothing except your own understanding.
"""

import jax, jax.numpy as jnp
import numpy as np

N, E, D_IN, D_H, D_OUT = 10000, 160000, 256, 256, 256


def gcn_conv(x, src, dst, W, b, n):
    # PyG GCNConv: add self-loops, symmetric normalization D^-1/2 (A+I) D^-1/2, then xW aggregation + bias
    loop = jnp.arange(n)
    s = jnp.concatenate([src, loop])
    d = jnp.concatenate([dst, loop])
    deg = jax.ops.segment_sum(jnp.ones(s.shape[0], x.dtype), d, num_segments=n)
    dis = jnp.where(deg > 0, jax.lax.rsqrt(jnp.maximum(deg, 1e-12)), 0.0)
    norm = dis[s] * dis[d]
    h = x @ W
    msg = h[s] * norm[:, None]
    return jax.ops.segment_sum(msg, d, num_segments=n) + b


def setup_inputs(seed: int = 0):
    key = jax.random.key(seed)
    ks = jax.random.split(key, 9)
    x = jax.random.normal(ks[0], (N, D_IN), jnp.float32)
    edge_index = jax.random.randint(ks[1], (2, E), 0, N)
    batch = jnp.zeros((N,), jnp.int32)
    W0 = jax.random.normal(ks[2], (D_IN, D_H), jnp.float32) * (2.0 / (D_IN + D_H)) ** 0.5
    b0 = jnp.zeros((D_H,), jnp.float32)
    W1 = jax.random.normal(ks[3], (D_H, D_H), jnp.float32) * (2.0 / (D_H + D_H)) ** 0.5
    b1 = jnp.zeros((D_H,), jnp.float32)
    pool_w = jax.random.normal(ks[4], (D_H,), jnp.float32) * (1.0 / D_H) ** 0.5
    lin_w = jax.random.normal(ks[5], (D_H, D_OUT), jnp.float32) * (2.0 / (D_H + D_OUT)) ** 0.5
    lin_b = jnp.zeros((D_OUT,), jnp.float32)
    return {"x": x, "edge_index": edge_index, "batch": batch, "W0": W0, "b0": b0,
            "W1": W1, "b1": b1, "pool_w": pool_w, "lin_w": lin_w, "lin_b": lin_b}


def reference(x, edge_index, batch, W0, b0, W1, b1, pool_w, lin_w, lin_b):
    # NOTE: original forward iterates zip(self.convs, self.pools) with 4 convs and 2 pools,
    # so only convs[0], convs[1] run, and TopKPooling is applied once (at i==1).
    # The filtered edge_index after pooling is appended but never used downstream (dead code).
    src, dst = edge_index[0], edge_index[1]
    n = x.shape[0]
    h = jax.nn.relu(gcn_conv(x, src, dst, W0, b0, n))
    h = jax.nn.relu(gcn_conv(h, src, dst, W1, b1, n))
    # TopKPooling(ratio=0.5): score = tanh(x.w / ||w||), keep top ceil(0.5*n), gate by score
    score = jnp.tanh((h @ pool_w) / jnp.linalg.norm(pool_w))
    k = (n + 1) // 2
    top_score, perm = jax.lax.top_k(score, k)
    xp = h[perm] * top_score[:, None]
    bp = batch[perm]
    num_graphs = 1  # batch is all zeros (single graph)
    sums = jax.ops.segment_sum(xp, bp, num_segments=num_graphs)
    cnts = jax.ops.segment_sum(jnp.ones((k,), x.dtype), bp, num_segments=num_graphs)
    pooled = sums / jnp.maximum(cnts, 1.0)[:, None]
    out = pooled @ lin_w + lin_b
    return jax.nn.log_softmax(out, axis=1)

if __name__ == "__main__":
    import jax
    _d = setup_inputs()
    print(jax.jit(kernel)(*tuple(_d.values())))

</pallas_src>

<mosaic_0001>
#map = affine_map<(d0, d1) -> (0, 0)>
#map1 = affine_map<(d0, d1) -> (0, 0, 0)>
module attributes {stable_mosaic.version = 14 : i64} {
  func.func @_agg_body(%arg0: i32, %arg1: i32, %arg2: memref<10240x128xf32, #tpu.memory_space<hbm>>, %arg3: memref<10240x128xf32, #tpu.memory_space<hbm>>, %arg4: memref<80x25x80xi32, #tpu.memory_space<hbm>>, %arg5: memref<80x25x80xi32, #tpu.memory_space<hbm>>, %arg6: memref<10240x128xf32, #tpu.memory_space<hbm>>, %arg7: memref<10240x128xf32, #tpu.memory_space<hbm>>, %arg8: memref<25x80xi32, #tpu.memory_space<vmem>>, %arg9: memref<25x80xi32, #tpu.memory_space<vmem>>, %arg10: memref<80x128xf32, #tpu.memory_space<vmem>>, %arg11: memref<80x128xf32, #tpu.memory_space<vmem>>, %arg12: memref<!tpu.dma_semaphore, #tpu.memory_space<semaphore_mem>>, %arg13: memref<!tpu.dma_semaphore, #tpu.memory_space<semaphore_mem>>, %arg14: memref<10240x128xf32, #tpu.memory_space<vmem_shared>>) attributes {dimension_semantics = [#tpu.dimension_semantics<core_parallel>, #tpu.dimension_semantics<subcore_parallel>], iteration_bounds = array<i64: 2, 16>, scalar_prefetch = 0 : i64, scratch_operands = 7 : i64, tpu.core_type = #tpu.core_type<sc_vector_subcore>, window_params = [{transform_indices = #map}, {transform_indices = #map}, {transform_indices = #map1}, {transform_indices = #map1}, {transform_indices = #map}, {transform_indices = #map}]} {
    %eq3A = arith.constant 0 : i32
    %eq3A_0 = arith.cmpi eq, %arg0, %eq3A : i32
    %convert_element_type3A = arith.extui %eq3A_0 : i1 to i32
    %cond3A = arith.constant 0 : i32
    %cond3A_1 = arith.cmpi ne, %convert_element_type3A, %cond3A : i32
    scf.if %cond3A_1 {
      %mul3A = arith.constant 640 : i32
      %mul3A_7 = arith.muli %arg1, %mul3A : i32
      %mul3A_8 = arith.constant 640 : i32
      %mul3A_9 = arith.muli %arg1, %mul3A_8 : i32
      "tpu.region"() ({
        %run_scoped3A = tpu.sem_alloc : memref<!tpu.dma_semaphore, #tpu.memory_space<semaphore_mem>>
        %dma_start3A = arith.constant 0 : i32
        %dma_start3A_20 = tpu.memref_slice %arg14[%mul3A_9, %dma_start3A] : memref<10240x128xf32, #tpu.memory_space<vmem_shared>> -> memref<640x128xf32, #tpu.memory_space<vmem_shared>>
        %dma_start3A_21 = arith.constant 0 : i32
        %dma_start3A_22 = tpu.memref_slice %arg2[%mul3A_7, %dma_start3A_21] : memref<10240x128xf32, #tpu.memory_space<hbm>> -> memref<640x128xf32, #tpu.memory_space<hbm>>
        tpu.enqueue_dma source(%dma_start3A_22 : memref<640x128xf32, #tpu.memory_space<hbm>>) target(%dma_start3A_20 : memref<640x128xf32, #tpu.memory_space<vmem_shared>>) target_semaphore(%run_scoped3A : memref<!tpu.dma_semaphore, #tpu.memory_space<semaphore_mem>>)
        %dma_wait3A = arith.constant 0 : i32
        %dma_wait3A_23 = tpu.memref_slice %arg14[%mul3A_9, %dma_wait3A] : memref<10240x128xf32, #tpu.memory_space<vmem_shared>> -> memref<640x128xf32, #tpu.memory_space<vmem_shared>>
        %dma_wait3A_24 = arith.constant 0 : i32
        %dma_wait3A_25 = tpu.memref_slice %arg2[%mul3A_7, %dma_wait3A_24] : memref<10240x128xf32, #tpu.memory_space<hbm>> -> memref<640x128xf32, #tpu.memory_space<hbm>>
        tpu.wait_dma2 semaphore(%run_scoped3A : memref<!tpu.dma_semaphore, #tpu.memory_space<semaphore_mem>>) src(%dma_wait3A_25 : memref<640x128xf32, #tpu.memory_space<hbm>>) dst(%dma_wait3A_23 : memref<640x128xf32, #tpu.memory_space<vmem_shared>>)
        tpu.yield
      }) : () -> ()
      %barrier3A = arith.constant 0 : index
      tpu.barrier barrier_id(%barrier3A)
      %scan3A = arith.constant 0 : i32
      %scan3A_10 = arith.constant 0 : i32
      %scan3A_11 = arith.constant 5 : i32
      %scan3A_12 = arith.addi %scan3A_10, %scan3A_11 : i32
      %scan3A_13 = arith.constant 1 : i32
      scf.for %scan3A_20 = %scan3A_10 to %scan3A_12 step %scan3A_13  : i32 {
        %mul3A_21 = arith.constant 5 : i32
        %mul3A_22 = arith.muli %arg1, %mul3A_21 : i32
        %add3A = arith.addi %mul3A_22, %scan3A_20 : i32
        "tpu.region"() ({
          %run_scoped3A_43 = tpu.sem_alloc : memref<!tpu.dma_semaphore, #tpu.memory_space<semaphore_mem>>
          %dma_start3A_44 = arith.constant 0 : i32
          %dma_start3A_45 = arith.constant 0 : i32
          %dma_start3A_46 = tpu.memref_slice %arg4[%add3A, %dma_start3A_44, %dma_start3A_45] : memref<80x25x80xi32, #tpu.memory_space<hbm>> -> memref<1x25x80xi32, #tpu.memory_space<hbm>>
          %dma_start3A_47 = tpu.memref_squeeze %dma_start3A_46 : memref<1x25x80xi32, #tpu.memory_space<hbm>> -> memref<25x80xi32, #tpu.memory_space<hbm>>
          %dma_start3A_48 = arith.constant 0 : i32
          %dma_start3A_49 = arith.constant 0 : i32
          %dma_start3A_50 = tpu.memref_slice %arg4[%add3A, %dma_start3A_48, %dma_start3A_49] : memref<80x25x80xi32, #tpu.memory_space<hbm>> -> memref<1x25x80xi32, #tpu.memory_space<hbm>>
          %dma_start3A_51 = tpu.memref_squeeze %dma_start3A_50 : memref<1x25x80xi32, #tpu.memory_space<hbm>> -> memref<25x80xi32, #tpu.memory_space<hbm>>
          tpu.enqueue_dma source(%dma_start3A_51 : memref<25x80xi32, #tpu.memory_space<hbm>>) target(%arg8 : memref<25x80xi32, #tpu.memory_space<vmem>>) target_semaphore(%run_scoped3A_43 : memref<!tpu.dma_semaphore, #tpu.memory_space<semaphore_mem>>)
          %dma_wait3A_52 = arith.constant 0 : i32
          %dma_wait3A_53 = arith.constant 0 : i32
          %dma_wait3A_54 = tpu.memref_slice %arg4[%add3A, %dma_wait3A_52, %dma_wait3A_53] : memref<80x25x80xi32, #tpu.memory_space<hbm>> -> memref<1x25x80xi32, #tpu.memory_space<hbm>>
          %dma_wait3A_55 = tpu.memref_squeeze %dma_wait3A_54 : memref<1x25x80xi32, #tpu.memory_space<hbm>> -> memref<25x80xi32, #tpu.memory_space<hbm>>
          %dma_wait3A_56 = arith.constant 0 : i32
          %dma_wait3A_57 = arith.constant 0 : i32
          %dma_wait3A_58 = tpu.memref_slice %arg4[%add3A, %dma_wait3A_56, %dma_wait3A_57] : memref<80x25x80xi32, #tpu.memory_space<hbm>> -> memref<1x25x80xi32, #tpu.memory_space<hbm>>
          %dma_wait3A_59 = tpu.memref_squeeze %dma_wait3A_58 : memref<1x25x80xi32, #tpu.memory_space<hbm>> -> memref<25x80xi32, #tpu.memory_space<hbm>>
          tpu.wait_dma2 semaphore(%run_scoped3A_43 : memref<!tpu.dma_semaphore, #tpu.memory_space<semaphore_mem>>) src(%dma_wait3A_59 : memref<25x80xi32, #tpu.memory_space<hbm>>) dst(%arg8 : memref<25x80xi32, #tpu.memory_space<vmem>>)
          tpu.yield
        }) : () -> ()
        %mul3A_23 = arith.constant 5 : i32
        %mul3A_24 = arith.muli %arg1, %mul3A_23 : i32
        %add3A_25 = arith.addi %mul3A_24, %scan3A_20 : i32
        "tpu.region"() ({
          %run_scoped3A_43 = tpu.sem_alloc : memref<!tpu.dma_semaphore, #tpu.memory_space<semaphore_mem>>
          %dma_start3A_44 = arith.constant 0 : i32
          %dma_start3A_45 = arith.constant 0 : i32
          %dma_start3A_46 = tpu.memref_slice %arg5[%add3A_25, %dma_start3A_44, %dma_start3A_45] : memref<80x25x80xi32, #tpu.memory_space<hbm>> -> memref<1x25x80xi32, #tpu.memory_space<hbm>>
          %dma_start3A_47 = tpu.memref_squeeze %dma_start3A_46 : memref<1x25x80xi32, #tpu.memory_space<hbm>> -> memref<25x80xi32, #tpu.memory_space<hbm>>
          %dma_start3A_48 = arith.constant 0 : i32
          %dma_start3A_49 = arith.constant 0 : i32
          %dma_start3A_50 = tpu.memref_slice %arg5[%add3A_25, %dma_start3A_48, %dma_start3A_49] : memref<80x25x80xi32, #tpu.memory_space<hbm>> -> memref<1x25x80xi32, #tpu.memory_space<hbm>>
          %dma_start3A_51 = tpu.memref_squeeze %dma_start3A_50 : memref<1x25x80xi32, #tpu.memory_space<hbm>> -> memref<25x80xi32, #tpu.memory_space<hbm>>
          tpu.enqueue_dma source(%dma_start3A_51 : memref<25x80xi32, #tpu.memory_space<hbm>>) target(%arg9 : memref<25x80xi32, #tpu.memory_space<vmem>>) target_semaphore(%run_scoped3A_43 : memref<!tpu.dma_semaphore, #tpu.memory_space<semaphore_mem>>)
          %dma_wait3A_52 = arith.constant 0 : i32
          %dma_wait3A_53 = arith.constant 0 : i32
          %dma_wait3A_54 = tpu.memref_slice %arg5[%add3A_25, %dma_wait3A_52, %dma_wait3A_53] : memref<80x25x80xi32, #tpu.memory_space<hbm>> -> memref<1x25x80xi32, #tpu.memory_space<hbm>>
          %dma_wait3A_55 = tpu.memref_squeeze %dma_wait3A_54 : memref<1x25x80xi32, #tpu.memory_space<hbm>> -> memref<25x80xi32, #tpu.memory_space<hbm>>
          %dma_wait3A_56 = arith.constant 0 : i32
          %dma_wait3A_57 = arith.constant 0 : i32
          %dma_wait3A_58 = tpu.memref_slice %arg5[%add3A_25, %dma_wait3A_56, %dma_wait3A_57] : memref<80x25x80xi32, #tpu.memory_space<hbm>> -> memref<1x25x80xi32, #tpu.memory_space<hbm>>
          %dma_wait3A_59 = tpu.memref_squeeze %dma_wait3A_58 : memref<1x25x80xi32, #tpu.memory_space<hbm>> -> memref<25x80xi32, #tpu.memory_space<hbm>>
          tpu.wait_dma2 semaphore(%run_scoped3A_43 : memref<!tpu.dma_semaphore, #tpu.memory_space<semaphore_mem>>) src(%dma_wait3A_59 : memref<25x80xi32, #tpu.memory_space<hbm>>) dst(%arg9 : memref<25x80xi32, #tpu.memory_space<vmem>>)
          tpu.yield
        }) : () -> ()
        %dma_start3A = arith.constant 0 : i32
        %dma_start3A_26 = arith.constant 0 : i32
        %dma_start3A_27 = tpu.memref_slice %arg8[%dma_start3A, %dma_start3A_26] : memref<25x80xi32, #tpu.memory_space<vmem>> -> memref<1x80xi32, #tpu.memory_space<vmem>>
        %dma_start3A_28 = tpu.memref_squeeze %dma_start3A_27 : memref<1x80xi32, #tpu.memory_space<vmem>> -> memref<80xi32, #tpu.memory_space<vmem>>
        %dma_start3A_29 = arith.constant 0 : i32
        %dma_start3A_30 = arith.constant 0 : i32
        %dma_start3A_31 = tpu.memref_slice %arg2[%dma_start3A_29, %dma_start3A_30] : memref<10240x128xf32, #tpu.memory_space<hbm>> -> memref<10240x128xf32, #tpu.memory_space<hbm>>
        tpu.enqueue_indirect_dma source(%dma_start3A_31 : memref<10240x128xf32, #tpu.memory_space<hbm>>) target(%arg10 : memref<80x128xf32, #tpu.memory_space<vmem>>) offsets(%dma_start3A_28 : memref<80xi32, #tpu.memory_space<vmem>>) semaphore(%arg12 : memref<!tpu.dma_semaphore, #tpu.memory_space<semaphore_mem>>)
        %scan3A_32 = arith.constant 0 : i32
        %scan3A_33 = arith.constant 0 : i32
        %scan3A_34 = arith.constant 12 : i32
        %scan3A_35 = arith.addi %scan3A_33, %scan3A_34 : i32
        %scan3A_36 = arith.constant 1 : i32
        scf.for %scan3A_43 = %scan3A_33 to %scan3A_35 step %scan3A_36  : i32 {
          %mul3A_44 = arith.constant 2 : i32
          %mul3A_45 = arith.muli %mul3A_44, %scan3A_43 : i32
          %add3A_46 = arith.constant 1 : i32
          %add3A_47 = arith.addi %mul3A_45, %add3A_46 : i32
          %dma_start3A_48 = arith.constant 0 : i32
          %dma_start3A_49 = tpu.memref_slice %arg8[%add3A_47, %dma_start3A_48] : memref<25x80xi32, #tpu.memory_space<vmem>> -> memref<1x80xi32, #tpu.memory_space<vmem>>
          %dma_start3A_50 = tpu.memref_squeeze %dma_start3A_49 : memref<1x80xi32, #tpu.memory_space<vmem>> -> memref<80xi32, #tpu.memory_space<vmem>>
          %dma_start3A_51 = arith.constant 0 : i32
          %dma_start3A_52 = arith.constant 0 : i32
          %dma_start3A_53 = tpu.memref_slice %arg2[%dma_start3A_51, %dma_start3A_52] : memref<10240x128xf32, #tpu.memory_space<hbm>> -> memref<10240x128xf32, #tpu.memory_space<hbm>>
          tpu.enqueue_indirect_dma source(%dma_start3A_53 : memref<10240x128xf32, #tpu.memory_space<hbm>>) target(%arg11 : memref<80x128xf32, #tpu.memory_space<vmem>>) offsets(%dma_start3A_50 : memref<80xi32, #tpu.memory_space<vmem>>) semaphore(%arg13 : memref<!tpu.dma_semaphore, #tpu.memory_space<semaphore_mem>>)
          %dma_wait3A_54 = arith.constant 0 : i32
          %dma_wait3A_55 = arith.constant 0 : i32
          %dma_wait3A_56 = tpu.memref_slice %arg2[%dma_wait3A_54, %dma_wait3A_55] : memref<10240x128xf32, #tpu.memory_space<hbm>> -> memref<80x128xf32, #tpu.memory_space<hbm>>
          %dma_wait3A_57 = arith.constant 0 : i32
          %dma_wait3A_58 = arith.constant 0 : i32
          %dma_wait3A_59 = tpu.memref_slice %arg2[%dma_wait3A_57, %dma_wait3A_58] : memref<10240x128xf32, #tpu.memory_space<hbm>> -> memref<80x128xf32, #tpu.memory_space<hbm>>
          tpu.wait_dma2 semaphore(%arg12 : memref<!tpu.dma_semaphore, #tpu.memory_space<semaphore_mem>>) src(%dma_wait3A_59 : memref<80x128xf32, #tpu.memory_space<hbm>>) dst(%arg10 : memref<80x128xf32, #tpu.memory_space<vmem>>)
          "tpu.region"() ({
            %run_scoped3A_76 = tpu.sem_alloc : memref<!tpu.dma_semaphore, #tpu.memory_space<semaphore_mem>>
            %dma_start3A_77 = arith.constant 0 : i32
            %dma_start3A_78 = tpu.memref_slice %arg9[%mul3A_45, %dma_start3A_77] : memref<25x80xi32, #tpu.memory_space<vmem>> -> memref<1x80xi32, #tpu.memory_space<vmem>>
            %dma_start3A_79 = tpu.memref_squeeze %dma_start3A_78 : memref<1x80xi32, #tpu.memory_space<vmem>> -> memref<80xi32, #tpu.memory_space<vmem>>
            %dma_start3A_80 = arith.constant 0 : i32
            %dma_start3A_81 = arith.constant 0 : i32
            %dma_start3A_82 = tpu.memref_slice %arg14[%dma_start3A_80, %dma_start3A_81] : memref<10240x128xf32, #tpu.memory_space<vmem_shared>> -> memref<10240x128xf32, #tpu.memory_space<vmem_shared>>
            tpu.enqueue_indirect_dma source(%arg10 : memref<80x128xf32, #tpu.memory_space<vmem>>) target(%dma_start3A_82 : memref<10240x128xf32, #tpu.memory_space<vmem_shared>>) offsets(%dma_start3A_79 : memref<80xi32, #tpu.memory_space<vmem>>) semaphore(%run_scoped3A_76 : memref<!tpu.dma_semaphore, #tpu.memory_space<semaphore_mem>>) {add = true}
            %dma_wait3A_83 = arith.constant 0 : i32
            %dma_wait3A_84 = tpu.memref_slice %arg9[%mul3A_45, %dma_wait3A_83] : memref<25x80xi32, #tpu.memory_space<vmem>> -> memref<1x80xi32, #tpu.memory_space<vmem>>
            %dma_wait3A_85 = tpu.memref_squeeze %dma_wait3A_84 : memref<1x80xi32, #tpu.memory_space<vmem>> -> memref<80xi32, #tpu.memory_space<vmem>>
            %dma_wait3A_86 = arith.constant 0 : i32
            %dma_wait3A_87 = arith.constant 0 : i32
            %dma_wait3A_88 = tpu.memref_slice %arg14[%dma_wait3A_86, %dma_wait3A_87] : memref<10240x128xf32, #tpu.memory_space<vmem_shared>> -> memref<10240x128xf32, #tpu.memory_space<vmem_shared>>
            tpu.wait_indirect_dma semaphore(%run_scoped3A_76 : memref<!tpu.dma_semaphore, #tpu.memory_space<semaphore_mem>>) src(%arg10 : memref<80x128xf32, #tpu.memory_space<vmem>>) dst(%dma_wait3A_88 : memref<10240x128xf32, #tpu.memory_space<vmem_shared>>)
            tpu.yield
          }) : () -> ()
          %add3A_60 = arith.constant 2 : i32
          %add3A_61 = arith.addi %mul3A_45, %add3A_60 : i32
          %dma_start3A_62 = arith.constant 0 : i32
          %dma_start3A_63 = tpu.memref_slice %arg8[%add3A_61, %dma_start3A_62] : memref<25x80xi32, #tpu.memory_space<vmem>> -> memref<1x80xi32, #tpu.memory_space<vmem>>
          %dma_start3A_64 = tpu.memref_squeeze %dma_start3A_63 : memref<1x80xi32, #tpu.memory_space<vmem>> -> memref<80xi32, #tpu.memory_space<vmem>>
          %dma_start3A_65 = arith.constant 0 : i32
          %dma_start3A_66 = arith.constant 0 : i32
          %dma_start3A_67 = tpu.memref_slice %arg2[%dma_start3A_65, %dma_start3A_66] : memref<10240x128xf32, #tpu.memory_space<hbm>> -> memref<10240x128xf32, #tpu.memory_space<hbm>>
          tpu.enqueue_indirect_dma source(%dma_start3A_67 : memref<10240x128xf32, #tpu.memory_space<hbm>>) target(%arg10 : memref<80x128xf32, #tpu.memory_space<vmem>>) offsets(%dma_start3A_64 : memref<80xi32, #tpu.memory_space<vmem>>) semaphore(%arg12 : memref<!tpu.dma_semaphore, #tpu.memory_space<semaphore_mem>>)
          %dma_wait3A_68 = arith.constant 0 : i32
          %dma_wait3A_69 = arith.constant 0 : i32
          %dma_wait3A_70 = tpu.memref_slice %arg2[%dma_wait3A_68, %dma_wait3A_69] : memref<10240x128xf32, #tpu.memory_space<hbm>> -> memref<80x128xf32, #tpu.memory_space<hbm>>
          %dma_wait3A_71 = arith.constant 0 : i32
          %dma_wait3A_72 = arith.constant 0 : i32
          %dma_wait3A_73 = tpu.memref_slice %arg2[%dma_wait3A_71, %dma_wait3A_72] : memref<10240x128xf32, #tpu.memory_space<hbm>> -> memref<80x128xf32, #tpu.memory_space<hbm>>
          tpu.wait_dma2 semaphore(%arg13 : memref<!tpu.dma_semaphore, #tpu.memory_space<semaphore_mem>>) src(%dma_wait3A_73 : memref<80x128xf32, #tpu.memory_space<hbm>>) dst(%arg11 : memref<80x128xf32, #tpu.memory_space<vmem>>)
          %add3A_74 = arith.constant 1 : i32
          %add3A_75 = arith.addi %mul3A_45, %add3A_74 : i32
          "tpu.region"() ({
            %run_scoped3A_76 = tpu.sem_alloc : memref<!tpu.dma_semaphore, #tpu.memory_space<semaphore_mem>>
            %dma_start3A_77 = arith.constant 0 : i32
            %dma_start3A_78 = tpu.memref_slice %arg9[%add3A_75, %dma_start3A_77] : memref<25x80xi32, #tpu.memory_space<vmem>> -> memref<1x80xi32, #tpu.memory_space<vmem>>
            %dma_start3A_79 = tpu.memref_squeeze %dma_start3A_78 : memref<1x80xi32, #tpu.memory_space<vmem>> -> memref<80xi32, #tpu.memory_space<vmem>>
            %dma_start3A_80 = arith.constant 0 : i32
            %dma_start3A_81 = arith.constant 0 : i32
            %dma_start3A_82 = tpu.memref_slice %arg14[%dma_start3A_80, %dma_start3A_81] : memref<10240x128xf32, #tpu.memory_space<vmem_shared>> -> memref<10240x128xf32, #tpu.memory_space<vmem_shared>>
            tpu.enqueue_indirect_dma source(%arg11 : memref<80x128xf32, #tpu.memory_space<vmem>>) target(%dma_start3A_82 : memref<10240x128xf32, #tpu.memory_space<vmem_shared>>) offsets(%dma_start3A_79 : memref<80xi32, #tpu.memory_space<vmem>>) semaphore(%run_scoped3A_76 : memref<!tpu.dma_semaphore, #tpu.memory_space<semaphore_mem>>) {add = true}
            %dma_wait3A_83 = arith.constant 0 : i32
            %dma_wait3A_84 = tpu.memref_slice %arg9[%add3A_75, %dma_wait3A_83] : memref<25x80xi32, #tpu.memory_space<vmem>> -> memref<1x80xi32, #tpu.memory_space<vmem>>
            %dma_wait3A_85 = tpu.memref_squeeze %dma_wait3A_84 : memref<1x80xi32, #tpu.memory_space<vmem>> -> memref<80xi32, #tpu.memory_space<vmem>>
            %dma_wait3A_86 = arith.constant 0 : i32
            %dma_wait3A_87 = arith.constant 0 : i32
            %dma_wait3A_88 = tpu.memref_slice %arg14[%dma_wait3A_86, %dma_wait3A_87] : memref<10240x128xf32, #tpu.memory_space<vmem_shared>> -> memref<10240x128xf32, #tpu.memory_space<vmem_shared>>
            tpu.wait_indirect_dma semaphore(%run_scoped3A_76 : memref<!tpu.dma_semaphore, #tpu.memory_space<semaphore_mem>>) src(%arg11 : memref<80x128xf32, #tpu.memory_space<vmem>>) dst(%dma_wait3A_88 : memref<10240x128xf32, #tpu.memory_space<vmem_shared>>)
            tpu.yield
          }) : () -> ()
        }
        %scan3A_37 = arith.constant 12 : i32
        %dma_wait3A = arith.constant 0 : i32
        %dma_wait3A_38 = arith.constant 0 : i32
        %dma_wait3A_39 = tpu.memref_slice %arg2[%dma_wait3A, %dma_wait3A_38] : memref<10240x128xf32, #tpu.memory_space<hbm>> -> memref<80x128xf32, #tpu.memory_space<hbm>>
        %dma_wait3A_40 = arith.constant 0 : i32
        %dma_wait3A_41 = arith.constant 0 : i32
        %dma_wait3A_42 = tpu.memref_slice %arg2[%dma_wait3A_40, %dma_wait3A_41] : memref<10240x128xf32, #tpu.memory_space<hbm>> -> memref<80x128xf32, #tpu.memory_space<hbm>>
        tpu.wait_dma2 semaphore(%arg12 : memref<!tpu.dma_semaphore, #tpu.memory_space<semaphore_mem>>) src(%dma_wait3A_42 : memref<80x128xf32, #tpu.memory_space<hbm>>) dst(%arg10 : memref<80x128xf32, #tpu.memory_space<vmem>>)
        %run_scoped3A = arith.constant 24 : i32
        "tpu.region"() ({
          %run_scoped3A_43 = tpu.sem_alloc : memref<!tpu.dma_semaphore, #tpu.memory_space<semaphore_mem>>
          %dma_start3A_44 = arith.constant 0 : i32
          %dma_start3A_45 = tpu.memref_slice %arg9[%run_scoped3A, %dma_start3A_44] : memref<25x80xi32, #tpu.memory_space<vmem>> -> memref<1x80xi32, #tpu.memory_space<vmem>>
          %dma_start3A_46 = tpu.memref_squeeze %dma_start3A_45 : memref<1x80xi32, #tpu.memory_space<vmem>> -> memref<80xi32, #tpu.memory_space<vmem>>
          %dma_start3A_47 = arith.constant 0 : i32
          %dma_start3A_48 = arith.constant 0 : i32
          %dma_start3A_49 = tpu.memref_slice %arg14[%dma_start3A_47, %dma_start3A_48] : memref<10240x128xf32, #tpu.memory_space<vmem_shared>> -> memref<10240x128xf32, #tpu.memory_space<vmem_shared>>
          tpu.enqueue_indirect_dma source(%arg10 : memref<80x128xf32, #tpu.memory_space<vmem>>) target(%dma_start3A_49 : memref<10240x128xf32, #tpu.memory_space<vmem_shared>>) offsets(%dma_start3A_46 : memref<80xi32, #tpu.memory_space<vmem>>) semaphore(%run_scoped3A_43 : memref<!tpu.dma_semaphore, #tpu.memory_space<semaphore_mem>>) {add = true}
          %dma_wait3A_50 = arith.constant 0 : i32
          %dma_wait3A_51 = tpu.memref_slice %arg9[%run_scoped3A, %dma_wait3A_50] : memref<25x80xi32, #tpu.memory_space<vmem>> -> memref<1x80xi32, #tpu.memory_space<vmem>>
          %dma_wait3A_52 = tpu.memref_squeeze %dma_wait3A_51 : memref<1x80xi32, #tpu.memory_space<vmem>> -> memref<80xi32, #tpu.memory_space<vmem>>
          %dma_wait3A_53 = arith.constant 0 : i32
          %dma_wait3A_54 = arith.constant 0 : i32
          %dma_wait3A_55 = tpu.memref_slice %arg14[%dma_wait3A_53, %dma_wait3A_54] : memref<10240x128xf32, #tpu.memory_space<vmem_shared>> -> memref<10240x128xf32, #tpu.memory_space<vmem_shared>>
          tpu.wait_indirect_dma semaphore(%run_scoped3A_43 : memref<!tpu.dma_semaphore, #tpu.memory_space<semaphore_mem>>) src(%arg10 : memref<80x128xf32, #tpu.memory_space<vmem>>) dst(%dma_wait3A_55 : memref<10240x128xf32, #tpu.memory_space<vmem_shared>>)
          tpu.yield
        }) : () -> ()
      }
      %scan3A_14 = arith.constant 5 : i32
      %barrier3A_15 = arith.constant 0 : index
      tpu.barrier barrier_id(%barrier3A_15)
      %mul3A_16 = arith.constant 640 : i32
      %mul3A_17 = arith.muli %arg1, %mul3A_16 : i32
      %mul3A_18 = arith.constant 640 : i32
      %mul3A_19 = arith.muli %arg1, %mul3A_18 : i32
      "tpu.region"() ({
        %run_scoped3A = tpu.sem_alloc : memref<!tpu.dma_semaphore, #tpu.memory_space<semaphore_mem>>
        %dma_start3A = arith.constant 0 : i32
        %dma_start3A_20 = tpu.memref_slice %arg6[%mul3A_19, %dma_start3A] : memref<10240x128xf32, #tpu.memory_space<hbm>> -> memref<640x128xf32, #tpu.memory_space<hbm>>
        %dma_start3A_21 = arith.constant 0 : i32
        %dma_start3A_22 = tpu.memref_slice %arg14[%mul3A_17, %dma_start3A_21] : memref<10240x128xf32, #tpu.memory_space<vmem_shared>> -> memref<640x128xf32, #tpu.memory_space<vmem_shared>>
        tpu.enqueue_dma source(%dma_start3A_22 : memref<640x128xf32, #tpu.memory_space<vmem_shared>>) target(%dma_start3A_20 : memref<640x128xf32, #tpu.memory_space<hbm>>) target_semaphore(%run_scoped3A : memref<!tpu.dma_semaphore, #tpu.memory_space<semaphore_mem>>)
        %dma_wait3A = arith.constant 0 : i32
        %dma_wait3A_23 = tpu.memref_slice %arg6[%mul3A_19, %dma_wait3A] : memref<10240x128xf32, #tpu.memory_space<hbm>> -> memref<640x128xf32, #tpu.memory_space<hbm>>
        %dma_wait3A_24 = arith.constant 0 : i32
        %dma_wait3A_25 = tpu.memref_slice %arg14[%mul3A_17, %dma_wait3A_24] : memref<10240x128xf32, #tpu.memory_space<vmem_shared>> -> memref<640x128xf32, #tpu.memory_space<vmem_shared>>
        tpu.wait_dma2 semaphore(%run_scoped3A : memref<!tpu.dma_semaphore, #tpu.memory_space<semaphore_mem>>) src(%dma_wait3A_25 : memref<640x128xf32, #tpu.memory_space<vmem_shared>>) dst(%dma_wait3A_23 : memref<640x128xf32, #tpu.memory_space<hbm>>)
        tpu.yield
      }) : () -> ()
    } else {
    }
    %eq3A_2 = arith.constant 1 : i32
    %eq3A_3 = arith.cmpi eq, %arg0, %eq3A_2 : i32
    %convert_element_type3A_4 = arith.extui %eq3A_3 : i1 to i32
    %cond3A_5 = arith.constant 0 : i32
    %cond3A_6 = arith.cmpi ne, %convert_element_type3A_4, %cond3A_5 : i32
    scf.if %cond3A_6 {
      %mul3A = arith.constant 640 : i32
      %mul3A_7 = arith.muli %arg1, %mul3A : i32
      %mul3A_8 = arith.constant 640 : i32
      %mul3A_9 = arith.muli %arg1, %mul3A_8 : i32
      "tpu.region"() ({
        %run_scoped3A = tpu.sem_alloc : memref<!tpu.dma_semaphore, #tpu.memory_space<semaphore_mem>>
        %dma_start3A = arith.constant 0 : i32
        %dma_start3A_20 = tpu.memref_slice %arg14[%mul3A_9, %dma_start3A] : memref<10240x128xf32, #tpu.memory_space<vmem_shared>> -> memref<640x128xf32, #tpu.memory_space<vmem_shared>>
        %dma_start3A_21 = arith.constant 0 : i32
        %dma_start3A_22 = tpu.memref_slice %arg3[%mul3A_7, %dma_start3A_21] : memref<10240x128xf32, #tpu.memory_space<hbm>> -> memref<640x128xf32, #tpu.memory_space<hbm>>
        tpu.enqueue_dma source(%dma_start3A_22 : memref<640x128xf32, #tpu.memory_space<hbm>>) target(%dma_start3A_20 : memref<640x128xf32, #tpu.memory_space<vmem_shared>>) target_semaphore(%run_scoped3A : memref<!tpu.dma_semaphore, #tpu.memory_space<semaphore_mem>>)
        %dma_wait3A = arith.constant 0 : i32
        %dma_wait3A_23 = tpu.memref_slice %arg14[%mul3A_9, %dma_wait3A] : memref<10240x128xf32, #tpu.memory_space<vmem_shared>> -> memref<640x128xf32, #tpu.memory_space<vmem_shared>>
        %dma_wait3A_24 = arith.constant 0 : i32
        %dma_wait3A_25 = tpu.memref_slice %arg3[%mul3A_7, %dma_wait3A_24] : memref<10240x128xf32, #tpu.memory_space<hbm>> -> memref<640x128xf32, #tpu.memory_space<hbm>>
        tpu.wait_dma2 semaphore(%run_scoped3A : memref<!tpu.dma_semaphore, #tpu.memory_space<semaphore_mem>>) src(%dma_wait3A_25 : memref<640x128xf32, #tpu.memory_space<hbm>>) dst(%dma_wait3A_23 : memref<640x128xf32, #tpu.memory_space<vmem_shared>>)
        tpu.yield
      }) : () -> ()
      %barrier3A = arith.constant 0 : index
      tpu.barrier barrier_id(%barrier3A)
      %scan3A = arith.constant 0 : i32
      %scan3A_10 = arith.constant 0 : i32
      %scan3A_11 = arith.constant 5 : i32
      %scan3A_12 = arith.addi %scan3A_10, %scan3A_11 : i32
      %scan3A_13 = arith.constant 1 : i32
      scf.for %scan3A_20 = %scan3A_10 to %scan3A_12 step %scan3A_13  : i32 {
        %mul3A_21 = arith.constant 5 : i32
        %mul3A_22 = arith.muli %arg1, %mul3A_21 : i32
        %add3A = arith.addi %mul3A_22, %scan3A_20 : i32
        "tpu.region"() ({
          %run_scoped3A_43 = tpu.sem_alloc : memref<!tpu.dma_semaphore, #tpu.memory_space<semaphore_mem>>
          %dma_start3A_44 = arith.constant 0 : i32
          %dma_start3A_45 = arith.constant 0 : i32
          %dma_start3A_46 = tpu.memref_slice %arg4[%add3A, %dma_start3A_44, %dma_start3A_45] : memref<80x25x80xi32, #tpu.memory_space<hbm>> -> memref<1x25x80xi32, #tpu.memory_space<hbm>>
          %dma_start3A_47 = tpu.memref_squeeze %dma_start3A_46 : memref<1x25x80xi32, #tpu.memory_space<hbm>> -> memref<25x80xi32, #tpu.memory_space<hbm>>
          %dma_start3A_48 = arith.constant 0 : i32
          %dma_start3A_49 = arith.constant 0 : i32
          %dma_start3A_50 = tpu.memref_slice %arg4[%add3A, %dma_start3A_48, %dma_start3A_49] : memref<80x25x80xi32, #tpu.memory_space<hbm>> -> memref<1x25x80xi32, #tpu.memory_space<hbm>>
          %dma_start3A_51 = tpu.memref_squeeze %dma_start3A_50 : memref<1x25x80xi32, #tpu.memory_space<hbm>> -> memref<25x80xi32, #tpu.memory_space<hbm>>
          tpu.enqueue_dma source(%dma_start3A_51 : memref<25x80xi32, #tpu.memory_space<hbm>>) target(%arg8 : memref<25x80xi32, #tpu.memory_space<vmem>>) target_semaphore(%run_scoped3A_43 : memref<!tpu.dma_semaphore, #tpu.memory_space<semaphore_mem>>)
          %dma_wait3A_52 = arith.constant 0 : i32
          %dma_wait3A_53 = arith.constant 0 : i32
          %dma_wait3A_54 = tpu.memref_slice %arg4[%add3A, %dma_wait3A_52, %dma_wait3A_53] : memref<80x25x80xi32, #tpu.memory_space<hbm>> -> memref<1x25x80xi32, #tpu.memory_space<hbm>>
          %dma_wait3A_55 = tpu.memref_squeeze %dma_wait3A_54 : memref<1x25x80xi32, #tpu.memory_space<hbm>> -> memref<25x80xi32, #tpu.memory_space<hbm>>
          %dma_wait3A_56 = arith.constant 0 : i32
          %dma_wait3A_57 = arith.constant 0 : i32
          %dma_wait3A_58 = tpu.memref_slice %arg4[%add3A, %dma_wait3A_56, %dma_wait3A_57] : memref<80x25x80xi32, #tpu.memory_space<hbm>> -> memref<1x25x80xi32, #tpu.memory_space<hbm>>
          %dma_wait3A_59 = tpu.memref_squeeze %dma_wait3A_58 : memref<1x25x80xi32, #tpu.memory_space<hbm>> -> memref<25x80xi32, #tpu.memory_space<hbm>>
          tpu.wait_dma2 semaphore(%run_scoped3A_43 : memref<!tpu.dma_semaphore, #tpu.memory_space<semaphore_mem>>) src(%dma_wait3A_59 : memref<25x80xi32, #tpu.memory_space<hbm>>) dst(%arg8 : memref<25x80xi32, #tpu.memory_space<vmem>>)
          tpu.yield
        }) : () -> ()
        %mul3A_23 = arith.constant 5 : i32
        %mul3A_24 = arith.muli %arg1, %mul3A_23 : i32
        %add3A_25 = arith.addi %mul3A_24, %scan3A_20 : i32
        "tpu.region"() ({
          %run_scoped3A_43 = tpu.sem_alloc : memref<!tpu.dma_semaphore, #tpu.memory_space<semaphore_mem>>
          %dma_start3A_44 = arith.constant 0 : i32
          %dma_start3A_45 = arith.constant 0 : i32
          %dma_start3A_46 = tpu.memref_slice %arg5[%add3A_25, %dma_start3A_44, %dma_start3A_45] : memref<80x25x80xi32, #tpu.memory_space<hbm>> -> memref<1x25x80xi32, #tpu.memory_space<hbm>>
          %dma_start3A_47 = tpu.memref_squeeze %dma_start3A_46 : memref<1x25x80xi32, #tpu.memory_space<hbm>> -> memref<25x80xi32, #tpu.memory_space<hbm>>
          %dma_start3A_48 = arith.constant 0 : i32
          %dma_start3A_49 = arith.constant 0 : i32
          %dma_start3A_50 = tpu.memref_slice %arg5[%add3A_25, %dma_start3A_48, %dma_start3A_49] : memref<80x25x80xi32, #tpu.memory_space<hbm>> -> memref<1x25x80xi32, #tpu.memory_space<hbm>>
          %dma_start3A_51 = tpu.memref_squeeze %dma_start3A_50 : memref<1x25x80xi32, #tpu.memory_space<hbm>> -> memref<25x80xi32, #tpu.memory_space<hbm>>
          tpu.enqueue_dma source(%dma_start3A_51 : memref<25x80xi32, #tpu.memory_space<hbm>>) target(%arg9 : memref<25x80xi32, #tpu.memory_space<vmem>>) target_semaphore(%run_scoped3A_43 : memref<!tpu.dma_semaphore, #tpu.memory_space<semaphore_mem>>)
          %dma_wait3A_52 = arith.constant 0 : i32
          %dma_wait3A_53 = arith.constant 0 : i32
          %dma_wait3A_54 = tpu.memref_slice %arg5[%add3A_25, %dma_wait3A_52, %dma_wait3A_53] : memref<80x25x80xi32, #tpu.memory_space<hbm>> -> memref<1x25x80xi32, #tpu.memory_space<hbm>>
          %dma_wait3A_55 = tpu.memref_squeeze %dma_wait3A_54 : memref<1x25x80xi32, #tpu.memory_space<hbm>> -> memref<25x80xi32, #tpu.memory_space<hbm>>
          %dma_wait3A_56 = arith.constant 0 : i32
          %dma_wait3A_57 = arith.constant 0 : i32
          %dma_wait3A_58 = tpu.memref_slice %arg5[%add3A_25, %dma_wait3A_56, %dma_wait3A_57] : memref<80x25x80xi32, #tpu.memory_space<hbm>> -> memref<1x25x80xi32, #tpu.memory_space<hbm>>
          %dma_wait3A_59 = tpu.memref_squeeze %dma_wait3A_58 : memref<1x25x80xi32, #tpu.memory_space<hbm>> -> memref<25x80xi32, #tpu.memory_space<hbm>>
          tpu.wait_dma2 semaphore(%run_scoped3A_43 : memref<!tpu.dma_semaphore, #tpu.memory_space<semaphore_mem>>) src(%dma_wait3A_59 : memref<25x80xi32, #tpu.memory_space<hbm>>) dst(%arg9 : memref<25x80xi32, #tpu.memory_space<vmem>>)
          tpu.yield
        }) : () -> ()
        %dma_start3A = arith.constant 0 : i32
        %dma_start3A_26 = arith.constant 0 : i32
        %dma_start3A_27 = tpu.memref_slice %arg8[%dma_start3A, %dma_start3A_26] : memref<25x80xi32, #tpu.memory_space<vmem>> -> memref<1x80xi32, #tpu.memory_space<vmem>>
        %dma_start3A_28 = tpu.memref_squeeze %dma_start3A_27 : memref<1x80xi32, #tpu.memory_space<vmem>> -> memref<80xi32, #tpu.memory_space<vmem>>
        %dma_start3A_29 = arith.constant 0 : i32
        %dma_start3A_30 = arith.constant 0 : i32
        %dma_start3A_31 = tpu.memref_slice %arg3[%dma_start3A_29, %dma_start3A_30] : memref<10240x128xf32, #tpu.memory_space<hbm>> -> memref<10240x128xf32, #tpu.memory_space<hbm>>
        tpu.enqueue_indirect_dma source(%dma_start3A_31 : memref<10240x128xf32, #tpu.memory_space<hbm>>) target(%arg10 : memref<80x128xf32, #tpu.memory_space<vmem>>) offsets(%dma_start3A_28 : memref<80xi32, #tpu.memory_space<vmem>>) semaphore(%arg12 : memref<!tpu.dma_semaphore, #tpu.memory_space<semaphore_mem>>)
        %scan3A_32 = arith.constant 0 : i32
        %scan3A_33 = arith.constant 0 : i32
        %scan3A_34 = arith.constant 12 : i32
        %scan3A_35 = arith.addi %scan3A_33, %scan3A_34 : i32
        %scan3A_36 = arith.constant 1 : i32
        scf.for %scan3A_43 = %scan3A_33 to %scan3A_35 step %scan3A_36  : i32 {
          %mul3A_44 = arith.constant 2 : i32
          %mul3A_45 = arith.muli %mul3A_44, %scan3A_43 : i32
          %add3A_46 = arith.constant 1 : i32
          %add3A_47 = arith.addi %mul3A_45, %add3A_46 : i32
          %dma_start3A_48 = arith.constant 0 : i32
          %dma_start3A_49 = tpu.memref_slice %arg8[%add3A_47, %dma_start3A_48] : memref<25x80xi32, #tpu.memory_space<vmem>> -> memref<1x80xi32, #tpu.memory_space<vmem>>
          %dma_start3A_50 = tpu.memref_squeeze %dma_start3A_49 : memref<1x80xi32, #tpu.memory_space<vmem>> -> memref<80xi32, #tpu.memory_space<vmem>>
          %dma_start3A_51 = arith.constant 0 : i32
          %dma_start3A_52 = arith.constant 0 : i32
          %dma_start3A_53 = tpu.memref_slice %arg3[%dma_start3A_51, %dma_start3A_52] : memref<10240x128xf32, #tpu.memory_space<hbm>> -> memref<10240x128xf32, #tpu.memory_space<hbm>>
          tpu.enqueue_indirect_dma source(%dma_start3A_53 : memref<10240x128xf32, #tpu.memory_space<hbm>>) target(%arg11 : memref<80x128xf32, #tpu.memory_space<vmem>>) offsets(%dma_start3A_50 : memref<80xi32, #tpu.memory_space<vmem>>) semaphore(%arg13 : memref<!tpu.dma_semaphore, #tpu.memory_space<semaphore_mem>>)
          %dma_wait3A_54 = arith.constant 0 : i32
          %dma_wait3A_55 = arith.constant 0 : i32
          %dma_wait3A_56 = tpu.memref_slice %arg3[%dma_wait3A_54, %dma_wait3A_55] : memref<10240x128xf32, #tpu.memory_space<hbm>> -> memref<80x128xf32, #tpu.memory_space<hbm>>
          %dma_wait3A_57 = arith.constant 0 : i32
          %dma_wait3A_58 = arith.constant 0 : i32
          %dma_wait3A_59 = tpu.memref_slice %arg3[%dma_wait3A_57, %dma_wait3A_58] : memref<10240x128xf32, #tpu.memory_space<hbm>> -> memref<80x128xf32, #tpu.memory_space<hbm>>
          tpu.wait_dma2 semaphore(%arg12 : memref<!tpu.dma_semaphore, #tpu.memory_space<semaphore_mem>>) src(%dma_wait3A_59 : memref<80x128xf32, #tpu.memory_space<hbm>>) dst(%arg10 : memref<80x128xf32, #tpu.memory_space<vmem>>)
          "tpu.region"() ({
            %run_scoped3A_76 = tpu.sem_alloc : memref<!tpu.dma_semaphore, #tpu.memory_space<semaphore_mem>>
            %dma_start3A_77 = arith.constant 0 : i32
            %dma_start3A_78 = tpu.memref_slice %arg9[%mul3A_45, %dma_start3A_77] : memref<25x80xi32, #tpu.memory_space<vmem>> -> memref<1x80xi32, #tpu.memory_space<vmem>>
            %dma_start3A_79 = tpu.memref_squeeze %dma_start3A_78 : memref<1x80xi32, #tpu.memory_space<vmem>> -> memref<80xi32, #tpu.memory_space<vmem>>
            %dma_start3A_80 = arith.constant 0 : i32
            %dma_start3A_81 = arith.constant 0 : i32
            %dma_start3A_82 = tpu.memref_slice %arg14[%dma_start3A_80, %dma_start3A_81] : memref<10240x128xf32, #tpu.memory_space<vmem_shared>> -> memref<10240x128xf32, #tpu.memory_space<vmem_shared>>
            tpu.enqueue_indirect_dma source(%arg10 : memref<80x128xf32, #tpu.memory_space<vmem>>) target(%dma_start3A_82 : memref<10240x128xf32, #tpu.memory_space<vmem_shared>>) offsets(%dma_start3A_79 : memref<80xi32, #tpu.memory_space<vmem>>) semaphore(%run_scoped3A_76 : memref<!tpu.dma_semaphore, #tpu.memory_space<semaphore_mem>>) {add = true}
            %dma_wait3A_83 = arith.constant 0 : i32
            %dma_wait3A_84 = tpu.memref_slice %arg9[%mul3A_45, %dma_wait3A_83] : memref<25x80xi32, #tpu.memory_space<vmem>> -> memref<1x80xi32, #tpu.memory_space<vmem>>
            %dma_wait3A_85 = tpu.memref_squeeze %dma_wait3A_84 : memref<1x80xi32, #tpu.memory_space<vmem>> -> memref<80xi32, #tpu.memory_space<vmem>>
            %dma_wait3A_86 = arith.constant 0 : i32
            %dma_wait3A_87 = arith.constant 0 : i32
            %dma_wait3A_88 = tpu.memref_slice %arg14[%dma_wait3A_86, %dma_wait3A_87] : memref<10240x128xf32, #tpu.memory_space<vmem_shared>> -> memref<10240x128xf32, #tpu.memory_space<vmem_shared>>
            tpu.wait_indirect_dma semaphore(%run_scoped3A_76 : memref<!tpu.dma_semaphore, #tpu.memory_space<semaphore_mem>>) src(%arg10 : memref<80x128xf32, #tpu.memory_space<vmem>>) dst(%dma_wait3A_88 : memref<10240x128xf32, #tpu.memory_space<vmem_shared>>)
            tpu.yield
          }) : () -> ()
          %add3A_60 = arith.constant 2 : i32
          %add3A_61 = arith.addi %mul3A_45, %add3A_60 : i32
          %dma_start3A_62 = arith.constant 0 : i32
          %dma_start3A_63 = tpu.memref_slice %arg8[%add3A_61, %dma_start3A_62] : memref<25x80xi32, #tpu.memory_space<vmem>> -> memref<1x80xi32, #tpu.memory_space<vmem>>
          %dma_start3A_64 = tpu.memref_squeeze %dma_start3A_63 : memref<1x80xi32, #tpu.memory_space<vmem>> -> memref<80xi32, #tpu.memory_space<vmem>>
          %dma_start3A_65 = arith.constant 0 : i32
          %dma_start3A_66 = arith.constant 0 : i32
          %dma_start3A_67 = tpu.memref_slice %arg3[%dma_start3A_65, %dma_start3A_66] : memref<10240x128xf32, #tpu.memory_space<hbm>> -> memref<10240x128xf32, #tpu.memory_space<hbm>>
          tpu.enqueue_indirect_dma source(%dma_start3A_67 : memref<10240x128xf32, #tpu.memory_space<hbm>>) target(%arg10 : memref<80x128xf32, #tpu.memory_space<vmem>>) offsets(%dma_start3A_64 : memref<80xi32, #tpu.memory_space<vmem>>) semaphore(%arg12 : memref<!tpu.dma_semaphore, #tpu.memory_space<semaphore_mem>>)
          %dma_wait3A_68 = arith.constant 0 : i32
          %dma_wait3A_69 = arith.constant 0 : i32
          %dma_wait3A_70 = tpu.memref_slice %arg3[%dma_wait3A_68, %dma_wait3A_69] : memref<10240x128xf32, #tpu.memory_space<hbm>> -> memref<80x128xf32, #tpu.memory_space<hbm>>
          %dma_wait3A_71 = arith.constant 0 : i32
          %dma_wait3A_72 = arith.constant 0 : i32
          %dma_wait3A_73 = tpu.memref_slice %arg3[%dma_wait3A_71, %dma_wait3A_72] : memref<10240x128xf32, #tpu.memory_space<hbm>> -> memref<80x128xf32, #tpu.memory_space<hbm>>
          tpu.wait_dma2 semaphore(%arg13 : memref<!tpu.dma_semaphore, #tpu.memory_space<semaphore_mem>>) src(%dma_wait3A_73 : memref<80x128xf32, #tpu.memory_space<hbm>>) dst(%arg11 : memref<80x128xf32, #tpu.memory_space<vmem>>)
          %add3A_74 = arith.constant 1 : i32
          %add3A_75 = arith.addi %mul3A_45, %add3A_74 : i32
          "tpu.region"() ({
            %run_scoped3A_76 = tpu.sem_alloc : memref<!tpu.dma_semaphore, #tpu.memory_space<semaphore_mem>>
            %dma_start3A_77 = arith.constant 0 : i32
            %dma_start3A_78 = tpu.memref_slice %arg9[%add3A_75, %dma_start3A_77] : memref<25x80xi32, #tpu.memory_space<vmem>> -> memref<1x80xi32, #tpu.memory_space<vmem>>
            %dma_start3A_79 = tpu.memref_squeeze %dma_start3A_78 : memref<1x80xi32, #tpu.memory_space<vmem>> -> memref<80xi32, #tpu.memory_space<vmem>>
            %dma_start3A_80 = arith.constant 0 : i32
            %dma_start3A_81 = arith.constant 0 : i32
            %dma_start3A_82 = tpu.memref_slice %arg14[%dma_start3A_80, %dma_start3A_81] : memref<10240x128xf32, #tpu.memory_space<vmem_shared>> -> memref<10240x128xf32, #tpu.memory_space<vmem_shared>>
            tpu.enqueue_indirect_dma source(%arg11 : memref<80x128xf32, #tpu.memory_space<vmem>>) target(%dma_start3A_82 : memref<10240x128xf32, #tpu.memory_space<vmem_shared>>) offsets(%dma_start3A_79 : memref<80xi32, #tpu.memory_space<vmem>>) semaphore(%run_scoped3A_76 : memref<!tpu.dma_semaphore, #tpu.memory_space<semaphore_mem>>) {add = true}
            %dma_wait3A_83 = arith.constant 0 : i32
            %dma_wait3A_84 = tpu.memref_slice %arg9[%add3A_75, %dma_wait3A_83] : memref<25x80xi32, #tpu.memory_space<vmem>> -> memref<1x80xi32, #tpu.memory_space<vmem>>
            %dma_wait3A_85 = tpu.memref_squeeze %dma_wait3A_84 : memref<1x80xi32, #tpu.memory_space<vmem>> -> memref<80xi32, #tpu.memory_space<vmem>>
            %dma_wait3A_86 = arith.constant 0 : i32
            %dma_wait3A_87 = arith.constant 0 : i32
            %dma_wait3A_88 = tpu.memref_slice %arg14[%dma_wait3A_86, %dma_wait3A_87] : memref<10240x128xf32, #tpu.memory_space<vmem_shared>> -> memref<10240x128xf32, #tpu.memory_space<vmem_shared>>
            tpu.wait_indirect_dma semaphore(%run_scoped3A_76 : memref<!tpu.dma_semaphore, #tpu.memory_space<semaphore_mem>>) src(%arg11 : memref<80x128xf32, #tpu.memory_space<vmem>>) dst(%dma_wait3A_88 : memref<10240x128xf32, #tpu.memory_space<vmem_shared>>)
            tpu.yield
          }) : () -> ()
        }
        %scan3A_37 = arith.constant 12 : i32
        %dma_wait3A = arith.constant 0 : i32
        %dma_wait3A_38 = arith.constant 0 : i32
        %dma_wait3A_39 = tpu.memref_slice %arg3[%dma_wait3A, %dma_wait3A_38] : memref<10240x128xf32, #tpu.memory_space<hbm>> -> memref<80x128xf32, #tpu.memory_space<hbm>>
        %dma_wait3A_40 = arith.constant 0 : i32
        %dma_wait3A_41 = arith.constant 0 : i32
        %dma_wait3A_42 = tpu.memref_slice %arg3[%dma_wait3A_40, %dma_wait3A_41] : memref<10240x128xf32, #tpu.memory_space<hbm>> -> memref<80x128xf32, #tpu.memory_space<hbm>>
        tpu.wait_dma2 semaphore(%arg12 : memref<!tpu.dma_semaphore, #tpu.memory_space<semaphore_mem>>) src(%dma_wait3A_42 : memref<80x128xf32, #tpu.memory_space<hbm>>) dst(%arg10 : memref<80x128xf32, #tpu.memory_space<vmem>>)
        %run_scoped3A = arith.constant 24 : i32
        "tpu.region"() ({
          %run_scoped3A_43 = tpu.sem_alloc : memref<!tpu.dma_semaphore, #tpu.memory_space<semaphore_mem>>
          %dma_start3A_44 = arith.constant 0 : i32
          %dma_start3A_45 = tpu.memref_slice %arg9[%run_scoped3A, %dma_start3A_44] : memref<25x80xi32, #tpu.memory_space<vmem>> -> memref<1x80xi32, #tpu.memory_space<vmem>>
          %dma_start3A_46 = tpu.memref_squeeze %dma_start3A_45 : memref<1x80xi32, #tpu.memory_space<vmem>> -> memref<80xi32, #tpu.memory_space<vmem>>
          %dma_start3A_47 = arith.constant 0 : i32
          %dma_start3A_48 = arith.constant 0 : i32
          %dma_start3A_49 = tpu.memref_slice %arg14[%dma_start3A_47, %dma_start3A_48] : memref<10240x128xf32, #tpu.memory_space<vmem_shared>> -> memref<10240x128xf32, #tpu.memory_space<vmem_shared>>
          tpu.enqueue_indirect_dma source(%arg10 : memref<80x128xf32, #tpu.memory_space<vmem>>) target(%dma_start3A_49 : memref<10240x128xf32, #tpu.memory_space<vmem_shared>>) offsets(%dma_start3A_46 : memref<80xi32, #tpu.memory_space<vmem>>) semaphore(%run_scoped3A_43 : memref<!tpu.dma_semaphore, #tpu.memory_space<semaphore_mem>>) {add = true}
          %dma_wait3A_50 = arith.constant 0 : i32
          %dma_wait3A_51 = tpu.memref_slice %arg9[%run_scoped3A, %dma_wait3A_50] : memref<25x80xi32, #tpu.memory_space<vmem>> -> memref<1x80xi32, #tpu.memory_space<vmem>>
          %dma_wait3A_52 = tpu.memref_squeeze %dma_wait3A_51 : memref<1x80xi32, #tpu.memory_space<vmem>> -> memref<80xi32, #tpu.memory_space<vmem>>
          %dma_wait3A_53 = arith.constant 0 : i32
          %dma_wait3A_54 = arith.constant 0 : i32
          %dma_wait3A_55 = tpu.memref_slice %arg14[%dma_wait3A_53, %dma_wait3A_54] : memref<10240x128xf32, #tpu.memory_space<vmem_shared>> -> memref<10240x128xf32, #tpu.memory_space<vmem_shared>>
          tpu.wait_indirect_dma semaphore(%run_scoped3A_43 : memref<!tpu.dma_semaphore, #tpu.memory_space<semaphore_mem>>) src(%arg10 : memref<80x128xf32, #tpu.memory_space<vmem>>) dst(%dma_wait3A_55 : memref<10240x128xf32, #tpu.memory_space<vmem_shared>>)
          tpu.yield
        }) : () -> ()
      }
      %scan3A_14 = arith.constant 5 : i32
      %barrier3A_15 = arith.constant 0 : index
      tpu.barrier barrier_id(%barrier3A_15)
      %mul3A_16 = arith.constant 640 : i32
      %mul3A_17 = arith.muli %arg1, %mul3A_16 : i32
      %mul3A_18 = arith.constant 640 : i32
      %mul3A_19 = arith.muli %arg1, %mul3A_18 : i32
      "tpu.region"() ({
        %run_scoped3A = tpu.sem_alloc : memref<!tpu.dma_semaphore, #tpu.memory_space<semaphore_mem>>
        %dma_start3A = arith.constant 0 : i32
        %dma_start3A_20 = tpu.memref_slice %arg7[%mul3A_19, %dma_start3A] : memref<10240x128xf32, #tpu.memory_space<hbm>> -> memref<640x128xf32, #tpu.memory_space<hbm>>
        %dma_start3A_21 = arith.constant 0 : i32
        %dma_start3A_22 = tpu.memref_slice %arg14[%mul3A_17, %dma_start3A_21] : memref<10240x128xf32, #tpu.memory_space<vmem_shared>> -> memref<640x128xf32, #tpu.memory_space<vmem_shared>>
        tpu.enqueue_dma source(%dma_start3A_22 : memref<640x128xf32, #tpu.memory_space<vmem_shared>>) target(%dma_start3A_20 : memref<640x128xf32, #tpu.memory_space<hbm>>) target_semaphore(%run_scoped3A : memref<!tpu.dma_semaphore, #tpu.memory_space<semaphore_mem>>)
        %dma_wait3A = arith.constant 0 : i32
        %dma_wait3A_23 = tpu.memref_slice %arg7[%mul3A_19, %dma_wait3A] : memref<10240x128xf32, #tpu.memory_space<hbm>> -> memref<640x128xf32, #tpu.memory_space<hbm>>
        %dma_wait3A_24 = arith.constant 0 : i32
        %dma_wait3A_25 = tpu.memref_slice %arg14[%mul3A_17, %dma_wait3A_24] : memref<10240x128xf32, #tpu.memory_space<vmem_shared>> -> memref<640x128xf32, #tpu.memory_space<vmem_shared>>
        tpu.wait_dma2 semaphore(%run_scoped3A : memref<!tpu.dma_semaphore, #tpu.memory_space<semaphore_mem>>) src(%dma_wait3A_25 : memref<640x128xf32, #tpu.memory_space<vmem_shared>>) dst(%dma_wait3A_23 : memref<640x128xf32, #tpu.memory_space<hbm>>)
        tpu.yield
      }) : () -> ()
    } else {
    }
    return
  }
}

#map = affine_map<(d0, d1) -> (0, 0, 0)>
#map1 = affine_map<(d0, d1) -> (0, 0)>
module attributes {stable_mosaic.version = 14 : i64} {
  func.func @_deg_body(%arg0: i32, %arg1: i32, %arg2: memref<32x63x80xi32, #tpu.memory_space<hbm>>, %arg3: memref<80x128xf32, #tpu.memory_space<hbm>>, %arg4: memref<640x128xf32, #tpu.memory_space<hbm>>, %arg5: memref<10240x128xf32, #tpu.memory_space<hbm>>, %arg6: memref<10240x128xf32, #tpu.memory_space<hbm>>, %arg7: memref<63x80xi32, #tpu.memory_space<vmem>>, %arg8: memref<80x128xf32, #tpu.memory_space<vmem>>, %arg9: memref<!tpu.dma_semaphore, #tpu.memory_space<semaphore_mem>>, %arg10: memref<10240x128xf32, #tpu.memory_space<vmem_shared>>) attributes {dimension_semantics = [#tpu.dimension_semantics<core_parallel>, #tpu.dimension_semantics<subcore_parallel>], iteration_bounds = array<i64: 2, 16>, scalar_prefetch = 0 : i64, scratch_operands = 4 : i64, tpu.core_type = #tpu.core_type<sc_vector_subcore>, window_params = [{transform_indices = #map}, {transform_indices = #map1}, {transform_indices = #map1}, {transform_indices = #map1}, {transform_indices = #map1}]} {
    %mul3A = arith.constant 16 : i32
    %mul3A_0 = arith.muli %arg0, %mul3A : i32
    %add3A = arith.addi %mul3A_0, %arg1 : i32
    "tpu.region"() ({
      %run_scoped3A = tpu.sem_alloc : memref<!tpu.dma_semaphore, #tpu.memory_space<semaphore_mem>>
      %dma_start3A = arith.constant 0 : i32
      %dma_start3A_22 = arith.constant 0 : i32
      %dma_start3A_23 = tpu.memref_slice %arg2[%add3A, %dma_start3A, %dma_start3A_22] : memref<32x63x80xi32, #tpu.memory_space<hbm>> -> memref<1x63x80xi32, #tpu.memory_space<hbm>>
      %dma_start3A_24 = tpu.memref_squeeze %dma_start3A_23 : memref<1x63x80xi32, #tpu.memory_space<hbm>> -> memref<63x80xi32, #tpu.memory_space<hbm>>
      %dma_start3A_25 = arith.constant 0 : i32
      %dma_start3A_26 = arith.constant 0 : i32
      %dma_start3A_27 = tpu.memref_slice %arg2[%add3A, %dma_start3A_25, %dma_start3A_26] : memref<32x63x80xi32, #tpu.memory_space<hbm>> -> memref<1x63x80xi32, #tpu.memory_space<hbm>>
      %dma_start3A_28 = tpu.memref_squeeze %dma_start3A_27 : memref<1x63x80xi32, #tpu.memory_space<hbm>> -> memref<63x80xi32, #tpu.memory_space<hbm>>
      tpu.enqueue_dma source(%dma_start3A_28 : memref<63x80xi32, #tpu.memory_space<hbm>>) target(%arg7 : memref<63x80xi32, #tpu.memory_space<vmem>>) target_semaphore(%run_scoped3A : memref<!tpu.dma_semaphore, #tpu.memory_space<semaphore_mem>>)
      %dma_wait3A = arith.constant 0 : i32
      %dma_wait3A_29 = arith.constant 0 : i32
      %dma_wait3A_30 = tpu.memref_slice %arg2[%add3A, %dma_wait3A, %dma_wait3A_29] : memref<32x63x80xi32, #tpu.memory_space<hbm>> -> memref<1x63x80xi32, #tpu.memory_space<hbm>>
      %dma_wait3A_31 = tpu.memref_squeeze %dma_wait3A_30 : memref<1x63x80xi32, #tpu.memory_space<hbm>> -> memref<63x80xi32, #tpu.memory_space<hbm>>
      %dma_wait3A_32 = arith.constant 0 : i32
      %dma_wait3A_33 = arith.constant 0 : i32
      %dma_wait3A_34 = tpu.memref_slice %arg2[%add3A, %dma_wait3A_32, %dma_wait3A_33] : memref<32x63x80xi32, #tpu.memory_space<hbm>> -> memref<1x63x80xi32, #tpu.memory_space<hbm>>
      %dma_wait3A_35 = tpu.memref_squeeze %dma_wait3A_34 : memref<1x63x80xi32, #tpu.memory_space<hbm>> -> memref<63x80xi32, #tpu.memory_space<hbm>>
      tpu.wait_dma2 semaphore(%run_scoped3A : memref<!tpu.dma_semaphore, #tpu.memory_space<semaphore_mem>>) src(%dma_wait3A_35 : memref<63x80xi32, #tpu.memory_space<hbm>>) dst(%arg7 : memref<63x80xi32, #tpu.memory_space<vmem>>)
      tpu.yield
    }) : () -> ()
    "tpu.region"() ({
      %run_scoped3A = tpu.sem_alloc : memref<!tpu.dma_semaphore, #tpu.memory_space<semaphore_mem>>
      tpu.enqueue_dma source(%arg3 : memref<80x128xf32, #tpu.memory_space<hbm>>) target(%arg8 : memref<80x128xf32, #tpu.memory_space<vmem>>) target_semaphore(%run_scoped3A : memref<!tpu.dma_semaphore, #tpu.memory_space<semaphore_mem>>)
      tpu.wait_dma2 semaphore(%run_scoped3A : memref<!tpu.dma_semaphore, #tpu.memory_space<semaphore_mem>>) src(%arg3 : memref<80x128xf32, #tpu.memory_space<hbm>>) dst(%arg8 : memref<80x128xf32, #tpu.memory_space<vmem>>)
      tpu.yield
    }) : () -> ()
    %mul3A_1 = arith.constant 640 : i32
    %mul3A_2 = arith.muli %arg1, %mul3A_1 : i32
    "tpu.region"() ({
      %run_scoped3A = tpu.sem_alloc : memref<!tpu.dma_semaphore, #tpu.memory_space<semaphore_mem>>
      %dma_start3A = arith.constant 0 : i32
      %dma_start3A_22 = tpu.memref_slice %arg10[%mul3A_2, %dma_start3A] : memref<10240x128xf32, #tpu.memory_space<vmem_shared>> -> memref<640x128xf32, #tpu.memory_space<vmem_shared>>
      tpu.enqueue_dma source(%arg4 : memref<640x128xf32, #tpu.memory_space<hbm>>) target(%dma_start3A_22 : memref<640x128xf32, #tpu.memory_space<vmem_shared>>) target_semaphore(%run_scoped3A : memref<!tpu.dma_semaphore, #tpu.memory_space<semaphore_mem>>)
      %dma_wait3A = arith.constant 0 : i32
      %dma_wait3A_23 = tpu.memref_slice %arg10[%mul3A_2, %dma_wait3A] : memref<10240x128xf32, #tpu.memory_space<vmem_shared>> -> memref<640x128xf32, #tpu.memory_space<vmem_shared>>
      tpu.wait_dma2 semaphore(%run_scoped3A : memref<!tpu.dma_semaphore, #tpu.memory_space<semaphore_mem>>) src(%arg4 : memref<640x128xf32, #tpu.memory_space<hbm>>) dst(%dma_wait3A_23 : memref<640x128xf32, #tpu.memory_space<vmem_shared>>)
      tpu.yield
    }) : () -> ()
    %barrier3A = arith.constant 0 : index
    tpu.barrier barrier_id(%barrier3A)
    %scan3A = arith.constant 0 : i32
    %scan3A_3 = arith.constant 0 : i32
    %scan3A_4 = arith.constant 63 : i32
    %scan3A_5 = arith.addi %scan3A_3, %scan3A_4 : i32
    %scan3A_6 = arith.constant 1 : i32
    scf.for %scan3A_22 = %scan3A_3 to %scan3A_5 step %scan3A_6  : i32 {
      %dma_start3A = arith.constant 0 : i32
      %dma_start3A_23 = tpu.memref_slice %arg7[%scan3A_22, %dma_start3A] : memref<63x80xi32, #tpu.memory_space<vmem>> -> memref<1x80xi32, #tpu.memory_space<vmem>>
      %dma_start3A_24 = tpu.memref_squeeze %dma_start3A_23 : memref<1x80xi32, #tpu.memory_space<vmem>> -> memref<80xi32, #tpu.memory_space<vmem>>
      %dma_start3A_25 = arith.constant 0 : i32
      %dma_start3A_26 = arith.constant 0 : i32
      %dma_start3A_27 = tpu.memref_slice %arg10[%dma_start3A_25, %dma_start3A_26] : memref<10240x128xf32, #tpu.memory_space<vmem_shared>> -> memref<10240x128xf32, #tpu.memory_space<vmem_shared>>
      tpu.enqueue_indirect_dma source(%arg8 : memref<80x128xf32, #tpu.memory_space<vmem>>) target(%dma_start3A_27 : memref<10240x128xf32, #tpu.memory_space<vmem_shared>>) offsets(%dma_start3A_24 : memref<80xi32, #tpu.memory_space<vmem>>) semaphore(%arg9 : memref<!tpu.dma_semaphore, #tpu.memory_space<semaphore_mem>>) {add = true}
      %ge3A = arith.constant 8 : i32
      %ge3A_28 = arith.cmpi sge, %scan3A_22, %ge3A : i32
      %convert_element_type3A_29 = arith.extui %ge3A_28 : i1 to i32
      %cond3A_30 = arith.constant 0 : i32
      %cond3A_31 = arith.cmpi ne, %convert_element_type3A_29, %cond3A_30 : i32
      scf.if %cond3A_31 {
        %sub3A = arith.constant 8 : i32
        %sub3A_32 = arith.subi %scan3A_22, %sub3A : i32
        %dma_wait3A = arith.constant 0 : i32
        %dma_wait3A_33 = tpu.memref_slice %arg7[%sub3A_32, %dma_wait3A] : memref<63x80xi32, #tpu.memory_space<vmem>> -> memref<1x80xi32, #tpu.memory_space<vmem>>
        %dma_wait3A_34 = tpu.memref_squeeze %dma_wait3A_33 : memref<1x80xi32, #tpu.memory_space<vmem>> -> memref<80xi32, #tpu.memory_space<vmem>>
        %dma_wait3A_35 = arith.constant 0 : i32
        %dma_wait3A_36 = arith.constant 0 : i32
        %dma_wait3A_37 = tpu.memref_slice %arg10[%dma_wait3A_35, %dma_wait3A_36] : memref<10240x128xf32, #tpu.memory_space<vmem_shared>> -> memref<10240x128xf32, #tpu.memory_space<vmem_shared>>
        tpu.wait_indirect_dma semaphore(%arg9 : memref<!tpu.dma_semaphore, #tpu.memory_space<semaphore_mem>>) src(%arg8 : memref<80x128xf32, #tpu.memory_space<vmem>>) dst(%dma_wait3A_37 : memref<10240x128xf32, #tpu.memory_space<vmem_shared>>)
      } else {
      }
    }
    %scan3A_7 = arith.constant 63 : i32
    %scan3A_8 = arith.constant 0 : i32
    %scan3A_9 = arith.constant 0 : i32
    %scan3A_10 = arith.constant 8 : i32
    %scan3A_11 = arith.addi %scan3A_9, %scan3A_10 : i32
    %scan3A_12 = arith.constant 1 : i32
    scf.for %scan3A_22 = %scan3A_9 to %scan3A_11 step %scan3A_12  : i32 {
      %dma_wait3A = arith.constant 0 : i32
      %dma_wait3A_23 = tpu.memref_slice %arg7[%scan3A_22, %dma_wait3A] : memref<63x80xi32, #tpu.memory_space<vmem>> -> memref<1x80xi32, #tpu.memory_space<vmem>>
      %dma_wait3A_24 = tpu.memref_squeeze %dma_wait3A_23 : memref<1x80xi32, #tpu.memory_space<vmem>> -> memref<80xi32, #tpu.memory_space<vmem>>
      %dma_wait3A_25 = arith.constant 0 : i32
      %dma_wait3A_26 = arith.constant 0 : i32
      %dma_wait3A_27 = tpu.memref_slice %arg10[%dma_wait3A_25, %dma_wait3A_26] : memref<10240x128xf32, #tpu.memory_space<vmem_shared>> -> memref<10240x128xf32, #tpu.memory_space<vmem_shared>>
      tpu.wait_indirect_dma semaphore(%arg9 : memref<!tpu.dma_semaphore, #tpu.memory_space<semaphore_mem>>) src(%arg8 : memref<80x128xf32, #tpu.memory_space<vmem>>) dst(%dma_wait3A_27 : memref<10240x128xf32, #tpu.memory_space<vmem_shared>>)
    }
    %scan3A_13 = arith.constant 8 : i32
    %barrier3A_14 = arith.constant 0 : index
    tpu.barrier barrier_id(%barrier3A_14)
    %eq3A = arith.constant 0 : i32
    %eq3A_15 = arith.cmpi eq, %arg0, %eq3A : i32
    %convert_element_type3A = arith.extui %eq3A_15 : i1 to i32
    %cond3A = arith.constant 0 : i32
    %cond3A_16 = arith.cmpi ne, %convert_element_type3A, %cond3A : i32
    scf.if %cond3A_16 {
      %mul3A_22 = arith.constant 640 : i32
      %mul3A_23 = arith.muli %arg1, %mul3A_22 : i32
      %mul3A_24 = arith.constant 640 : i32
      %mul3A_25 = arith.muli %arg1, %mul3A_24 : i32
      "tpu.region"() ({
        %run_scoped3A = tpu.sem_alloc : memref<!tpu.dma_semaphore, #tpu.memory_space<semaphore_mem>>
        %dma_start3A = arith.constant 0 : i32
        %dma_start3A_26 = tpu.memref_slice %arg5[%mul3A_25, %dma_start3A] : memref<10240x128xf32, #tpu.memory_space<hbm>> -> memref<640x128xf32, #tpu.memory_space<hbm>>
        %dma_start3A_27 = arith.constant 0 : i32
        %dma_start3A_28 = tpu.memref_slice %arg10[%mul3A_23, %dma_start3A_27] : memref<10240x128xf32, #tpu.memory_space<vmem_shared>> -> memref<640x128xf32, #tpu.memory_space<vmem_shared>>
        tpu.enqueue_dma source(%dma_start3A_28 : memref<640x128xf32, #tpu.memory_space<vmem_shared>>) target(%dma_start3A_26 : memref<640x128xf32, #tpu.memory_space<hbm>>) target_semaphore(%run_scoped3A : memref<!tpu.dma_semaphore, #tpu.memory_space<semaphore_mem>>)
        %dma_wait3A = arith.constant 0 : i32
        %dma_wait3A_29 = tpu.memref_slice %arg5[%mul3A_25, %dma_wait3A] : memref<10240x128xf32, #tpu.memory_space<hbm>> -> memref<640x128xf32, #tpu.memory_space<hbm>>
        %dma_wait3A_30 = arith.constant 0 : i32
        %dma_wait3A_31 = tpu.memref_slice %arg10[%mul3A_23, %dma_wait3A_30] : memref<10240x128xf32, #tpu.memory_space<vmem_shared>> -> memref<640x128xf32, #tpu.memory_space<vmem_shared>>
        tpu.wait_dma2 semaphore(%run_scoped3A : memref<!tpu.dma_semaphore, #tpu.memory_space<semaphore_mem>>) src(%dma_wait3A_31 : memref<640x128xf32, #tpu.memory_space<vmem_shared>>) dst(%dma_wait3A_29 : memref<640x128xf32, #tpu.memory_space<hbm>>)
        tpu.yield
      }) : () -> ()
    } else {
    }
    %eq3A_17 = arith.constant 1 : i32
    %eq3A_18 = arith.cmpi eq, %arg0, %eq3A_17 : i32
    %convert_element_type3A_19 = arith.extui %eq3A_18 : i1 to i32
    %cond3A_20 = arith.constant 0 : i32
    %cond3A_21 = arith.cmpi ne, %convert_element_type3A_19, %cond3A_20 : i32
    scf.if %cond3A_21 {
      %mul3A_22 = arith.constant 640 : i32
      %mul3A_23 = arith.muli %arg1, %mul3A_22 : i32
      %mul3A_24 = arith.constant 640 : i32
      %mul3A_25 = arith.muli %arg1, %mul3A_24 : i32
      "tpu.region"() ({
        %run_scoped3A = tpu.sem_alloc : memref<!tpu.dma_semaphore, #tpu.memory_space<semaphore_mem>>
        %dma_start3A = arith.constant 0 : i32
        %dma_start3A_26 = tpu.memref_slice %arg6[%mul3A_25, %dma_start3A] : memref<10240x128xf32, #tpu.memory_space<hbm>> -> memref<640x128xf32, #tpu.memory_space<hbm>>
        %dma_start3A_27 = arith.constant 0 : i32
        %dma_start3A_28 = tpu.memref_slice %arg10[%mul3A_23, %dma_start3A_27] : memref<10240x128xf32, #tpu.memory_space<vmem_shared>> -> memref<640x128xf32, #tpu.memory_space<vmem_shared>>
        tpu.enqueue_dma source(%dma_start3A_28 : memref<640x128xf32, #tpu.memory_space<vmem_shared>>) target(%dma_start3A_26 : memref<640x128xf32, #tpu.memory_space<hbm>>) target_semaphore(%run_scoped3A : memref<!tpu.dma_semaphore, #tpu.memory_space<semaphore_mem>>)
        %dma_wait3A = arith.constant 0 : i32
        %dma_wait3A_29 = tpu.memref_slice %arg6[%mul3A_25, %dma_wait3A] : memref<10240x128xf32, #tpu.memory_space<hbm>> -> memref<640x128xf32, #tpu.memory_space<hbm>>
        %dma_wait3A_30 = arith.constant 0 : i32
        %dma_wait3A_31 = tpu.memref_slice %arg10[%mul3A_23, %dma_wait3A_30] : memref<10240x128xf32, #tpu.memory_space<vmem_shared>> -> memref<640x128xf32, #tpu.memory_space<vmem_shared>>
        tpu.wait_dma2 semaphore(%run_scoped3A : memref<!tpu.dma_semaphore, #tpu.memory_space<semaphore_mem>>) src(%dma_wait3A_31 : memref<640x128xf32, #tpu.memory_space<vmem_shared>>) dst(%dma_wait3A_29 : memref<640x128xf32, #tpu.memory_space<hbm>>)
        tpu.yield
      }) : () -> ()
    } else {
    }
    return
  }
}

#map = affine_map<(d0, d1) -> (0, 0)>
#map1 = affine_map<(d0, d1) -> (0, 0, 0)>
module attributes {stable_mosaic.version = 14 : i64} {
  func.func @_agg_body(%arg0: i32, %arg1: i32, %arg2: memref<10240x128xf32, #tpu.memory_space<hbm>>, %arg3: memref<10240x128xf32, #tpu.memory_space<hbm>>, %arg4: memref<80x25x80xi32, #tpu.memory_space<hbm>>, %arg5: memref<80x25x80xi32, #tpu.memory_space<hbm>>, %arg6: memref<10240x128xf32, #tpu.memory_space<hbm>>, %arg7: memref<10240x128xf32, #tpu.memory_space<hbm>>, %arg8: memref<25x80xi32, #tpu.memory_space<vmem>>, %arg9: memref<25x80xi32, #tpu.memory_space<vmem>>, %arg10: memref<80x128xf32, #tpu.memory_space<vmem>>, %arg11: memref<80x128xf32, #tpu.memory_space<vmem>>, %arg12: memref<!tpu.dma_semaphore, #tpu.memory_space<semaphore_mem>>, %arg13: memref<!tpu.dma_semaphore, #tpu.memory_space<semaphore_mem>>, %arg14: memref<10240x128xf32, #tpu.memory_space<vmem_shared>>) attributes {dimension_semantics = [#tpu.dimension_semantics<core_parallel>, #tpu.dimension_semantics<subcore_parallel>], iteration_bounds = array<i64: 2, 16>, scalar_prefetch = 0 : i64, scratch_operands = 7 : i64, tpu.core_type = #tpu.core_type<sc_vector_subcore>, window_params = [{transform_indices = #map}, {transform_indices = #map}, {transform_indices = #map1}, {transform_indices = #map1}, {transform_indices = #map}, {transform_indices = #map}]} {
    %eq3A = arith.constant 0 : i32
    %eq3A_0 = arith.cmpi eq, %arg0, %eq3A : i32
    %convert_element_type3A = arith.extui %eq3A_0 : i1 to i32
    %cond3A = arith.constant 0 : i32
    %cond3A_1 = arith.cmpi ne, %convert_element_type3A, %cond3A : i32
    scf.if %cond3A_1 {
      %mul3A = arith.constant 640 : i32
      %mul3A_7 = arith.muli %arg1, %mul3A : i32
      %mul3A_8 = arith.constant 640 : i32
      %mul3A_9 = arith.muli %arg1, %mul3A_8 : i32
      "tpu.region"() ({
        %run_scoped3A = tpu.sem_alloc : memref<!tpu.dma_semaphore, #tpu.memory_space<semaphore_mem>>
        %dma_start3A = arith.constant 0 : i32
        %dma_start3A_20 = tpu.memref_slice %arg14[%mul3A_9, %dma_start3A] : memref<10240x128xf32, #tpu.memory_space<vmem_shared>> -> memref<640x128xf32, #tpu.memory_space<vmem_shared>>
        %dma_start3A_21 = arith.constant 0 : i32
        %dma_start3A_22 = tpu.memref_slice %arg2[%mul3A_7, %dma_start3A_21] : memref<10240x128xf32, #tpu.memory_space<hbm>> -> memref<640x128xf32, #tpu.memory_space<hbm>>
        tpu.enqueue_dma source(%dma_start3A_22 : memref<640x128xf32, #tpu.memory_space<hbm>>) target(%dma_start3A_20 : memref<640x128xf32, #tpu.memory_space<vmem_shared>>) target_semaphore(%run_scoped3A : memref<!tpu.dma_semaphore, #tpu.memory_space<semaphore_mem>>)
        %dma_wait3A = arith.constant 0 : i32
        %dma_wait3A_23 = tpu.memref_slice %arg14[%mul3A_9, %dma_wait3A] : memref<10240x128xf32, #tpu.memory_space<vmem_shared>> -> memref<640x128xf32, #tpu.memory_space<vmem_shared>>
        %dma_wait3A_24 = arith.constant 0 : i32
        %dma_wait3A_25 = tpu.memref_slice %arg2[%mul3A_7, %dma_wait3A_24] : memref<10240x128xf32, #tpu.memory_space<hbm>> -> memref<640x128xf32, #tpu.memory_space<hbm>>
        tpu.wait_dma2 semaphore(%run_scoped3A : memref<!tpu.dma_semaphore, #tpu.memory_space<semaphore_mem>>) src(%dma_wait3A_25 : memref<640x128xf32, #tpu.memory_space<hbm>>) dst(%dma_wait3A_23 : memref<640x128xf32, #tpu.memory_space<vmem_shared>>)
        tpu.yield
      }) : () -> ()
      %barrier3A = arith.constant 0 : index
      tpu.barrier barrier_id(%barrier3A)
      %scan3A = arith.constant 0 : i32
      %scan3A_10 = arith.constant 0 : i32
      %scan3A_11 = arith.constant 5 : i32
      %scan3A_12 = arith.addi %scan3A_10, %scan3A_11 : i32
      %scan3A_13 = arith.constant 1 : i32
      scf.for %scan3A_20 = %scan3A_10 to %scan3A_12 step %scan3A_13  : i32 {
        %mul3A_21 = arith.constant 5 : i32
        %mul3A_22 = arith.muli %arg1, %mul3A_21 : i32
        %add3A = arith.addi %mul3A_22, %scan3A_20 : i32
        "tpu.region"() ({
          %run_scoped3A_43 = tpu.sem_alloc : memref<!tpu.dma_semaphore, #tpu.memory_space<semaphore_mem>>
          %dma_start3A_44 = arith.constant 0 : i32
          %dma_start3A_45 = arith.constant 0 : i32
          %dma_start3A_46 = tpu.memref_slice %arg4[%add3A, %dma_start3A_44, %dma_start3A_45] : memref<80x25x80xi32, #tpu.memory_space<hbm>> -> memref<1x25x80xi32, #tpu.memory_space<hbm>>
          %dma_start3A_47 = tpu.memref_squeeze %dma_start3A_46 : memref<1x25x80xi32, #tpu.memory_space<hbm>> -> memref<25x80xi32, #tpu.memory_space<hbm>>
          %dma_start3A_48 = arith.constant 0 : i32
          %dma_start3A_49 = arith.constant 0 : i32
          %dma_start3A_50 = tpu.memref_slice %arg4[%add3A, %dma_start3A_48, %dma_start3A_49] : memref<80x25x80xi32, #tpu.memory_space<hbm>> -> memref<1x25x80xi32, #tpu.memory_space<hbm>>
          %dma_start3A_51 = tpu.memref_squeeze %dma_start3A_50 : memref<1x25x80xi32, #tpu.memory_space<hbm>> -> memref<25x80xi32, #tpu.memory_space<hbm>>
          tpu.enqueue_dma source(%dma_start3A_51 : memref<25x80xi32, #tpu.memory_space<hbm>>) target(%arg8 : memref<25x80xi32, #tpu.memory_space<vmem>>) target_semaphore(%run_scoped3A_43 : memref<!tpu.dma_semaphore, #tpu.memory_space<semaphore_mem>>)
          %dma_wait3A_52 = arith.constant 0 : i32
          %dma_wait3A_53 = arith.constant 0 : i32
          %dma_wait3A_54 = tpu.memref_slice %arg4[%add3A, %dma_wait3A_52, %dma_wait3A_53] : memref<80x25x80xi32, #tpu.memory_space<hbm>> -> memref<1x25x80xi32, #tpu.memory_space<hbm>>
          %dma_wait3A_55 = tpu.memref_squeeze %dma_wait3A_54 : memref<1x25x80xi32, #tpu.memory_space<hbm>> -> memref<25x80xi32, #tpu.memory_space<hbm>>
          %dma_wait3A_56 = arith.constant 0 : i32
          %dma_wait3A_57 = arith.constant 0 : i32
          %dma_wait3A_58 = tpu.memref_slice %arg4[%add3A, %dma_wait3A_56, %dma_wait3A_57] : memref<80x25x80xi32, #tpu.memory_space<hbm>> -> memref<1x25x80xi32, #tpu.memory_space<hbm>>
          %dma_wait3A_59 = tpu.memref_squeeze %dma_wait3A_58 : memref<1x25x80xi32, #tpu.memory_space<hbm>> -> memref<25x80xi32, #tpu.memory_space<hbm>>
          tpu.wait_dma2 semaphore(%run_scoped3A_43 : memref<!tpu.dma_semaphore, #tpu.memory_space<semaphore_mem>>) src(%dma_wait3A_59 : memref<25x80xi32, #tpu.memory_space<hbm>>) dst(%arg8 : memref<25x80xi32, #tpu.memory_space<vmem>>)
          tpu.yield
        }) : () -> ()
        %mul3A_23 = arith.constant 5 : i32
        %mul3A_24 = arith.muli %arg1, %mul3A_23 : i32
        %add3A_25 = arith.addi %mul3A_24, %scan3A_20 : i32
        "tpu.region"() ({
          %run_scoped3A_43 = tpu.sem_alloc : memref<!tpu.dma_semaphore, #tpu.memory_space<semaphore_mem>>
          %dma_start3A_44 = arith.constant 0 : i32
          %dma_start3A_45 = arith.constant 0 : i32
          %dma_start3A_46 = tpu.memref_slice %arg5[%add3A_25, %dma_start3A_44, %dma_start3A_45] : memref<80x25x80xi32, #tpu.memory_space<hbm>> -> memref<1x25x80xi32, #tpu.memory_space<hbm>>
          %dma_start3A_47 = tpu.memref_squeeze %dma_start3A_46 : memref<1x25x80xi32, #tpu.memory_space<hbm>> -> memref<25x80xi32, #tpu.memory_space<hbm>>
          %dma_start3A_48 = arith.constant 0 : i32
          %dma_start3A_49 = arith.constant 0 : i32
          %dma_start3A_50 = tpu.memref_slice %arg5[%add3A_25, %dma_start3A_48, %dma_start3A_49] : memref<80x25x80xi32, #tpu.memory_space<hbm>> -> memref<1x25x80xi32, #tpu.memory_space<hbm>>
          %dma_start3A_51 = tpu.memref_squeeze %dma_start3A_50 : memref<1x25x80xi32, #tpu.memory_space<hbm>> -> memref<25x80xi32, #tpu.memory_space<hbm>>
          tpu.enqueue_dma source(%dma_start3A_51 : memref<25x80xi32, #tpu.memory_space<hbm>>) target(%arg9 : memref<25x80xi32, #tpu.memory_space<vmem>>) target_semaphore(%run_scoped3A_43 : memref<!tpu.dma_semaphore, #tpu.memory_space<semaphore_mem>>)
          %dma_wait3A_52 = arith.constant 0 : i32
          %dma_wait3A_53 = arith.constant 0 : i32
          %dma_wait3A_54 = tpu.memref_slice %arg5[%add3A_25, %dma_wait3A_52, %dma_wait3A_53] : memref<80x25x80xi32, #tpu.memory_space<hbm>> -> memref<1x25x80xi32, #tpu.memory_space<hbm>>
          %dma_wait3A_55 = tpu.memref_squeeze %dma_wait3A_54 : memref<1x25x80xi32, #tpu.memory_space<hbm>> -> memref<25x80xi32, #tpu.memory_space<hbm>>
          %dma_wait3A_56 = arith.constant 0 : i32
          %dma_wait3A_57 = arith.constant 0 : i32
          %dma_wait3A_58 = tpu.memref_slice %arg5[%add3A_25, %dma_wait3A_56, %dma_wait3A_57] : memref<80x25x80xi32, #tpu.memory_space<hbm>> -> memref<1x25x80xi32, #tpu.memory_space<hbm>>
          %dma_wait3A_59 = tpu.memref_squeeze %dma_wait3A_58 : memref<1x25x80xi32, #tpu.memory_space<hbm>> -> memref<25x80xi32, #tpu.memory_space<hbm>>
          tpu.wait_dma2 semaphore(%run_scoped3A_43 : memref<!tpu.dma_semaphore, #tpu.memory_space<semaphore_mem>>) src(%dma_wait3A_59 : memref<25x80xi32, #tpu.memory_space<hbm>>) dst(%arg9 : memref<25x80xi32, #tpu.memory_space<vmem>>)
          tpu.yield
        }) : () -> ()
        %dma_start3A = arith.constant 0 : i32
        %dma_start3A_26 = arith.constant 0 : i32
        %dma_start3A_27 = tpu.memref_slice %arg8[%dma_start3A, %dma_start3A_26] : memref<25x80xi32, #tpu.memory_space<vmem>> -> memref<1x80xi32, #tpu.memory_space<vmem>>
        %dma_start3A_28 = tpu.memref_squeeze %dma_start3A_27 : memref<1x80xi32, #tpu.memory_space<vmem>> -> memref<80xi32, #tpu.memory_space<vmem>>
        %dma_start3A_29 = arith.constant 0 : i32
        %dma_start3A_30 = arith.constant 0 : i32
        %dma_start3A_31 = tpu.memref_slice %arg2[%dma_start3A_29, %dma_start3A_30] : memref<10240x128xf32, #tpu.memory_space<hbm>> -> memref<10240x128xf32, #tpu.memory_space<hbm>>
        tpu.enqueue_indirect_dma source(%dma_start3A_31 : memref<10240x128xf32, #tpu.memory_space<hbm>>) target(%arg10 : memref<80x128xf32, #tpu.memory_space<vmem>>) offsets(%dma_start3A_28 : memref<80xi32, #tpu.memory_space<vmem>>) semaphore(%arg12 : memref<!tpu.dma_semaphore, #tpu.memory_space<semaphore_mem>>)
        %scan3A_32 = arith.constant 0 : i32
        %scan3A_33 = arith.constant 0 : i32
        %scan3A_34 = arith.constant 12 : i32
        %scan3A_35 = arith.addi %scan3A_33, %scan3A_34 : i32
        %scan3A_36 = arith.constant 1 : i32
        scf.for %scan3A_43 = %scan3A_33 to %scan3A_35 step %scan3A_36  : i32 {
          %mul3A_44 = arith.constant 2 : i32
          %mul3A_45 = arith.muli %mul3A_44, %scan3A_43 : i32
          %add3A_46 = arith.constant 1 : i32
          %add3A_47 = arith.addi %mul3A_45, %add3A_46 : i32
          %dma_start3A_48 = arith.constant 0 : i32
          %dma_start3A_49 = tpu.memref_slice %arg8[%add3A_47, %dma_start3A_48] : memref<25x80xi32, #tpu.memory_space<vmem>> -> memref<1x80xi32, #tpu.memory_space<vmem>>
          %dma_start3A_50 = tpu.memref_squeeze %dma_start3A_49 : memref<1x80xi32, #tpu.memory_space<vmem>> -> memref<80xi32, #tpu.memory_space<vmem>>
          %dma_start3A_51 = arith.constant 0 : i32
          %dma_start3A_52 = arith.constant 0 : i32
          %dma_start3A_53 = tpu.memref_slice %arg2[%dma_start3A_51, %dma_start3A_52] : memref<10240x128xf32, #tpu.memory_space<hbm>> -> memref<10240x128xf32, #tpu.memory_space<hbm>>
          tpu.enqueue_indirect_dma source(%dma_start3A_53 : memref<10240x128xf32, #tpu.memory_space<hbm>>) target(%arg11 : memref<80x128xf32, #tpu.memory_space<vmem>>) offsets(%dma_start3A_50 : memref<80xi32, #tpu.memory_space<vmem>>) semaphore(%arg13 : memref<!tpu.dma_semaphore, #tpu.memory_space<semaphore_mem>>)
          %dma_wait3A_54 = arith.constant 0 : i32
          %dma_wait3A_55 = arith.constant 0 : i32
          %dma_wait3A_56 = tpu.memref_slice %arg2[%dma_wait3A_54, %dma_wait3A_55] : memref<10240x128xf32, #tpu.memory_space<hbm>> -> memref<80x128xf32, #tpu.memory_space<hbm>>
          %dma_wait3A_57 = arith.constant 0 : i32
          %dma_wait3A_58 = arith.constant 0 : i32
          %dma_wait3A_59 = tpu.memref_slice %arg2[%dma_wait3A_57, %dma_wait3A_58] : memref<10240x128xf32, #tpu.memory_space<hbm>> -> memref<80x128xf32, #tpu.memory_space<hbm>>
          tpu.wait_dma2 semaphore(%arg12 : memref<!tpu.dma_semaphore, #tpu.memory_space<semaphore_mem>>) src(%dma_wait3A_59 : memref<80x128xf32, #tpu.memory_space<hbm>>) dst(%arg10 : memref<80x128xf32, #tpu.memory_space<vmem>>)
          "tpu.region"() ({
            %run_scoped3A_76 = tpu.sem_alloc : memref<!tpu.dma_semaphore, #tpu.memory_space<semaphore_mem>>
            %dma_start3A_77 = arith.constant 0 : i32
            %dma_start3A_78 = tpu.memref_slice %arg9[%mul3A_45, %dma_start3A_77] : memref<25x80xi32, #tpu.memory_space<vmem>> -> memref<1x80xi32, #tpu.memory_space<vmem>>
            %dma_start3A_79 = tpu.memref_squeeze %dma_start3A_78 : memref<1x80xi32, #tpu.memory_space<vmem>> -> memref<80xi32, #tpu.memory_space<vmem>>
            %dma_start3A_80 = arith.constant 0 : i32
            %dma_start3A_81 = arith.constant 0 : i32
            %dma_start3A_82 = tpu.memref_slice %arg14[%dma_start3A_80, %dma_start3A_81] : memref<10240x128xf32, #tpu.memory_space<vmem_shared>> -> memref<10240x128xf32, #tpu.memory_space<vmem_shared>>
            tpu.enqueue_indirect_dma source(%arg10 : memref<80x128xf32, #tpu.memory_space<vmem>>) target(%dma_start3A_82 : memref<10240x128xf32, #tpu.memory_space<vmem_shared>>) offsets(%dma_start3A_79 : memref<80xi32, #tpu.memory_space<vmem>>) semaphore(%run_scoped3A_76 : memref<!tpu.dma_semaphore, #tpu.memory_space<semaphore_mem>>) {add = true}
            %dma_wait3A_83 = arith.constant 0 : i32
            %dma_wait3A_84 = tpu.memref_slice %arg9[%mul3A_45, %dma_wait3A_83] : memref<25x80xi32, #tpu.memory_space<vmem>> -> memref<1x80xi32, #tpu.memory_space<vmem>>
            %dma_wait3A_85 = tpu.memref_squeeze %dma_wait3A_84 : memref<1x80xi32, #tpu.memory_space<vmem>> -> memref<80xi32, #tpu.memory_space<vmem>>
            %dma_wait3A_86 = arith.constant 0 : i32
            %dma_wait3A_87 = arith.constant 0 : i32
            %dma_wait3A_88 = tpu.memref_slice %arg14[%dma_wait3A_86, %dma_wait3A_87] : memref<10240x128xf32, #tpu.memory_space<vmem_shared>> -> memref<10240x128xf32, #tpu.memory_space<vmem_shared>>
            tpu.wait_indirect_dma semaphore(%run_scoped3A_76 : memref<!tpu.dma_semaphore, #tpu.memory_space<semaphore_mem>>) src(%arg10 : memref<80x128xf32, #tpu.memory_space<vmem>>) dst(%dma_wait3A_88 : memref<10240x128xf32, #tpu.memory_space<vmem_shared>>)
            tpu.yield
          }) : () -> ()
          %add3A_60 = arith.constant 2 : i32
          %add3A_61 = arith.addi %mul3A_45, %add3A_60 : i32
          %dma_start3A_62 = arith.constant 0 : i32
          %dma_start3A_63 = tpu.memref_slice %arg8[%add3A_61, %dma_start3A_62] : memref<25x80xi32, #tpu.memory_space<vmem>> -> memref<1x80xi32, #tpu.memory_space<vmem>>
          %dma_start3A_64 = tpu.memref_squeeze %dma_start3A_63 : memref<1x80xi32, #tpu.memory_space<vmem>> -> memref<80xi32, #tpu.memory_space<vmem>>
          %dma_start3A_65 = arith.constant 0 : i32
          %dma_start3A_66 = arith.constant 0 : i32
          %dma_start3A_67 = tpu.memref_slice %arg2[%dma_start3A_65, %dma_start3A_66] : memref<10240x128xf32, #tpu.memory_space<hbm>> -> memref<10240x128xf32, #tpu.memory_space<hbm>>
          tpu.enqueue_indirect_dma source(%dma_start3A_67 : memref<10240x128xf32, #tpu.memory_space<hbm>>) target(%arg10 : memref<80x128xf32, #tpu.memory_space<vmem>>) offsets(%dma_start3A_64 : memref<80xi32, #tpu.memory_space<vmem>>) semaphore(%arg12 : memref<!tpu.dma_semaphore, #tpu.memory_space<semaphore_mem>>)
          %dma_wait3A_68 = arith.constant 0 : i32
          %dma_wait3A_69 = arith.constant 0 : i32
          %dma_wait3A_70 = tpu.memref_slice %arg2[%dma_wait3A_68, %dma_wait3A_69] : memref<10240x128xf32, #tpu.memory_space<hbm>> -> memref<80x128xf32, #tpu.memory_space<hbm>>
          %dma_wait3A_71 = arith.constant 0 : i32
          %dma_wait3A_72 = arith.constant 0 : i32
          %dma_wait3A_73 = tpu.memref_slice %arg2[%dma_wait3A_71, %dma_wait3A_72] : memref<10240x128xf32, #tpu.memory_space<hbm>> -> memref<80x128xf32, #tpu.memory_space<hbm>>
          tpu.wait_dma2 semaphore(%arg13 : memref<!tpu.dma_semaphore, #tpu.memory_space<semaphore_mem>>) src(%dma_wait3A_73 : memref<80x128xf32, #tpu.memory_space<hbm>>) dst(%arg11 : memref<80x128xf32, #tpu.memory_space<vmem>>)
          %add3A_74 = arith.constant 1 : i32
          %add3A_75 = arith.addi %mul3A_45, %add3A_74 : i32
          "tpu.region"() ({
            %run_scoped3A_76 = tpu.sem_alloc : memref<!tpu.dma_semaphore, #tpu.memory_space<semaphore_mem>>
            %dma_start3A_77 = arith.constant 0 : i32
            %dma_start3A_78 = tpu.memref_slice %arg9[%add3A_75, %dma_start3A_77] : memref<25x80xi32, #tpu.memory_space<vmem>> -> memref<1x80xi32, #tpu.memory_space<vmem>>
            %dma_start3A_79 = tpu.memref_squeeze %dma_start3A_78 : memref<1x80xi32, #tpu.memory_space<vmem>> -> memref<80xi32, #tpu.memory_space<vmem>>
            %dma_start3A_80 = arith.constant 0 : i32
            %dma_start3A_81 = arith.constant 0 : i32
            %dma_start3A_82 = tpu.memref_slice %arg14[%dma_start3A_80, %dma_start3A_81] : memref<10240x128xf32, #tpu.memory_space<vmem_shared>> -> memref<10240x128xf32, #tpu.memory_space<vmem_shared>>
            tpu.enqueue_indirect_dma source(%arg11 : memref<80x128xf32, #tpu.memory_space<vmem>>) target(%dma_start3A_82 : memref<10240x128xf32, #tpu.memory_space<vmem_shared>>) offsets(%dma_start3A_79 : memref<80xi32, #tpu.memory_space<vmem>>) semaphore(%run_scoped3A_76 : memref<!tpu.dma_semaphore, #tpu.memory_space<semaphore_mem>>) {add = true}
            %dma_wait3A_83 = arith.constant 0 : i32
            %dma_wait3A_84 = tpu.memref_slice %arg9[%add3A_75, %dma_wait3A_83] : memref<25x80xi32, #tpu.memory_space<vmem>> -> memref<1x80xi32, #tpu.memory_space<vmem>>
            %dma_wait3A_85 = tpu.memref_squeeze %dma_wait3A_84 : memref<1x80xi32, #tpu.memory_space<vmem>> -> memref<80xi32, #tpu.memory_space<vmem>>
            %dma_wait3A_86 = arith.constant 0 : i32
            %dma_wait3A_87 = arith.constant 0 : i32
            %dma_wait3A_88 = tpu.memref_slice %arg14[%dma_wait3A_86, %dma_wait3A_87] : memref<10240x128xf32, #tpu.memory_space<vmem_shared>> -> memref<10240x128xf32, #tpu.memory_space<vmem_shared>>
            tpu.wait_indirect_dma semaphore(%run_scoped3A_76 : memref<!tpu.dma_semaphore, #tpu.memory_space<semaphore_mem>>) src(%arg11 : memref<80x128xf32, #tpu.memory_space<vmem>>) dst(%dma_wait3A_88 : memref<10240x128xf32, #tpu.memory_space<vmem_shared>>)
            tpu.yield
          }) : () -> ()
        }
        %scan3A_37 = arith.constant 12 : i32
        %dma_wait3A = arith.constant 0 : i32
        %dma_wait3A_38 = arith.constant 0 : i32
        %dma_wait3A_39 = tpu.memref_slice %arg2[%dma_wait3A, %dma_wait3A_38] : memref<10240x128xf32, #tpu.memory_space<hbm>> -> memref<80x128xf32, #tpu.memory_space<hbm>>
        %dma_wait3A_40 = arith.constant 0 : i32
        %dma_wait3A_41 = arith.constant 0 : i32
        %dma_wait3A_42 = tpu.memref_slice %arg2[%dma_wait3A_40, %dma_wait3A_41] : memref<10240x128xf32, #tpu.memory_space<hbm>> -> memref<80x128xf32, #tpu.memory_space<hbm>>
        tpu.wait_dma2 semaphore(%arg12 : memref<!tpu.dma_semaphore, #tpu.memory_space<semaphore_mem>>) src(%dma_wait3A_42 : memref<80x128xf32, #tpu.memory_space<hbm>>) dst(%arg10 : memref<80x128xf32, #tpu.memory_space<vmem>>)
        %run_scoped3A = arith.constant 24 : i32
        "tpu.region"() ({
          %run_scoped3A_43 = tpu.sem_alloc : memref<!tpu.dma_semaphore, #tpu.memory_space<semaphore_mem>>
          %dma_start3A_44 = arith.constant 0 : i32
          %dma_start3A_45 = tpu.memref_slice %arg9[%run_scoped3A, %dma_start3A_44] : memref<25x80xi32, #tpu.memory_space<vmem>> -> memref<1x80xi32, #tpu.memory_space<vmem>>
          %dma_start3A_46 = tpu.memref_squeeze %dma_start3A_45 : memref<1x80xi32, #tpu.memory_space<vmem>> -> memref<80xi32, #tpu.memory_space<vmem>>
          %dma_start3A_47 = arith.constant 0 : i32
          %dma_start3A_48 = arith.constant 0 : i32
          %dma_start3A_49 = tpu.memref_slice %arg14[%dma_start3A_47, %dma_start3A_48] : memref<10240x128xf32, #tpu.memory_space<vmem_shared>> -> memref<10240x128xf32, #tpu.memory_space<vmem_shared>>
          tpu.enqueue_indirect_dma source(%arg10 : memref<80x128xf32, #tpu.memory_space<vmem>>) target(%dma_start3A_49 : memref<10240x128xf32, #tpu.memory_space<vmem_shared>>) offsets(%dma_start3A_46 : memref<80xi32, #tpu.memory_space<vmem>>) semaphore(%run_scoped3A_43 : memref<!tpu.dma_semaphore, #tpu.memory_space<semaphore_mem>>) {add = true}
          %dma_wait3A_50 = arith.constant 0 : i32
          %dma_wait3A_51 = tpu.memref_slice %arg9[%run_scoped3A, %dma_wait3A_50] : memref<25x80xi32, #tpu.memory_space<vmem>> -> memref<1x80xi32, #tpu.memory_space<vmem>>
          %dma_wait3A_52 = tpu.memref_squeeze %dma_wait3A_51 : memref<1x80xi32, #tpu.memory_space<vmem>> -> memref<80xi32, #tpu.memory_space<vmem>>
          %dma_wait3A_53 = arith.constant 0 : i32
          %dma_wait3A_54 = arith.constant 0 : i32
          %dma_wait3A_55 = tpu.memref_slice %arg14[%dma_wait3A_53, %dma_wait3A_54] : memref<10240x128xf32, #tpu.memory_space<vmem_shared>> -> memref<10240x128xf32, #tpu.memory_space<vmem_shared>>
          tpu.wait_indirect_dma semaphore(%run_scoped3A_43 : memref<!tpu.dma_semaphore, #tpu.memory_space<semaphore_mem>>) src(%arg10 : memref<80x128xf32, #tpu.memory_space<vmem>>) dst(%dma_wait3A_55 : memref<10240x128xf32, #tpu.memory_space<vmem_shared>>)
          tpu.yield
        }) : () -> ()
      }
      %scan3A_14 = arith.constant 5 : i32
      %barrier3A_15 = arith.constant 0 : index
      tpu.barrier barrier_id(%barrier3A_15)
      %mul3A_16 = arith.constant 640 : i32
      %mul3A_17 = arith.muli %arg1, %mul3A_16 : i32
      %mul3A_18 = arith.constant 640 : i32
      %mul3A_19 = arith.muli %arg1, %mul3A_18 : i32
      "tpu.region"() ({
        %run_scoped3A = tpu.sem_alloc : memref<!tpu.dma_semaphore, #tpu.memory_space<semaphore_mem>>
        %dma_start3A = arith.constant 0 : i32
        %dma_start3A_20 = tpu.memref_slice %arg6[%mul3A_19, %dma_start3A] : memref<10240x128xf32, #tpu.memory_space<hbm>> -> memref<640x128xf32, #tpu.memory_space<hbm>>
        %dma_start3A_21 = arith.constant 0 : i32
        %dma_start3A_22 = tpu.memref_slice %arg14[%mul3A_17, %dma_start3A_21] : memref<10240x128xf32, #tpu.memory_space<vmem_shared>> -> memref<640x128xf32, #tpu.memory_space<vmem_shared>>
        tpu.enqueue_dma source(%dma_start3A_22 : memref<640x128xf32, #tpu.memory_space<vmem_shared>>) target(%dma_start3A_20 : memref<640x128xf32, #tpu.memory_space<hbm>>) target_semaphore(%run_scoped3A : memref<!tpu.dma_semaphore, #tpu.memory_space<semaphore_mem>>)
        %dma_wait3A = arith.constant 0 : i32
        %dma_wait3A_23 = tpu.memref_slice %arg6[%mul3A_19, %dma_wait3A] : memref<10240x128xf32, #tpu.memory_space<hbm>> -> memref<640x128xf32, #tpu.memory_space<hbm>>
        %dma_wait3A_24 = arith.constant 0 : i32
        %dma_wait3A_25 = tpu.memref_slice %arg14[%mul3A_17, %dma_wait3A_24] : memref<10240x128xf32, #tpu.memory_space<vmem_shared>> -> memref<640x128xf32, #tpu.memory_space<vmem_shared>>
        tpu.wait_dma2 semaphore(%run_scoped3A : memref<!tpu.dma_semaphore, #tpu.memory_space<semaphore_mem>>) src(%dma_wait3A_25 : memref<640x128xf32, #tpu.memory_space<vmem_shared>>) dst(%dma_wait3A_23 : memref<640x128xf32, #tpu.memory_space<hbm>>)
        tpu.yield
      }) : () -> ()
    } else {
    }
    %eq3A_2 = arith.constant 1 : i32
    %eq3A_3 = arith.cmpi eq, %arg0, %eq3A_2 : i32
    %convert_element_type3A_4 = arith.extui %eq3A_3 : i1 to i32
    %cond3A_5 = arith.constant 0 : i32
    %cond3A_6 = arith.cmpi ne, %convert_element_type3A_4, %cond3A_5 : i32
    scf.if %cond3A_6 {
      %mul3A = arith.constant 640 : i32
      %mul3A_7 = arith.muli %arg1, %mul3A : i32
      %mul3A_8 = arith.constant 640 : i32
      %mul3A_9 = arith.muli %arg1, %mul3A_8 : i32
      "tpu.region"() ({
        %run_scoped3A = tpu.sem_alloc : memref<!tpu.dma_semaphore, #tpu.memory_space<semaphore_mem>>
        %dma_start3A = arith.constant 0 : i32
        %dma_start3A_20 = tpu.memref_slice %arg14[%mul3A_9, %dma_start3A] : memref<10240x128xf32, #tpu.memory_space<vmem_shared>> -> memref<640x128xf32, #tpu.memory_space<vmem_shared>>
        %dma_start3A_21 = arith.constant 0 : i32
        %dma_start3A_22 = tpu.memref_slice %arg3[%mul3A_7, %dma_start3A_21] : memref<10240x128xf32, #tpu.memory_space<hbm>> -> memref<640x128xf32, #tpu.memory_space<hbm>>
        tpu.enqueue_dma source(%dma_start3A_22 : memref<640x128xf32, #tpu.memory_space<hbm>>) target(%dma_start3A_20 : memref<640x128xf32, #tpu.memory_space<vmem_shared>>) target_semaphore(%run_scoped3A : memref<!tpu.dma_semaphore, #tpu.memory_space<semaphore_mem>>)
        %dma_wait3A = arith.constant 0 : i32
        %dma_wait3A_23 = tpu.memref_slice %arg14[%mul3A_9, %dma_wait3A] : memref<10240x128xf32, #tpu.memory_space<vmem_shared>> -> memref<640x128xf32, #tpu.memory_space<vmem_shared>>
        %dma_wait3A_24 = arith.constant 0 : i32
        %dma_wait3A_25 = tpu.memref_slice %arg3[%mul3A_7, %dma_wait3A_24] : memref<10240x128xf32, #tpu.memory_space<hbm>> -> memref<640x128xf32, #tpu.memory_space<hbm>>
        tpu.wait_dma2 semaphore(%run_scoped3A : memref<!tpu.dma_semaphore, #tpu.memory_space<semaphore_mem>>) src(%dma_wait3A_25 : memref<640x128xf32, #tpu.memory_space<hbm>>) dst(%dma_wait3A_23 : memref<640x128xf32, #tpu.memory_space<vmem_shared>>)
        tpu.yield
      }) : () -> ()
      %barrier3A = arith.constant 0 : index
      tpu.barrier barrier_id(%barrier3A)
      %scan3A = arith.constant 0 : i32
      %scan3A_10 = arith.constant 0 : i32
      %scan3A_11 = arith.constant 5 : i32
      %scan3A_12 = arith.addi %scan3A_10, %scan3A_11 : i32
      %scan3A_13 = arith.constant 1 : i32
      scf.for %scan3A_20 = %scan3A_10 to %scan3A_12 step %scan3A_13  : i32 {
        %mul3A_21 = arith.constant 5 : i32
        %mul3A_22 = arith.muli %arg1, %mul3A_21 : i32
        %add3A = arith.addi %mul3A_22, %scan3A_20 : i32
        "tpu.region"() ({
          %run_scoped3A_43 = tpu.sem_alloc : memref<!tpu.dma_semaphore, #tpu.memory_space<semaphore_mem>>
          %dma_start3A_44 = arith.constant 0 : i32
          %dma_start3A_45 = arith.constant 0 : i32
          %dma_start3A_46 = tpu.memref_slice %arg4[%add3A, %dma_start3A_44, %dma_start3A_45] : memref<80x25x80xi32, #tpu.memory_space<hbm>> -> memref<1x25x80xi32, #tpu.memory_space<hbm>>
          %dma_start3A_47 = tpu.memref_squeeze %dma_start3A_46 : memref<1x25x80xi32, #tpu.memory_space<hbm>> -> memref<25x80xi32, #tpu.memory_space<hbm>>
          %dma_start3A_48 = arith.constant 0 : i32
          %dma_start3A_49 = arith.constant 0 : i32
          %dma_start3A_50 = tpu.memref_slice %arg4[%add3A, %dma_start3A_48, %dma_start3A_49] : memref<80x25x80xi32, #tpu.memory_space<hbm>> -> memref<1x25x80xi32, #tpu.memory_space<hbm>>
          %dma_start3A_51 = tpu.memref_squeeze %dma_start3A_50 : memref<1x25x80xi32, #tpu.memory_space<hbm>> -> memref<25x80xi32, #tpu.memory_space<hbm>>
          tpu.enqueue_dma source(%dma_start3A_51 : memref<25x80xi32, #tpu.memory_space<hbm>>) target(%arg8 : memref<25x80xi32, #tpu.memory_space<vmem>>) target_semaphore(%run_scoped3A_43 : memref<!tpu.dma_semaphore, #tpu.memory_space<semaphore_mem>>)
          %dma_wait3A_52 = arith.constant 0 : i32
          %dma_wait3A_53 = arith.constant 0 : i32
          %dma_wait3A_54 = tpu.memref_slice %arg4[%add3A, %dma_wait3A_52, %dma_wait3A_53] : memref<80x25x80xi32, #tpu.memory_space<hbm>> -> memref<1x25x80xi32, #tpu.memory_space<hbm>>
          %dma_wait3A_55 = tpu.memref_squeeze %dma_wait3A_54 : memref<1x25x80xi32, #tpu.memory_space<hbm>> -> memref<25x80xi32, #tpu.memory_space<hbm>>
          %dma_wait3A_56 = arith.constant 0 : i32
          %dma_wait3A_57 = arith.constant 0 : i32
          %dma_wait3A_58 = tpu.memref_slice %arg4[%add3A, %dma_wait3A_56, %dma_wait3A_57] : memref<80x25x80xi32, #tpu.memory_space<hbm>> -> memref<1x25x80xi32, #tpu.memory_space<hbm>>
          %dma_wait3A_59 = tpu.memref_squeeze %dma_wait3A_58 : memref<1x25x80xi32, #tpu.memory_space<hbm>> -> memref<25x80xi32, #tpu.memory_space<hbm>>
          tpu.wait_dma2 semaphore(%run_scoped3A_43 : memref<!tpu.dma_semaphore, #tpu.memory_space<semaphore_mem>>) src(%dma_wait3A_59 : memref<25x80xi32, #tpu.memory_space<hbm>>) dst(%arg8 : memref<25x80xi32, #tpu.memory_space<vmem>>)
          tpu.yield
        }) : () -> ()
        %mul3A_23 = arith.constant 5 : i32
        %mul3A_24 = arith.muli %arg1, %mul3A_23 : i32
        %add3A_25 = arith.addi %mul3A_24, %scan3A_20 : i32
        "tpu.region"() ({
          %run_scoped3A_43 = tpu.sem_alloc : memref<!tpu.dma_semaphore, #tpu.memory_space<semaphore_mem>>
          %dma_start3A_44 = arith.constant 0 : i32
          %dma_start3A_45 = arith.constant 0 : i32
          %dma_start3A_46 = tpu.memref_slice %arg5[%add3A_25, %dma_start3A_44, %dma_start3A_45] : memref<80x25x80xi32, #tpu.memory_space<hbm>> -> memref<1x25x80xi32, #tpu.memory_space<hbm>>
          %dma_start3A_47 = tpu.memref_squeeze %dma_start3A_46 : memref<1x25x80xi32, #tpu.memory_space<hbm>> -> memref<25x80xi32, #tpu.memory_space<hbm>>
          %dma_start3A_48 = arith.constant 0 : i32
          %dma_start3A_49 = arith.constant 0 : i32
          %dma_start3A_50 = tpu.memref_slice %arg5[%add3A_25, %dma_start3A_48, %dma_start3A_49] : memref<80x25x80xi32, #tpu.memory_space<hbm>> -> memref<1x25x80xi32, #tpu.memory_space<hbm>>
          %dma_start3A_51 = tpu.memref_squeeze %dma_start3A_50 : memref<1x25x80xi32, #tpu.memory_space<hbm>> -> memref<25x80xi32, #tpu.memory_space<hbm>>
          tpu.enqueue_dma source(%dma_start3A_51 : memref<25x80xi32, #tpu.memory_space<hbm>>) target(%arg9 : memref<25x80xi32, #tpu.memory_space<vmem>>) target_semaphore(%run_scoped3A_43 : memref<!tpu.dma_semaphore, #tpu.memory_space<semaphore_mem>>)
          %dma_wait3A_52 = arith.constant 0 : i32
          %dma_wait3A_53 = arith.constant 0 : i32
          %dma_wait3A_54 = tpu.memref_slice %arg5[%add3A_25, %dma_wait3A_52, %dma_wait3A_53] : memref<80x25x80xi32, #tpu.memory_space<hbm>> -> memref<1x25x80xi32, #tpu.memory_space<hbm>>
          %dma_wait3A_55 = tpu.memref_squeeze %dma_wait3A_54 : memref<1x25x80xi32, #tpu.memory_space<hbm>> -> memref<25x80xi32, #tpu.memory_space<hbm>>
          %dma_wait3A_56 = arith.constant 0 : i32
          %dma_wait3A_57 = arith.constant 0 : i32
          %dma_wait3A_58 = tpu.memref_slice %arg5[%add3A_25, %dma_wait3A_56, %dma_wait3A_57] : memref<80x25x80xi32, #tpu.memory_space<hbm>> -> memref<1x25x80xi32, #tpu.memory_space<hbm>>
          %dma_wait3A_59 = tpu.memref_squeeze %dma_wait3A_58 : memref<1x25x80xi32, #tpu.memory_space<hbm>> -> memref<25x80xi32, #tpu.memory_space<hbm>>
          tpu.wait_dma2 semaphore(%run_scoped3A_43 : memref<!tpu.dma_semaphore, #tpu.memory_space<semaphore_mem>>) src(%dma_wait3A_59 : memref<25x80xi32, #tpu.memory_space<hbm>>) dst(%arg9 : memref<25x80xi32, #tpu.memory_space<vmem>>)
          tpu.yield
        }) : () -> ()
        %dma_start3A = arith.constant 0 : i32
        %dma_start3A_26 = arith.constant 0 : i32
        %dma_start3A_27 = tpu.memref_slice %arg8[%dma_start3A, %dma_start3A_26] : memref<25x80xi32, #tpu.memory_space<vmem>> -> memref<1x80xi32, #tpu.memory_space<vmem>>
        %dma_start3A_28 = tpu.memref_squeeze %dma_start3A_27 : memref<1x80xi32, #tpu.memory_space<vmem>> -> memref<80xi32, #tpu.memory_space<vmem>>
        %dma_start3A_29 = arith.constant 0 : i32
        %dma_start3A_30 = arith.constant 0 : i32
        %dma_start3A_31 = tpu.memref_slice %arg3[%dma_start3A_29, %dma_start3A_30] : memref<10240x128xf32, #tpu.memory_space<hbm>> -> memref<10240x128xf32, #tpu.memory_space<hbm>>
        tpu.enqueue_indirect_dma source(%dma_start3A_31 : memref<10240x128xf32, #tpu.memory_space<hbm>>) target(%arg10 : memref<80x128xf32, #tpu.memory_space<vmem>>) offsets(%dma_start3A_28 : memref<80xi32, #tpu.memory_space<vmem>>) semaphore(%arg12 : memref<!tpu.dma_semaphore, #tpu.memory_space<semaphore_mem>>)
        %scan3A_32 = arith.constant 0 : i32
        %scan3A_33 = arith.constant 0 : i32
        %scan3A_34 = arith.constant 12 : i32
        %scan3A_35 = arith.addi %scan3A_33, %scan3A_34 : i32
        %scan3A_36 = arith.constant 1 : i32
        scf.for %scan3A_43 = %scan3A_33 to %scan3A_35 step %scan3A_36  : i32 {
          %mul3A_44 = arith.constant 2 : i32
          %mul3A_45 = arith.muli %mul3A_44, %scan3A_43 : i32
          %add3A_46 = arith.constant 1 : i32
          %add3A_47 = arith.addi %mul3A_45, %add3A_46 : i32
          %dma_start3A_48 = arith.constant 0 : i32
          %dma_start3A_49 = tpu.memref_slice %arg8[%add3A_47, %dma_start3A_48] : memref<25x80xi32, #tpu.memory_space<vmem>> -> memref<1x80xi32, #tpu.memory_space<vmem>>
          %dma_start3A_50 = tpu.memref_squeeze %dma_start3A_49 : memref<1x80xi32, #tpu.memory_space<vmem>> -> memref<80xi32, #tpu.memory_space<vmem>>
          %dma_start3A_51 = arith.constant 0 : i32
          %dma_start3A_52 = arith.constant 0 : i32
          %dma_start3A_53 = tpu.memref_slice %arg3[%dma_start3A_51, %dma_start3A_52] : memref<10240x128xf32, #tpu.memory_space<hbm>> -> memref<10240x128xf32, #tpu.memory_space<hbm>>
          tpu.enqueue_indirect_dma source(%dma_start3A_53 : memref<10240x128xf32, #tpu.memory_space<hbm>>) target(%arg11 : memref<80x128xf32, #tpu.memory_space<vmem>>) offsets(%dma_start3A_50 : memref<80xi32, #tpu.memory_space<vmem>>) semaphore(%arg13 : memref<!tpu.dma_semaphore, #tpu.memory_space<semaphore_mem>>)
          %dma_wait3A_54 = arith.constant 0 : i32
          %dma_wait3A_55 = arith.constant 0 : i32
          %dma_wait3A_56 = tpu.memref_slice %arg3[%dma_wait3A_54, %dma_wait3A_55] : memref<10240x128xf32, #tpu.memory_space<hbm>> -> memref<80x128xf32, #tpu.memory_space<hbm>>
          %dma_wait3A_57 = arith.constant 0 : i32
          %dma_wait3A_58 = arith.constant 0 : i32
          %dma_wait3A_59 = tpu.memref_slice %arg3[%dma_wait3A_57, %dma_wait3A_58] : memref<10240x128xf32, #tpu.memory_space<hbm>> -> memref<80x128xf32, #tpu.memory_space<hbm>>
          tpu.wait_dma2 semaphore(%arg12 : memref<!tpu.dma_semaphore, #tpu.memory_space<semaphore_mem>>) src(%dma_wait3A_59 : memref<80x128xf32, #tpu.memory_space<hbm>>) dst(%arg10 : memref<80x128xf32, #tpu.memory_space<vmem>>)
          "tpu.region"() ({
            %run_scoped3A_76 = tpu.sem_alloc : memref<!tpu.dma_semaphore, #tpu.memory_space<semaphore_mem>>
            %dma_start3A_77 = arith.constant 0 : i32
            %dma_start3A_78 = tpu.memref_slice %arg9[%mul3A_45, %dma_start3A_77] : memref<25x80xi32, #tpu.memory_space<vmem>> -> memref<1x80xi32, #tpu.memory_space<vmem>>
            %dma_start3A_79 = tpu.memref_squeeze %dma_start3A_78 : memref<1x80xi32, #tpu.memory_space<vmem>> -> memref<80xi32, #tpu.memory_space<vmem>>
            %dma_start3A_80 = arith.constant 0 : i32
            %dma_start3A_81 = arith.constant 0 : i32
            %dma_start3A_82 = tpu.memref_slice %arg14[%dma_start3A_80, %dma_start3A_81] : memref<10240x128xf32, #tpu.memory_space<vmem_shared>> -> memref<10240x128xf32, #tpu.memory_space<vmem_shared>>
            tpu.enqueue_indirect_dma source(%arg10 : memref<80x128xf32, #tpu.memory_space<vmem>>) target(%dma_start3A_82 : memref<10240x128xf32, #tpu.memory_space<vmem_shared>>) offsets(%dma_start3A_79 : memref<80xi32, #tpu.memory_space<vmem>>) semaphore(%run_scoped3A_76 : memref<!tpu.dma_semaphore, #tpu.memory_space<semaphore_mem>>) {add = true}
            %dma_wait3A_83 = arith.constant 0 : i32
            %dma_wait3A_84 = tpu.memref_slice %arg9[%mul3A_45, %dma_wait3A_83] : memref<25x80xi32, #tpu.memory_space<vmem>> -> memref<1x80xi32, #tpu.memory_space<vmem>>
            %dma_wait3A_85 = tpu.memref_squeeze %dma_wait3A_84 : memref<1x80xi32, #tpu.memory_space<vmem>> -> memref<80xi32, #tpu.memory_space<vmem>>
            %dma_wait3A_86 = arith.constant 0 : i32
            %dma_wait3A_87 = arith.constant 0 : i32
            %dma_wait3A_88 = tpu.memref_slice %arg14[%dma_wait3A_86, %dma_wait3A_87] : memref<10240x128xf32, #tpu.memory_space<vmem_shared>> -> memref<10240x128xf32, #tpu.memory_space<vmem_shared>>
            tpu.wait_indirect_dma semaphore(%run_scoped3A_76 : memref<!tpu.dma_semaphore, #tpu.memory_space<semaphore_mem>>) src(%arg10 : memref<80x128xf32, #tpu.memory_space<vmem>>) dst(%dma_wait3A_88 : memref<10240x128xf32, #tpu.memory_space<vmem_shared>>)
            tpu.yield
          }) : () -> ()
          %add3A_60 = arith.constant 2 : i32
          %add3A_61 = arith.addi %mul3A_45, %add3A_60 : i32
          %dma_start3A_62 = arith.constant 0 : i32
          %dma_start3A_63 = tpu.memref_slice %arg8[%add3A_61, %dma_start3A_62] : memref<25x80xi32, #tpu.memory_space<vmem>> -> memref<1x80xi32, #tpu.memory_space<vmem>>
          %dma_start3A_64 = tpu.memref_squeeze %dma_start3A_63 : memref<1x80xi32, #tpu.memory_space<vmem>> -> memref<80xi32, #tpu.memory_space<vmem>>
          %dma_start3A_65 = arith.constant 0 : i32
          %dma_start3A_66 = arith.constant 0 : i32
          %dma_start3A_67 = tpu.memref_slice %arg3[%dma_start3A_65, %dma_start3A_66] : memref<10240x128xf32, #tpu.memory_space<hbm>> -> memref<10240x128xf32, #tpu.memory_space<hbm>>
          tpu.enqueue_indirect_dma source(%dma_start3A_67 : memref<10240x128xf32, #tpu.memory_space<hbm>>) target(%arg10 : memref<80x128xf32, #tpu.memory_space<vmem>>) offsets(%dma_start3A_64 : memref<80xi32, #tpu.memory_space<vmem>>) semaphore(%arg12 : memref<!tpu.dma_semaphore, #tpu.memory_space<semaphore_mem>>)
          %dma_wait3A_68 = arith.constant 0 : i32
          %dma_wait3A_69 = arith.constant 0 : i32
          %dma_wait3A_70 = tpu.memref_slice %arg3[%dma_wait3A_68, %dma_wait3A_69] : memref<10240x128xf32, #tpu.memory_space<hbm>> -> memref<80x128xf32, #tpu.memory_space<hbm>>
          %dma_wait3A_71 = arith.constant 0 : i32
          %dma_wait3A_72 = arith.constant 0 : i32
          %dma_wait3A_73 = tpu.memref_slice %arg3[%dma_wait3A_71, %dma_wait3A_72] : memref<10240x128xf32, #tpu.memory_space<hbm>> -> memref<80x128xf32, #tpu.memory_space<hbm>>
          tpu.wait_dma2 semaphore(%arg13 : memref<!tpu.dma_semaphore, #tpu.memory_space<semaphore_mem>>) src(%dma_wait3A_73 : memref<80x128xf32, #tpu.memory_space<hbm>>) dst(%arg11 : memref<80x128xf32, #tpu.memory_space<vmem>>)
          %add3A_74 = arith.constant 1 : i32
          %add3A_75 = arith.addi %mul3A_45, %add3A_74 : i32
          "tpu.region"() ({
            %run_scoped3A_76 = tpu.sem_alloc : memref<!tpu.dma_semaphore, #tpu.memory_space<semaphore_mem>>
            %dma_start3A_77 = arith.constant 0 : i32
            %dma_start3A_78 = tpu.memref_slice %arg9[%add3A_75, %dma_start3A_77] : memref<25x80xi32, #tpu.memory_space<vmem>> -> memref<1x80xi32, #tpu.memory_space<vmem>>
            %dma_start3A_79 = tpu.memref_squeeze %dma_start3A_78 : memref<1x80xi32, #tpu.memory_space<vmem>> -> memref<80xi32, #tpu.memory_space<vmem>>
            %dma_start3A_80 = arith.constant 0 : i32
            %dma_start3A_81 = arith.constant 0 : i32
            %dma_start3A_82 = tpu.memref_slice %arg14[%dma_start3A_80, %dma_start3A_81] : memref<10240x128xf32, #tpu.memory_space<vmem_shared>> -> memref<10240x128xf32, #tpu.memory_space<vmem_shared>>
            tpu.enqueue_indirect_dma source(%arg11 : memref<80x128xf32, #tpu.memory_space<vmem>>) target(%dma_start3A_82 : memref<10240x128xf32, #tpu.memory_space<vmem_shared>>) offsets(%dma_start3A_79 : memref<80xi32, #tpu.memory_space<vmem>>) semaphore(%run_scoped3A_76 : memref<!tpu.dma_semaphore, #tpu.memory_space<semaphore_mem>>) {add = true}
            %dma_wait3A_83 = arith.constant 0 : i32
            %dma_wait3A_84 = tpu.memref_slice %arg9[%add3A_75, %dma_wait3A_83] : memref<25x80xi32, #tpu.memory_space<vmem>> -> memref<1x80xi32, #tpu.memory_space<vmem>>
            %dma_wait3A_85 = tpu.memref_squeeze %dma_wait3A_84 : memref<1x80xi32, #tpu.memory_space<vmem>> -> memref<80xi32, #tpu.memory_space<vmem>>
            %dma_wait3A_86 = arith.constant 0 : i32
            %dma_wait3A_87 = arith.constant 0 : i32
            %dma_wait3A_88 = tpu.memref_slice %arg14[%dma_wait3A_86, %dma_wait3A_87] : memref<10240x128xf32, #tpu.memory_space<vmem_shared>> -> memref<10240x128xf32, #tpu.memory_space<vmem_shared>>
            tpu.wait_indirect_dma semaphore(%run_scoped3A_76 : memref<!tpu.dma_semaphore, #tpu.memory_space<semaphore_mem>>) src(%arg11 : memref<80x128xf32, #tpu.memory_space<vmem>>) dst(%dma_wait3A_88 : memref<10240x128xf32, #tpu.memory_space<vmem_shared>>)
            tpu.yield
          }) : () -> ()
        }
        %scan3A_37 = arith.constant 12 : i32
        %dma_wait3A = arith.constant 0 : i32
        %dma_wait3A_38 = arith.constant 0 : i32
        %dma_wait3A_39 = tpu.memref_slice %arg3[%dma_wait3A, %dma_wait3A_38] : memref<10240x128xf32, #tpu.memory_space<hbm>> -> memref<80x128xf32, #tpu.memory_space<hbm>>
        %dma_wait3A_40 = arith.constant 0 : i32
        %dma_wait3A_41 = arith.constant 0 : i32
        %dma_wait3A_42 = tpu.memref_slice %arg3[%dma_wait3A_40, %dma_wait3A_41] : memref<10240x128xf32, #tpu.memory_space<hbm>> -> memref<80x128xf32, #tpu.memory_space<hbm>>
        tpu.wait_dma2 semaphore(%arg12 : memref<!tpu.dma_semaphore, #tpu.memory_space<semaphore_mem>>) src(%dma_wait3A_42 : memref<80x128xf32, #tpu.memory_space<hbm>>) dst(%arg10 : memref<80x128xf32, #tpu.memory_space<vmem>>)
        %run_scoped3A = arith.constant 24 : i32
        "tpu.region"() ({
          %run_scoped3A_43 = tpu.sem_alloc : memref<!tpu.dma_semaphore, #tpu.memory_space<semaphore_mem>>
          %dma_start3A_44 = arith.constant 0 : i32
          %dma_start3A_45 = tpu.memref_slice %arg9[%run_scoped3A, %dma_start3A_44] : memref<25x80xi32, #tpu.memory_space<vmem>> -> memref<1x80xi32, #tpu.memory_space<vmem>>
          %dma_start3A_46 = tpu.memref_squeeze %dma_start3A_45 : memref<1x80xi32, #tpu.memory_space<vmem>> -> memref<80xi32, #tpu.memory_space<vmem>>
          %dma_start3A_47 = arith.constant 0 : i32
          %dma_start3A_48 = arith.constant 0 : i32
          %dma_start3A_49 = tpu.memref_slice %arg14[%dma_start3A_47, %dma_start3A_48] : memref<10240x128xf32, #tpu.memory_space<vmem_shared>> -> memref<10240x128xf32, #tpu.memory_space<vmem_shared>>
          tpu.enqueue_indirect_dma source(%arg10 : memref<80x128xf32, #tpu.memory_space<vmem>>) target(%dma_start3A_49 : memref<10240x128xf32, #tpu.memory_space<vmem_shared>>) offsets(%dma_start3A_46 : memref<80xi32, #tpu.memory_space<vmem>>) semaphore(%run_scoped3A_43 : memref<!tpu.dma_semaphore, #tpu.memory_space<semaphore_mem>>) {add = true}
          %dma_wait3A_50 = arith.constant 0 : i32
          %dma_wait3A_51 = tpu.memref_slice %arg9[%run_scoped3A, %dma_wait3A_50] : memref<25x80xi32, #tpu.memory_space<vmem>> -> memref<1x80xi32, #tpu.memory_space<vmem>>
          %dma_wait3A_52 = tpu.memref_squeeze %dma_wait3A_51 : memref<1x80xi32, #tpu.memory_space<vmem>> -> memref<80xi32, #tpu.memory_space<vmem>>
          %dma_wait3A_53 = arith.constant 0 : i32
          %dma_wait3A_54 = arith.constant 0 : i32
          %dma_wait3A_55 = tpu.memref_slice %arg14[%dma_wait3A_53, %dma_wait3A_54] : memref<10240x128xf32, #tpu.memory_space<vmem_shared>> -> memref<10240x128xf32, #tpu.memory_space<vmem_shared>>
          tpu.wait_indirect_dma semaphore(%run_scoped3A_43 : memref<!tpu.dma_semaphore, #tpu.memory_space<semaphore_mem>>) src(%arg10 : memref<80x128xf32, #tpu.memory_space<vmem>>) dst(%dma_wait3A_55 : memref<10240x128xf32, #tpu.memory_space<vmem_shared>>)
          tpu.yield
        }) : () -> ()
      }
      %scan3A_14 = arith.constant 5 : i32
      %barrier3A_15 = arith.constant 0 : index
      tpu.barrier barrier_id(%barrier3A_15)
      %mul3A_16 = arith.constant 640 : i32
      %mul3A_17 = arith.muli %arg1, %mul3A_16 : i32
      %mul3A_18 = arith.constant 640 : i32
      %mul3A_19 = arith.muli %arg1, %mul3A_18 : i32
      "tpu.region"() ({
        %run_scoped3A = tpu.sem_alloc : memref<!tpu.dma_semaphore, #tpu.memory_space<semaphore_mem>>
        %dma_start3A = arith.constant 0 : i32
        %dma_start3A_20 = tpu.memref_slice %arg7[%mul3A_19, %dma_start3A] : memref<10240x128xf32, #tpu.memory_space<hbm>> -> memref<640x128xf32, #tpu.memory_space<hbm>>
        %dma_start3A_21 = arith.constant 0 : i32
        %dma_start3A_22 = tpu.memref_slice %arg14[%mul3A_17, %dma_start3A_21] : memref<10240x128xf32, #tpu.memory_space<vmem_shared>> -> memref<640x128xf32, #tpu.memory_space<vmem_shared>>
        tpu.enqueue_dma source(%dma_start3A_22 : memref<640x128xf32, #tpu.memory_space<vmem_shared>>) target(%dma_start3A_20 : memref<640x128xf32, #tpu.memory_space<hbm>>) target_semaphore(%run_scoped3A : memref<!tpu.dma_semaphore, #tpu.memory_space<semaphore_mem>>)
        %dma_wait3A = arith.constant 0 : i32
        %dma_wait3A_23 = tpu.memref_slice %arg7[%mul3A_19, %dma_wait3A] : memref<10240x128xf32, #tpu.memory_space<hbm>> -> memref<640x128xf32, #tpu.memory_space<hbm>>
        %dma_wait3A_24 = arith.constant 0 : i32
        %dma_wait3A_25 = tpu.memref_slice %arg14[%mul3A_17, %dma_wait3A_24] : memref<10240x128xf32, #tpu.memory_space<vmem_shared>> -> memref<640x128xf32, #tpu.memory_space<vmem_shared>>
        tpu.wait_dma2 semaphore(%run_scoped3A : memref<!tpu.dma_semaphore, #tpu.memory_space<semaphore_mem>>) src(%dma_wait3A_25 : memref<640x128xf32, #tpu.memory_space<vmem_shared>>) dst(%dma_wait3A_23 : memref<640x128xf32, #tpu.memory_space<hbm>>)
        tpu.yield
      }) : () -> ()
    } else {
    }
    return
  }
}

module attributes {stable_mosaic.version = 14 : i64} {
  func.func @_mm_body(%arg0: i32, %arg1: memref<1000x256xf32, #tpu.memory_space<vmem>>, %arg2: memref<256x256xf32, #tpu.memory_space<vmem>>, %arg3: memref<1000x256xf32, #tpu.memory_space<vmem>>) attributes {dimension_semantics = [#tpu.dimension_semantics<arbitrary>], iteration_bounds = array<i64: 10>, scalar_prefetch = 0 : i64, scratch_operands = 0 : i64, tpu.core_type = #tpu.core_type<tc>, window_params = [{transform_indices = @transform_0, window_bounds = array<i64: 1000, 256>}, {pipeline_mode = #tpu.pipeline_mode<synchronous>, transform_indices = @transform_1, window_bounds = array<i64: 256, 256>}, {transform_indices = @transform_2, window_bounds = array<i64: 1000, 256>}]} {
    %get3A = arith.constant 0 : index
    %get3A_0 = arith.constant 0 : index
    %get3A_1 = vector.load %arg1[%get3A, %get3A_0] : memref<1000x256xf32, #tpu.memory_space<vmem>>, vector<1000x256xf32>
    %get3A_2 = arith.constant 0 : index
    %get3A_3 = arith.constant 0 : index
    %get3A_4 = vector.load %arg2[%get3A_2, %get3A_3] : memref<256x256xf32, #tpu.memory_space<vmem>>, vector<256x256xf32>
    %dot_general3A = arith.constant dense<0.000000e+00> : vector<1000x256xf32>
    %dot_general3A_5 = tpu.matmul %get3A_1, %get3A_4, %dot_general3A {dimension_numbers = #tpu.dot_dimension_numbers<[1], [0], [0], [1], [0, 0, 1, 1], [], []>, transpose_lhs_hint = false} : vector<1000x256xf32>, vector<256x256xf32>, vector<1000x256xf32> -> vector<1000x256xf32>
    %swap3A = arith.constant 0 : index
    %swap3A_6 = arith.constant 0 : index
    %swap3A_7 = vector.load %arg3[%swap3A, %swap3A_6] : memref<1000x256xf32, #tpu.memory_space<vmem>>, vector<1000x256xf32>
    tpu.vector_store %arg3[%swap3A, %swap3A_6], %dot_general3A_5 {strides = array<i32>} : memref<1000x256xf32, #tpu.memory_space<vmem>>, vector<1000x256xf32>,
    return
  }
  func.func @transform_0(%arg0: i32) -> (i32, i32) {
    %c0_i32 = arith.constant 0 : i32
    %c0_i32_0 = arith.constant 0 : i32
    return %arg0, %c0_i32 : i32, i32
  }
  func.func @transform_1(%arg0: i32) -> (i32, i32) {
    %c0_i32 = arith.constant 0 : i32
    %c0_i32_0 = arith.constant 0 : i32
    %c0_i32_1 = arith.constant 0 : i32
    return %c0_i32, %c0_i32_0 : i32, i32
  }
  func.func @transform_2(%arg0: i32) -> (i32, i32) {
    %c0_i32 = arith.constant 0 : i32
    %c0_i32_0 = arith.constant 0 : i32
    return %arg0, %c0_i32 : i32, i32
  }
}

module attributes {stable_mosaic.version = 14 : i64} {
  func.func @_p0_body(%arg0: i32, %arg1: memref<640x256xf32, #tpu.memory_space<vmem>>, %arg2: memref<640x128xf32, #tpu.memory_space<vmem>>, %arg3: memref<640x128xf32, #tpu.memory_space<vmem>>, %arg4: memref<640x128xf32, #tpu.memory_space<vmem>>, %arg5: memref<640x128xf32, #tpu.memory_space<vmem>>, %arg6: memref<640x16xf32, #tpu.memory_space<vmem>>) attributes {dimension_semantics = [#tpu.dimension_semantics<arbitrary>], iteration_bounds = array<i64: 16>, scalar_prefetch = 0 : i64, scratch_operands = 0 : i64, tpu.core_type = #tpu.core_type<tc>, window_params = [{transform_indices = @transform_0, window_bounds = array<i64: 640, 256>}, {transform_indices = @transform_1, window_bounds = array<i64: 640, 128>}, {transform_indices = @transform_2, window_bounds = array<i64: 640, 128>}, {transform_indices = @transform_3, window_bounds = array<i64: 640, 128>}, {transform_indices = @transform_4, window_bounds = array<i64: 640, 128>}, {transform_indices = @transform_5, window_bounds = array<i64: 640, 16>}]} {
    %get3A = arith.constant 0 : index
    %get3A_0 = arith.constant 0 : index
    %get3A_1 = vector.load %arg2[%get3A, %get3A_0] : memref<640x128xf32, #tpu.memory_space<vmem>>, vector<640x128xf32>
    %slice3A = vector.extract_strided_slice %get3A_1 {offsets = [0, 0], sizes = [640, 1], strides = [1, 1]} : vector<640x128xf32> to vector<640x1xf32>
    %get3A_2 = arith.constant 0 : index
    %get3A_3 = arith.constant 0 : index
    %get3A_4 = vector.load %arg3[%get3A_2, %get3A_3] : memref<640x128xf32, #tpu.memory_space<vmem>>, vector<640x128xf32>
    %slice3A_5 = vector.extract_strided_slice %get3A_4 {offsets = [0, 0], sizes = [640, 1], strides = [1, 1]} : vector<640x128xf32> to vector<640x1xf32>
    %add3A = arith.addf %slice3A, %slice3A_5 : vector<640x1xf32>
    %add3A_6 = arith.constant 1.000000e+00 : f32
    %add3A_7 = vector.broadcast %add3A_6 : f32 to vector<640x1xf32>
    %add3A_8 = arith.addf %add3A, %add3A_7 : vector<640x1xf32>
    %rsqrt3A = math.rsqrt %add3A_8 : vector<640x1xf32>
    %get3A_9 = arith.constant 0 : index
    %get3A_10 = arith.constant 0 : index
    %get3A_11 = vector.load %arg1[%get3A_9, %get3A_10] : memref<640x256xf32, #tpu.memory_space<vmem>>, vector<640x256xf32>
    %mul3A = vector.broadcast %rsqrt3A : vector<640x1xf32> to vector<640x256xf32>
    %mul3A_12 = arith.mulf %get3A_11, %mul3A : vector<640x256xf32>
    %slice3A_13 = vector.extract_strided_slice %mul3A_12 {offsets = [0, 0], sizes = [640, 128], strides = [1, 1]} : vector<640x256xf32> to vector<640x128xf32>
    %swap3A = arith.constant 0 : index
    %swap3A_14 = arith.constant 0 : index
    %swap3A_15 = vector.load %arg4[%swap3A, %swap3A_14] : memref<640x128xf32, #tpu.memory_space<vmem>>, vector<640x128xf32>
    tpu.vector_store %arg4[%swap3A, %swap3A_14], %slice3A_13 {strides = array<i32>} : memref<640x128xf32, #tpu.memory_space<vmem>>, vector<640x128xf32>,
    %slice3A_16 = vector.extract_strided_slice %mul3A_12 {offsets = [0, 128], sizes = [640, 128], strides = [1, 1]} : vector<640x256xf32> to vector<640x128xf32>
    %swap3A_17 = arith.constant 0 : index
    %swap3A_18 = arith.constant 0 : index
    %swap3A_19 = vector.load %arg5[%swap3A_17, %swap3A_18] : memref<640x128xf32, #tpu.memory_space<vmem>>, vector<640x128xf32>
    tpu.vector_store %arg5[%swap3A_17, %swap3A_18], %slice3A_16 {strides = array<i32>} : memref<640x128xf32, #tpu.memory_space<vmem>>, vector<640x128xf32>,
    %broadcast_in_dim3A = vector.shape_cast %rsqrt3A : vector<640x1xf32> to vector<640x1xf32>
    %broadcast_in_dim3A_20 = vector.broadcast %broadcast_in_dim3A : vector<640x1xf32> to vector<640x16xf32>
    %swap3A_21 = arith.constant 0 : index
    %swap3A_22 = arith.constant 0 : index
    %swap3A_23 = vector.load %arg6[%swap3A_21, %swap3A_22] : memref<640x16xf32, #tpu.memory_space<vmem>>, vector<640x16xf32>
    tpu.vector_store %arg6[%swap3A_21, %swap3A_22], %broadcast_in_dim3A_20 {strides = array<i32>} : memref<640x16xf32, #tpu.memory_space<vmem>>, vector<640x16xf32>,
    return
  }
  func.func @transform_0(%arg0: i32) -> (i32, i32) {
    %c0_i32 = arith.constant 0 : i32
    %c0_i32_0 = arith.constant 0 : i32
    return %arg0, %c0_i32 : i32, i32
  }
  func.func @transform_1(%arg0: i32) -> (i32, i32) {
    %c0_i32 = arith.constant 0 : i32
    %c0_i32_0 = arith.constant 0 : i32
    return %arg0, %c0_i32 : i32, i32
  }
  func.func @transform_2(%arg0: i32) -> (i32, i32) {
    %c0_i32 = arith.constant 0 : i32
    %c0_i32_0 = arith.constant 0 : i32
    return %arg0, %c0_i32 : i32, i32
  }
  func.func @transform_3(%arg0: i32) -> (i32, i32) {
    %c0_i32 = arith.constant 0 : i32
    %c0_i32_0 = arith.constant 0 : i32
    return %arg0, %c0_i32 : i32, i32
  }
  func.func @transform_4(%arg0: i32) -> (i32, i32) {
    %c0_i32 = arith.constant 0 : i32
    %c0_i32_0 = arith.constant 0 : i32
    return %arg0, %c0_i32 : i32, i32
  }
  func.func @transform_5(%arg0: i32) -> (i32, i32) {
    %c0_i32 = arith.constant 0 : i32
    %c0_i32_0 = arith.constant 0 : i32
    return %arg0, %c0_i32 : i32, i32
  }
}

module attributes {stable_mosaic.version = 14 : i64} {
  func.func @_p1_body(%arg0: i32, %arg1: memref<640x128xf32, #tpu.memory_space<vmem>>, %arg2: memref<640x128xf32, #tpu.memory_space<vmem>>, %arg3: memref<640x16xf32, #tpu.memory_space<vmem>>, %arg4: memref<256xf32, #tpu.memory_space<vmem>>, %arg5: memref<256x256xf32, #tpu.memory_space<vmem>>, %arg6: memref<640x128xf32, #tpu.memory_space<vmem>>, %arg7: memref<640x128xf32, #tpu.memory_space<vmem>>) attributes {dimension_semantics = [#tpu.dimension_semantics<arbitrary>], iteration_bounds = array<i64: 16>, scalar_prefetch = 0 : i64, scratch_operands = 0 : i64, tpu.core_type = #tpu.core_type<tc>, window_params = [{transform_indices = @transform_0, window_bounds = array<i64: 640, 128>}, {transform_indices = @transform_1, window_bounds = array<i64: 640, 128>}, {transform_indices = @transform_2, window_bounds = array<i64: 640, 16>}, {pipeline_mode = #tpu.pipeline_mode<synchronous>, transform_indices = @transform_3, window_bounds = array<i64: 256>}, {pipeline_mode = #tpu.pipeline_mode<synchronous>, transform_indices = @transform_4, window_bounds = array<i64: 256, 256>}, {transform_indices = @transform_5, window_bounds = array<i64: 640, 128>}, {transform_indices = @transform_6, window_bounds = array<i64: 640, 128>}]} {
    %get3A = arith.constant 0 : index
    %get3A_0 = arith.constant 0 : index
    %get3A_1 = vector.load %arg1[%get3A, %get3A_0] : memref<640x128xf32, #tpu.memory_space<vmem>>, vector<640x128xf32>
    %get3A_2 = arith.constant 0 : index
    %get3A_3 = arith.constant 0 : index
    %get3A_4 = vector.load %arg2[%get3A_2, %get3A_3] : memref<640x128xf32, #tpu.memory_space<vmem>>, vector<640x128xf32>
    %concatenate3A = tpu.concatenate %get3A_1, %get3A_4 in 1 : vector<640x128xf32>, vector<640x128xf32> -> vector<640x256xf32>
    %get3A_5 = arith.constant 0 : index
    %get3A_6 = arith.constant 0 : index
    %get3A_7 = vector.load %arg3[%get3A_5, %get3A_6] : memref<640x16xf32, #tpu.memory_space<vmem>>, vector<640x16xf32>
    %slice3A = vector.extract_strided_slice %get3A_7 {offsets = [0, 0], sizes = [640, 1], strides = [1, 1]} : vector<640x16xf32> to vector<640x1xf32>
    %mul3A = vector.broadcast %slice3A : vector<640x1xf32> to vector<640x256xf32>
    %mul3A_8 = arith.mulf %concatenate3A, %mul3A : vector<640x256xf32>
    %get3A_9 = arith.constant 0 : index
    %get3A_10 = vector.load %arg4[%get3A_9] : memref<256xf32, #tpu.memory_space<vmem>>, vector<256xf32>
    %broadcast_in_dim3A = vector.shape_cast %get3A_10 : vector<256xf32> to vector<1x256xf32>
    %add3A = vector.broadcast %broadcast_in_dim3A : vector<1x256xf32> to vector<640x256xf32>
    %add3A_11 = arith.addf %mul3A_8, %add3A : vector<640x256xf32>
    %max3A = arith.constant 0.000000e+00 : f32
    %max3A_12 = vector.broadcast %max3A : f32 to vector<640x256xf32>
    %max3A_13 = arith.maximumf %add3A_11, %max3A_12 : vector<640x256xf32>
    %get3A_14 = arith.constant 0 : index
    %get3A_15 = arith.constant 0 : index
    %get3A_16 = vector.load %arg5[%get3A_14, %get3A_15] : memref<256x256xf32, #tpu.memory_space<vmem>>, vector<256x256xf32>
    %dot_general3A = arith.constant dense<0.000000e+00> : vector<640x256xf32>
    %dot_general3A_17 = tpu.matmul %max3A_13, %get3A_16, %dot_general3A {dimension_numbers = #tpu.dot_dimension_numbers<[1], [0], [0], [1], [0, 0, 1, 1], [], []>, transpose_lhs_hint = false} : vector<640x256xf32>, vector<256x256xf32>, vector<640x256xf32> -> vector<640x256xf32>
    %mul3A_18 = vector.broadcast %slice3A : vector<640x1xf32> to vector<640x256xf32>
    %mul3A_19 = arith.mulf %dot_general3A_17, %mul3A_18 : vector<640x256xf32>
    %slice3A_20 = vector.extract_strided_slice %mul3A_19 {offsets = [0, 0], sizes = [640, 128], strides = [1, 1]} : vector<640x256xf32> to vector<640x128xf32>
    %swap3A = arith.constant 0 : index
    %swap3A_21 = arith.constant 0 : index
    %swap3A_22 = vector.load %arg6[%swap3A, %swap3A_21] : memref<640x128xf32, #tpu.memory_space<vmem>>, vector<640x128xf32>
    tpu.vector_store %arg6[%swap3A, %swap3A_21], %slice3A_20 {strides = array<i32>} : memref<640x128xf32, #tpu.memory_space<vmem>>, vector<640x128xf32>,
    %slice3A_23 = vector.extract_strided_slice %mul3A_19 {offsets = [0, 128], sizes = [640, 128], strides = [1, 1]} : vector<640x256xf32> to vector<640x128xf32>
    %swap3A_24 = arith.constant 0 : index
    %swap3A_25 = arith.constant 0 : index
    %swap3A_26 = vector.load %arg7[%swap3A_24, %swap3A_25] : memref<640x128xf32, #tpu.memory_space<vmem>>, vector<640x128xf32>
    tpu.vector_store %arg7[%swap3A_24, %swap3A_25], %slice3A_23 {strides = array<i32>} : memref<640x128xf32, #tpu.memory_space<vmem>>, vector<640x128xf32>,
    return
  }
  func.func @transform_0(%arg0: i32) -> (i32, i32) {
    %c0_i32 = arith.constant 0 : i32
    %c0_i32_0 = arith.constant 0 : i32
    return %arg0, %c0_i32 : i32, i32
  }
  func.func @transform_1(%arg0: i32) -> (i32, i32) {
    %c0_i32 = arith.constant 0 : i32
    %c0_i32_0 = arith.constant 0 : i32
    return %arg0, %c0_i32 : i32, i32
  }
  func.func @transform_2(%arg0: i32) -> (i32, i32) {
    %c0_i32 = arith.constant 0 : i32
    %c0_i32_0 = arith.constant 0 : i32
    return %arg0, %c0_i32 : i32, i32
  }
  func.func @transform_3(%arg0: i32) -> i32 {
    %c0_i32 = arith.constant 0 : i32
    %c0_i32_0 = arith.constant 0 : i32
    return %c0_i32 : i32
  }
  func.func @transform_4(%arg0: i32) -> (i32, i32) {
    %c0_i32 = arith.constant 0 : i32
    %c0_i32_0 = arith.constant 0 : i32
    %c0_i32_1 = arith.constant 0 : i32
    return %c0_i32, %c0_i32_0 : i32, i32
  }
  func.func @transform_5(%arg0: i32) -> (i32, i32) {
    %c0_i32 = arith.constant 0 : i32
    %c0_i32_0 = arith.constant 0 : i32
    return %arg0, %c0_i32 : i32, i32
  }
  func.func @transform_6(%arg0: i32) -> (i32, i32) {
    %c0_i32 = arith.constant 0 : i32
    %c0_i32_0 = arith.constant 0 : i32
    return %arg0, %c0_i32 : i32, i32
  }
}

module attributes {stable_mosaic.version = 14 : i64} {
  func.func @_head_body(%arg0: i32, %arg1: memref<10240x128xf32, #tpu.memory_space<vmem>>, %arg2: memref<10240x128xf32, #tpu.memory_space<vmem>>, %arg3: memref<10240x16xf32, #tpu.memory_space<vmem>>, %arg4: memref<256xf32, #tpu.memory_space<vmem>>, %arg5: memref<1x256xf32, #tpu.memory_space<vmem>>, %arg6: memref<256x256xf32, #tpu.memory_space<vmem>>, %arg7: memref<256xf32, #tpu.memory_space<vmem>>, %arg8: memref<1x256xf32, #tpu.memory_space<vmem>>) attributes {dimension_semantics = [#tpu.dimension_semantics<arbitrary>], iteration_bounds = array<i64: 1>, scalar_prefetch = 0 : i64, scratch_operands = 0 : i64, tpu.core_type = #tpu.core_type<tc>, window_params = [{pipeline_mode = #tpu.pipeline_mode<synchronous>, transform_indices = @transform_0, window_bounds = array<i64: 10240, 128>}, {pipeline_mode = #tpu.pipeline_mode<synchronous>, transform_indices = @transform_1, window_bounds = array<i64: 10240, 128>}, {pipeline_mode = #tpu.pipeline_mode<synchronous>, transform_indices = @transform_2, window_bounds = array<i64: 10240, 16>}, {pipeline_mode = #tpu.pipeline_mode<synchronous>, transform_indices = @transform_3, window_bounds = array<i64: 256>}, {pipeline_mode = #tpu.pipeline_mode<synchronous>, transform_indices = @transform_4, window_bounds = array<i64: 1, 256>}, {pipeline_mode = #tpu.pipeline_mode<synchronous>, transform_indices = @transform_5, window_bounds = array<i64: 256, 256>}, {pipeline_mode = #tpu.pipeline_mode<synchronous>, transform_indices = @transform_6, window_bounds = array<i64: 256>}, {pipeline_mode = #tpu.pipeline_mode<synchronous>, transform_indices = @transform_7, window_bounds = array<i64: 1, 256>}]} {
    %get3A = arith.constant 0 : index
    %get3A_0 = arith.constant 0 : index
    %get3A_1 = vector.load %arg1[%get3A, %get3A_0] : memref<10240x128xf32, #tpu.memory_space<vmem>>, vector<10240x128xf32>
    %get3A_2 = arith.constant 0 : index
    %get3A_3 = arith.constant 0 : index
    %get3A_4 = vector.load %arg2[%get3A_2, %get3A_3] : memref<10240x128xf32, #tpu.memory_space<vmem>>, vector<10240x128xf32>
    %concatenate3A = tpu.concatenate %get3A_1, %get3A_4 in 1 : vector<10240x128xf32>, vector<10240x128xf32> -> vector<10240x256xf32>
    %get3A_5 = arith.constant 0 : index
    %get3A_6 = arith.constant 0 : index
    %get3A_7 = vector.load %arg3[%get3A_5, %get3A_6] : memref<10240x16xf32, #tpu.memory_space<vmem>>, vector<10240x16xf32>
    %slice3A = vector.extract_strided_slice %get3A_7 {offsets = [0, 0], sizes = [10240, 1], strides = [1, 1]} : vector<10240x16xf32> to vector<10240x1xf32>
    %mul3A = vector.broadcast %slice3A : vector<10240x1xf32> to vector<10240x256xf32>
    %mul3A_8 = arith.mulf %concatenate3A, %mul3A : vector<10240x256xf32>
    %get3A_9 = arith.constant 0 : index
    %get3A_10 = vector.load %arg4[%get3A_9] : memref<256xf32, #tpu.memory_space<vmem>>, vector<256xf32>
    %broadcast_in_dim3A = vector.shape_cast %get3A_10 : vector<256xf32> to vector<1x256xf32>
    %add3A = vector.broadcast %broadcast_in_dim3A : vector<1x256xf32> to vector<10240x256xf32>
    %add3A_11 = arith.addf %mul3A_8, %add3A : vector<10240x256xf32>
    %max3A = arith.constant 0.000000e+00 : f32
    %max3A_12 = vector.broadcast %max3A : f32 to vector<10240x256xf32>
    %max3A_13 = arith.maximumf %add3A_11, %max3A_12 : vector<10240x256xf32>
    %iota3A = tpu.iota {dimensions = array<i32: 0>} : vector<10240x1xi32>
    %lt3A = arith.constant 10000 : i32
    %lt3A_14 = vector.broadcast %lt3A : i32 to vector<10240x1xi32>
    %lt3A_15 = arith.cmpi slt, %iota3A, %lt3A_14 : vector<10240x1xi32>
    %jit3A = arith.constant 0.000000e+00 : f32
    %broadcast_in_dim3A_16 = vector.shape_cast %lt3A_15 : vector<10240x1xi1> to vector<10240x1xi1>
    %broadcast_in_dim3A_17 = vector.broadcast %broadcast_in_dim3A_16 : vector<10240x1xi1> to vector<10240x256xi1>
    %broadcast_in_dim3A_18 = vector.broadcast %jit3A : f32 to vector<10240x256xf32>
    %select_n3A = arith.select %broadcast_in_dim3A_17, %max3A_13, %broadcast_in_dim3A_18 : vector<10240x256xi1>, vector<10240x256xf32>
    %get3A_19 = arith.constant 0 : index
    %get3A_20 = arith.constant 0 : index
    %get3A_21 = vector.load %arg5[%get3A_19, %get3A_20] : memref<1x256xf32, #tpu.memory_space<vmem>>, vector<1x256xf32>
    %mul3A_22 = arith.mulf %get3A_21, %get3A_21 : vector<1x256xf32>
    %reduce_sum3A = vector.shape_cast %mul3A_22 : vector<1x256xf32> to vector<1x1x256xf32>
    %reduce_sum3A_23 = arith.constant dense<0.000000e+00> : vector<1xf32>
    %reduce_sum3A_24 = vector.multi_reduction <add>, %reduce_sum3A, %reduce_sum3A_23 [1, 2] : vector<1x1x256xf32> to vector<1xf32>
    %reduce_sum3A_25 = vector.shape_cast %reduce_sum3A_24 : vector<1xf32> to vector<1x1x1xf32>
    %reduce_sum3A_26 = vector.extract %reduce_sum3A_25[0, 0, 0] : f32 from vector<1x1x1xf32>
    %sqrt3A = math.sqrt %reduce_sum3A_26 : f32
    %dot_general3A = arith.constant dense<0.000000e+00> : vector<10240x1xf32>
    %dot_general3A_27 = tpu.matmul %select_n3A, %get3A_21, %dot_general3A {dimension_numbers = #tpu.dot_dimension_numbers<[1], [1], [0], [0], [0, 0, 1, 0], [], []>, transpose_lhs_hint = false} : vector<10240x256xf32>, vector<1x256xf32>, vector<10240x1xf32> -> vector<10240x1xf32>
    %div3A = vector.broadcast %sqrt3A : f32 to vector<10240x1xf32>
    %div3A_28 = arith.divf %dot_general3A_27, %div3A : vector<10240x1xf32>
    %tanh3A = math.tanh %div3A_28 : vector<10240x1xf32>
    %jit3A_29 = arith.constant -2.000000e+00 : f32
    %broadcast_in_dim3A_30 = vector.broadcast %jit3A_29 : f32 to vector<10240x1xf32>
    %select_n3A_31 = arith.select %lt3A_15, %tanh3A, %broadcast_in_dim3A_30 : vector<10240x1xi1>, vector<10240x1xf32>
    %bitcast_convert_type3A = tpu.bitcast %select_n3A_31 : vector<10240x1xf32> -> vector<10240x1xi32>
    %ge3A = arith.constant -2147483648 : i32
    %ge3A_32 = vector.broadcast %ge3A : i32 to vector<10240x1xi32>
    %ge3A_33 = arith.cmpi uge, %bitcast_convert_type3A, %ge3A_32 : vector<10240x1xi32>
    %not3A = arith.constant dense<-1> : vector<10240x1xi32>
    %not3A_34 = arith.xori %bitcast_convert_type3A, %not3A : vector<10240x1xi32>
    %or3A = arith.constant -2147483648 : i32
    %or3A_35 = vector.broadcast %or3A : i32 to vector<10240x1xi32>
    %or3A_36 = arith.ori %bitcast_convert_type3A, %or3A_35 : vector<10240x1xi32>
    %select_n3A_37 = arith.select %ge3A_33, %not3A_34, %or3A_36 : vector<10240x1xi1>, vector<10240x1xi32>
    %scan3A = arith.constant -2147483648 : i32
    %scan3A_38 = arith.constant 0 : i32
    %scan3A_39 = arith.constant 0 : i32
    %scan3A_40 = arith.constant 32 : i32
    %scan3A_41 = arith.addi %scan3A_39, %scan3A_40 : i32
    %scan3A_42 = arith.constant 1 : i32
    %scan3A_43 = scf.for %scan3A_107 = %scan3A_39 to %scan3A_41 step %scan3A_42 iter_args(%scan3A_108 = %scan3A_38) -> (i32)  : i32 {
      %shift_right_logical3A = arith.shrui %scan3A, %scan3A_107 : i32
      %or3A_109 = arith.ori %scan3A_108, %shift_right_logical3A : i32
      %ge3A_110 = vector.broadcast %or3A_109 : i32 to vector<10240x1xi32>
      %ge3A_111 = arith.cmpi uge, %select_n3A_37, %ge3A_110 : vector<10240x1xi32>
      %jit3A_112 = arith.constant 1 : i32
      %jit3A_113 = arith.constant 0 : i32
      %broadcast_in_dim3A_114 = vector.broadcast %jit3A_112 : i32 to vector<10240x1xi32>
      %broadcast_in_dim3A_115 = vector.broadcast %jit3A_113 : i32 to vector<10240x1xi32>
      %select_n3A_116 = arith.select %ge3A_111, %broadcast_in_dim3A_114, %broadcast_in_dim3A_115 : vector<10240x1xi1>, vector<10240x1xi32>
      %reduce_sum3A_117 = vector.shape_cast %select_n3A_116 : vector<10240x1xi32> to vector<1x10240x1xi32>
      %reduce_sum3A_118 = arith.constant dense<0> : vector<1xi32>
      %reduce_sum3A_119 = vector.multi_reduction <add>, %reduce_sum3A_117, %reduce_sum3A_118 [1, 2] : vector<1x10240x1xi32> to vector<1xi32>
      %reduce_sum3A_120 = vector.shape_cast %reduce_sum3A_119 : vector<1xi32> to vector<1x1x1xi32>
      %reduce_sum3A_121 = vector.extract %reduce_sum3A_120[0, 0, 0] : i32 from vector<1x1x1xi32>
      %ge3A_122 = arith.constant 5000 : i32
      %ge3A_123 = arith.cmpi sge, %reduce_sum3A_121, %ge3A_122 : i32
      %select_n3A_124 = arith.select %ge3A_123, %or3A_109, %scan3A_108 : i32
      scf.yield %select_n3A_124 : i32
    }
    %scan3A_44 = arith.constant 32 : i32
    %gt3A = vector.broadcast %scan3A_43 : i32 to vector<10240x1xi32>
    %gt3A_45 = arith.cmpi ugt, %select_n3A_37, %gt3A : vector<10240x1xi32>
    %jit3A_46 = arith.constant 1 : i32
    %jit3A_47 = arith.constant 0 : i32
    %broadcast_in_dim3A_48 = vector.broadcast %jit3A_46 : i32 to vector<10240x1xi32>
    %broadcast_in_dim3A_49 = vector.broadcast %jit3A_47 : i32 to vector<10240x1xi32>
    %select_n3A_50 = arith.select %gt3A_45, %broadcast_in_dim3A_48, %broadcast_in_dim3A_49 : vector<10240x1xi1>, vector<10240x1xi32>
    %reduce_sum3A_51 = vector.shape_cast %select_n3A_50 : vector<10240x1xi32> to vector<1x10240x1xi32>
    %reduce_sum3A_52 = arith.constant dense<0> : vector<1xi32>
    %reduce_sum3A_53 = vector.multi_reduction <add>, %reduce_sum3A_51, %reduce_sum3A_52 [1, 2] : vector<1x10240x1xi32> to vector<1xi32>
    %reduce_sum3A_54 = vector.shape_cast %reduce_sum3A_53 : vector<1xi32> to vector<1x1x1xi32>
    %reduce_sum3A_55 = vector.extract %reduce_sum3A_54[0, 0, 0] : i32 from vector<1x1x1xi32>
    %eq3A = vector.broadcast %scan3A_43 : i32 to vector<10240x1xi32>
    %eq3A_56 = arith.cmpi eq, %select_n3A_37, %eq3A : vector<10240x1xi32>
    %jit3A_57 = arith.constant 1 : i32
    %jit3A_58 = arith.constant 0 : i32
    %broadcast_in_dim3A_59 = vector.broadcast %jit3A_57 : i32 to vector<10240x1xi32>
    %broadcast_in_dim3A_60 = vector.broadcast %jit3A_58 : i32 to vector<10240x1xi32>
    %select_n3A_61 = arith.select %eq3A_56, %broadcast_in_dim3A_59, %broadcast_in_dim3A_60 : vector<10240x1xi1>, vector<10240x1xi32>
    %reduce_sum3A_62 = vector.shape_cast %select_n3A_61 : vector<10240x1xi32> to vector<1x10240x1xi32>
    %reduce_sum3A_63 = arith.constant dense<0> : vector<1xi32>
    %reduce_sum3A_64 = vector.multi_reduction <add>, %reduce_sum3A_62, %reduce_sum3A_63 [1, 2] : vector<1x10240x1xi32> to vector<1xi32>
    %reduce_sum3A_65 = vector.shape_cast %reduce_sum3A_64 : vector<1xi32> to vector<1x1x1xi32>
    %reduce_sum3A_66 = vector.extract %reduce_sum3A_65[0, 0, 0] : i32 from vector<1x1x1xi32>
    %sub3A = arith.constant 5000 : i32
    %sub3A_67 = arith.subi %sub3A, %reduce_sum3A_55 : i32
    %convert_element_type3A = arith.sitofp %sub3A_67 : i32 to f32
    %max3A_68 = arith.constant 1 : i32
    %max3A_69 = arith.maxsi %reduce_sum3A_66, %max3A_68 : i32
    %convert_element_type3A_70 = arith.sitofp %max3A_69 : i32 to f32
    %div3A_71 = arith.divf %convert_element_type3A, %convert_element_type3A_70 : f32
    %gt3A_72 = vector.broadcast %scan3A_43 : i32 to vector<10240x1xi32>
    %gt3A_73 = arith.cmpi ugt, %select_n3A_37, %gt3A_72 : vector<10240x1xi32>
    %eq3A_74 = vector.broadcast %scan3A_43 : i32 to vector<10240x1xi32>
    %eq3A_75 = arith.cmpi eq, %select_n3A_37, %eq3A_74 : vector<10240x1xi32>
    %mul3A_76 = vector.broadcast %div3A_71 : f32 to vector<10240x1xf32>
    %mul3A_77 = arith.mulf %tanh3A, %mul3A_76 : vector<10240x1xf32>
    %jit3A_78 = arith.constant 0.000000e+00 : f32
    %broadcast_in_dim3A_79 = vector.broadcast %jit3A_78 : f32 to vector<10240x1xf32>
    %select_n3A_80 = arith.select %eq3A_75, %mul3A_77, %broadcast_in_dim3A_79 : vector<10240x1xi1>, vector<10240x1xf32>
    %select_n3A_81 = arith.select %gt3A_73, %tanh3A, %select_n3A_80 : vector<10240x1xi1>, vector<10240x1xf32>
    %dot_general3A_82 = arith.constant dense<0.000000e+00> : vector<1x256xf32>
    %dot_general3A_83 = tpu.matmul %select_n3A_81, %select_n3A, %dot_general3A_82 {dimension_numbers = #tpu.dot_dimension_numbers<[0], [0], [1], [1], [0, 1, 1, 1], [], []>, transpose_lhs_hint = false} : vector<10240x1xf32>, vector<10240x256xf32>, vector<1x256xf32> -> vector<1x256xf32>
    %mul3A_84 = arith.constant 2.000000e-04 : f32
    %mul3A_85 = vector.broadcast %mul3A_84 : f32 to vector<1x256xf32>
    %mul3A_86 = arith.mulf %dot_general3A_83, %mul3A_85 : vector<1x256xf32>
    %get3A_87 = arith.constant 0 : index
    %get3A_88 = arith.constant 0 : index
    %get3A_89 = vector.load %arg6[%get3A_87, %get3A_88] : memref<256x256xf32, #tpu.memory_space<vmem>>, vector<256x256xf32>
    %dot_general3A_90 = arith.constant dense<0.000000e+00> : vector<1x256xf32>
    %dot_general3A_91 = tpu.matmul %mul3A_86, %get3A_89, %dot_general3A_90 {dimension_numbers = #tpu.dot_dimension_numbers<[1], [0], [0], [1], [0, 0, 1, 1], [], []>, transpose_lhs_hint = false} : vector<1x256xf32>, vector<256x256xf32>, vector<1x256xf32> -> vector<1x256xf32>
    %get3A_92 = arith.constant 0 : index
    %get3A_93 = vector.load %arg7[%get3A_92] : memref<256xf32, #tpu.memory_space<vmem>>, vector<256xf32>
    %broadcast_in_dim3A_94 = vector.shape_cast %get3A_93 : vector<256xf32> to vector<1x256xf32>
    %add3A_95 = arith.addf %dot_general3A_91, %broadcast_in_dim3A_94 : vector<1x256xf32>
    %reduce_max3A = arith.constant dense<0xFF800000> : vector<1xf32>
    %reduce_max3A_96 = vector.multi_reduction <maximumf>, %add3A_95, %reduce_max3A [1] : vector<1x256xf32> to vector<1xf32>
    %broadcast_in_dim3A_97 = vector.shape_cast %reduce_max3A_96 : vector<1xf32> to vector<1x1xf32>
    %sub3A_98 = vector.broadcast %broadcast_in_dim3A_97 : vector<1x1xf32> to vector<1x256xf32>
    %sub3A_99 = arith.subf %add3A_95, %sub3A_98 : vector<1x256xf32>
    %exp3A = math.exp %sub3A_99 : vector<1x256xf32>
    %reduce_sum3A_100 = arith.constant dense<0.000000e+00> : vector<1xf32>
    %reduce_sum3A_101 = vector.multi_reduction <add>, %exp3A, %reduce_sum3A_100 [1] : vector<1x256xf32> to vector<1xf32>
    %broadcast_in_dim3A_102 = vector.shape_cast %reduce_sum3A_101 : vector<1xf32> to vector<1x1xf32>
    %log3A = math.log %broadcast_in_dim3A_102 : vector<1x1xf32>
    %sub3A_103 = vector.broadcast %log3A : vector<1x1xf32> to vector<1x256xf32>
    %sub3A_104 = arith.subf %sub3A_99, %sub3A_103 : vector<1x256xf32>
    %swap3A = arith.constant 0 : index
    %swap3A_105 = arith.constant 0 : index
    %swap3A_106 = vector.load %arg8[%swap3A, %swap3A_105] : memref<1x256xf32, #tpu.memory_space<vmem>>, vector<1x256xf32>
    tpu.vector_store %arg8[%swap3A, %swap3A_105], %sub3A_104 {strides = array<i32>} : memref<1x256xf32, #tpu.memory_space<vmem>>, vector<1x256xf32>,
    return
  }
  func.func @transform_0(%arg0: i32) -> (i32, i32) {
    %c0_i32 = arith.constant 0 : i32
    %c0_i32_0 = arith.constant 0 : i32
    %c0_i32_1 = arith.constant 0 : i32
    return %c0_i32, %c0_i32_0 : i32, i32
  }
  func.func @transform_1(%arg0: i32) -> (i32, i32) {
    %c0_i32 = arith.constant 0 : i32
    %c0_i32_0 = arith.constant 0 : i32
    %c0_i32_1 = arith.constant 0 : i32
    return %c0_i32, %c0_i32_0 : i32, i32
  }
  func.func @transform_2(%arg0: i32) -> (i32, i32) {
    %c0_i32 = arith.constant 0 : i32
    %c0_i32_0 = arith.constant 0 : i32
    %c0_i32_1 = arith.constant 0 : i32
    return %c0_i32, %c0_i32_0 : i32, i32
  }
  func.func @transform_3(%arg0: i32) -> i32 {
    %c0_i32 = arith.constant 0 : i32
    %c0_i32_0 = arith.constant 0 : i32
    return %c0_i32 : i32
  }
  func.func @transform_4(%arg0: i32) -> (i32, i32) {
    %c0_i32 = arith.constant 0 : i32
    %c0_i32_0 = arith.constant 0 : i32
    %c0_i32_1 = arith.constant 0 : i32
    return %c0_i32, %c0_i32_0 : i32, i32
  }
  func.func @transform_5(%arg0: i32) -> (i32, i32) {
    %c0_i32 = arith.constant 0 : i32
    %c0_i32_0 = arith.constant 0 : i32
    %c0_i32_1 = arith.constant 0 : i32
    return %c0_i32, %c0_i32_0 : i32, i32
  }
  func.func @transform_6(%arg0: i32) -> i32 {
    %c0_i32 = arith.constant 0 : i32
    %c0_i32_0 = arith.constant 0 : i32
    return %c0_i32 : i32
  }
  func.func @transform_7(%arg0: i32) -> (i32, i32) {
    %c0_i32 = arith.constant 0 : i32
    %c0_i32_0 = arith.constant 0 : i32
    %c0_i32_1 = arith.constant 0 : i32
    return %c0_i32, %c0_i32_0 : i32, i32
  }
}

</mosaic_0001>

<sc_bundles>
// kernel: kernel.12.cloned.1.call-start
scs
__scs_entry_jumppad:
0x0: {  	(pc) =	sbr.rel $0x88, $3  }
0x1: {  	(tag) =	ssettag $0x0;
	lr =	simm.s32 $0x1  }
0x2: {  	[smem:$0x3F98] =	sst lr;
	_ =	strace $0xD0000000  }
0x3: {  	_ = 	snop  }
0x4: {  	_ = 	snop  }
0x5: {  	_ = 	snop  }
0x6: {  	_ = 	snop  }
0x7: {  	_ = 	snop  }
__scs_overlays_trampoline_lowered:
0x8: {  	[smem:$0x3FA7] =	sst s0  }
0x9: {  	[smem:$0x3FA8] =	sst s1  }
0xa: {  	[smem:$0x3FA9] =	sst s2  }
0xb: {  	[smem:$0x3FAA] =	sst s3  }
0xc: {  	[smem:$0x3FAB] =	sst s4  }
0xd: {  	[smem:$0x3FAC] =	sst s5  }
0xe: {  	[smem:$0x3FAD] =	sst s6  }
0xf: {  	[smem:$0x3FAE] =	sst s7  }
0x10: {  	[smem:$0x3FAF] =	sst s8  }
0x11: {  	[smem:$0x3FB0] =	sst s9;
	s0 =	simm.s32 @!p0 $0x0  }
0x12: {  	s1 =	sld [smem:$0x3F96];
	s0 =	simm.s32 @p0 $0x1  }
0x13: {  	[smem:$0x3FB1] =	sst s0;
	s0 =	simm.s32 @!p1 $0x0  }
0x14: {  	s2 =	sld [smem:$0x3F95];
	s0 =	simm.s32 @p1 $0x1  }
0x15: {  	[smem:$0x3FB2] =	sst s0;
	s0 =	simm.s32 @!p2 $0x0  }
0x16: {  	s3 =	sld [smem:$0x3FDB];
	s0 =	simm.s32 @p2 $0x1  }
0x17: {  	s4 =	simm.s32 $0x1BF5;
	[smem:$0x3FB4] =	sst s0  }
0x18: {  	s0 =	sld [smem:$0x3F97];
	_ =	swait.ge [sflag:s4], $0x0  }
0x19: {  	s7 =	sld [smem:$0x3F98]  }
0x1a: {  	s8 =	sadd.s32 $0xFFFFE003, lr  }
0x1b: {  	s9 =	sadd.s32 $0xFFFFFEF7, lr;
	s5 =	simm.s32 $0xFFFFFFFF;
	p2 =	slt.u32 s8, $0xFFFFF086  }
0x1c: {  	p1 =	slt.u32 s9, $0xF7A;
	s5 =	simm.s32 @!p2 $0x0  }
0x1d: {  	s5 =	simm.s32 @p1 $0x1;
	p0 =	seq.s32 s7, s2  }
0x1e: {  	s7 =	smul.u32 @!p0 $0xF7A, s2;
	p2 =	seq.s32 @!p0 s5, $0x0  }
0x1f: {  	s9 =	smul.u32 $0xF7A, s1;
	s8 =	simm.s32 @!p0 $0x1BF5;
	p2 =	por !p2, p0  }
0x20: {  	[sflag:s8] =	ssyncset.s32 @!p0 $0xFFFFF086;
	s6 =	sadd.s32 @!p0 s3, s7;
	s7 =	simm.s32 @!p0 $0x108  }
0x21: {  	s3 =	sadd.s32 s3, s9;
	s6 =	sadd.s32 @!p0 $0x88, s6;
	s7 =	simm.s32 @p2 $0x1082  }
0x22: {  	[simem:s7], [sflag:s8] =	dma.local @!p0 [hbm:s6], $0xF7A  }
0x23: {  	s9 =	sor.u32 $0xD0000000, s2;
	s6 =	simm.s32 $0x108;
	_ =	swait.ge @!p0 [sflag:s8], $0x0  }
0x24: {  	s3 =	sadd.s32 $0x88, s3;
	s6 =	simm.s32 @!p1 $0x1082;
	[sflag:s4] =	ssyncset.s32 $0xFFFFF086  }
0x25: {  	[simem:s6], [sflag:s4] =	dma.local [hbm:s3], $0xF7A  }
0x26: {  	[smem:$0x3F98] =	sst s1;
	(tag) =	ssettag s2;
	_ =	strace s9  }
0x27: {  	s1 =	sld [smem:$0x3FA8]  }
0x28: {  	s2 =	sld [smem:$0x3FA9]  }
0x29: {  	s4 =	sld [smem:$0x3FAB]  }
0x2a: {  	p0 =	seq.s32 s5, $0x0;
	s5 =	sld [smem:$0x3FAC]  }
0x2b: {  	s6 =	sld [smem:$0x3FAD]  }
0x2c: {  	s7 =	sld [smem:$0x3FAE]  }
0x2d: {  	s3 =	simm.s32 $0x108;
	s8 =	sld [smem:$0x3FAF]  }
0x2e: {  	s3 =	simm.s32 @!p0 $0x1082;
	s9 =	sld [smem:$0x3FB0]  }
0x2f: {  	lr =	sadd.s32 s0, s3;
	s0 =	sld [smem:$0x3FA7]  }
0x30: {  	s3 =	sld [smem:$0x3FAA]  }
0x31: {  	[smem:$0x3FB3] =	sst s10  }
0x32: {  	s10 =	sld [smem:$0x3FB1];
	_ =	sdelay $0x3  }
0x33: {  	p0 =	seq.s32 s10, $0x1;
	s10 =	sld [smem:$0x3FB3];
	_ =	sdelay $0x3  }
0x34: {  	[smem:$0x3FB3] =	sst s10  }
0x35: {  	s10 =	sld [smem:$0x3FB2];
	_ =	sdelay $0x3  }
0x36: {  	p1 =	seq.s32 s10, $0x1;
	s10 =	sld [smem:$0x3FB3];
	_ =	sdelay $0x3  }
0x37: {  	[smem:$0x3FB3] =	sst s10  }
0x38: {  	s10 =	sld [smem:$0x3FB4]  }
0x39: {  	_ = 	snop;
	(pc) =	sbr.ind lr, $3  }
0x3a: {  	_ = 	snop  }
0x3b: {  	_ = 	snop  }
0x3c: {  	p2 =	seq.s32 s10, $0x1;
	s10 =	sld [smem:$0x3FB3]  }
0x3d: {  	_ =	shalt  }
0x3e: {  	_ =	shalt  }
0x3f: {  	_ =	shalt  }
0x40: {  	_ =	shalt  }
0x41: {  	_ =	shalt  }
0x42: {  	_ =	shalt  }
0x43: {  	_ =	shalt  }
0x44: {  	_ =	shalt  }
0x45: {  	_ =	shalt  }
0x46: {  	_ =	shalt  }
0x47: {  	_ =	shalt  }
0x48: {  	_ =	shalt  }
0x49: {  	_ =	shalt  }
0x4a: {  	_ =	shalt  }
0x4b: {  	_ =	shalt  }
0x4c: {  	_ =	shalt  }
0x4d: {  	_ =	shalt  }
0x4e: {  	_ =	shalt  }
0x4f: {  	_ =	shalt  }
0x50: {  	_ =	shalt  }
0x51: {  	_ =	shalt  }
0x52: {  	_ =	shalt  }
0x53: {  	_ =	shalt  }
0x54: {  	_ =	shalt  }
0x55: {  	_ =	shalt  }
0x56: {  	_ =	shalt  }
0x57: {  	_ =	shalt  }
0x58: {  	_ =	shalt  }
0x59: {  	_ =	shalt  }
0x5a: {  	_ =	shalt  }
0x5b: {  	_ =	shalt  }
0x5c: {  	_ =	shalt  }
0x5d: {  	_ =	shalt  }
0x5e: {  	_ =	shalt  }
0x5f: {  	_ =	shalt  }
0x60: {  	_ =	shalt  }
0x61: {  	_ =	shalt  }
0x62: {  	_ =	shalt  }
0x63: {  	_ =	shalt  }
0x64: {  	_ =	shalt  }
0x65: {  	_ =	shalt  }
0x66: {  	_ =	shalt  }
0x67: {  	_ =	shalt  }
0x68: {  	_ =	shalt  }
0x69: {  	_ =	shalt  }
0x6a: {  	_ =	shalt  }
0x6b: {  	_ =	shalt  }
0x6c: {  	_ =	shalt  }
0x6d: {  	_ =	shalt  }
0x6e: {  	_ =	shalt  }
0x6f: {  	_ =	shalt  }
0x70: {  	_ =	shalt  }
0x71: {  	_ =	shalt  }
0x72: {  	_ =	shalt  }
0x73: {  	_ =	shalt  }
0x74: {  	_ =	shalt  }
0x75: {  	_ =	shalt  }
0x76: {  	_ =	shalt  }
0x77: {  	_ =	shalt  }
0x78: {  	_ =	shalt  }
0x79: {  	_ =	shalt  }
0x7a: {  	_ =	shalt  }
0x7b: {  	_ =	shalt  }
0x7c: {  	_ =	shalt  }
0x7d: {  	_ =	shalt  }
0x7e: {  	_ =	shalt  }
0x7f: {  	_ =	shalt  }
0x80: {  	_ =	shalt  }
0x81: {  	_ =	shalt  }
0x82: {  	_ =	shalt  }
0x83: {  	_ =	shalt  }
0x84: {  	_ =	shalt  }
0x85: {  	_ =	shalt  }
0x86: {  	_ =	shalt  }
0x87: {  	_ =	shalt  }
.Lfunc_end0:
.L_simem_size_0:
called_computation.1_lowered:
.L_overlay_start_0:
0x88: {  	s2 =	sld [smem:$0x3FD9]  }
0x89: {  	s3 =	sld [smem:$0x3FFE];
	_ =	sdelay $0x1  }
0x8a: {  	s1 =	srdreg.scid  }
0x8b: {  	s0 =	sand.u32 $0x1, s1  }
0x8c: {  	s16 =	sshll.u32 s0, $0xA;
	s2 =	sadd.s32 s3, s2  }
0x8d: {  	s2 =	sadd.s32 s2, s16  }
0x8e: {  	[smem:$0x3FBF] =	sst s2  }
0x8f: {  	_ = 	snop  }
0x90: {  	(tm) =	ssettm $0x1  }
0x91: {  	s17 =	sld [smem:$0x3FFB];
	_ =	sdelay $0x3  }
0x92: {  	_ =	strace s17  }
0x93: {  	s2 =	sld [smem:$0x3FFC];
	_ =	sdelay $0x3  }
0x94: {  	_ =	strace s2  }
0x95: {  	s2 =	sld [smem:$0x3FFD];
	_ =	sdelay $0x3  }
0x96: {  	_ =	strace s2  }
0x97: {  	_ =	strace $0x8FFFFFFF  }
0x98: {  	s18 =	sld [smem:$0x3FDB];
	_ =	sdelay $0x1  }
0x99: {  	s19 =	simm.s32 $_scs_section_size  }
0x9a: {  	s4 =	simm.s32 $_size__tile_overlayer_lowered;
	s5 =	simm.s32 $_tile_overlayer_lowered  }
0x9b: {  	s22 =	simm.s32 $0x1BFF;
	s21 =	sshll.u32 s5, $0x1;
	s2 =	sadd.s32 s19, s18  }
0x9c: {  	s6 =	simm.s32 $0x0;
	s20 =	sshll.u32 s4, $0x1;
	s4 =	sadd.s32 s21, s2  }
0x9d: {  	[timem:s6], [sflag:s22] =	dma.local [hbm:s4], s20  }
0x9e: {  	_ =	swait.ge [sflag:s22], s20  }
0x9f: {  	s3 =	ssub.s32 $0x0, s20;
	[sflag:s22] =	ssyncset.done $0x0  }
0xa0: {  	[sflag:s22] =	ssyncadd.s32 s3;
	_ =	sdelay $0x1  }
0xa1: {  	s23 =	simm.s32 $0x1B8B  }
0xa2: {  	_ =	swait.ge [sflag:s23], $0x1  }
0xa3: {  	[sflag:s23] =	ssyncset.done $0x0  }
0xa4: {  	s25 =	simm.s32 $0x1B8E;
	s24 =	sld [smem:$0x3FFE];
	[sflag:s23] =	ssyncadd.s32 $0xFFFFFFFF  }
0xa5: {  	s26 =	simm.s32 $execute0_lowered;
	[smem:$0x3FD2] =	sst s25  }
0xa6: {  	s4 =	sshll.u32 s26, $0x1;
	_ =	strace $0x80000049;
	[dreg:$0x1] =	wrdreg $0xFFFFFFFF  }
0xa7: {  	s28 =	simm.s32 $_size_execute0_lowered;
	s2 =	sadd.s32 s2, s4;
	[dreg:$0x0] =	wrdreg $0x0  }
0xa8: {  	s4 =	sshll.u32 s28, $0x1;
	[dreg:$0x2] =	wrdreg s2  }
0xa9: {  	[dreg:$0x3] =	wrdreg s4  }
0xaa: {  	[dreg:$0x4] =	wrdreg $0xC0  }
0xab: {  	_ =	task [dreg:s6], $0x5FFFF  }
0xac: {  	[dreg:$0x1] =	wrdreg $0xFFFFFFFF  }
0xad: {  	[dreg:$0x0] =	wrdreg $0x60  }
0xae: {  	[dreg:$0x2] =	wrdreg s24  }
0xaf: {  	[dreg:$0x3] =	wrdreg $0x70000  }
0xb0: {  	[dreg:$0x4] =	wrdreg $0x9  }
0xb1: {  	_ =	task.clear_ibuf [dreg:s6], $0x5FFFF;
	_ =	strace $0x90000049  }
0xb2: {  	s29 =	simm.s32 $0x9;
	_ =	strace $0x8000004B  }
0xb3: {  	_ =	swait.ge [sflag:s29], $0x1  }
0xb4: {  	[sflag:s29] =	ssyncadd.s32 $0xFFFFFFFF  }
0xb5: {  	_ =	strace $0x9000004B  }
0xb6: {  	_ =	sfence  }
0xb7: {  	s30 =	sld [smem:$0x0];
	_ =	sdelay $0x2  }
0xb8: {  	s31 =	sshll.u32 s1, $0xD;
	s1 =	sshrl.u32 s1, $0x2  }
0xb9: {  	s3 =	sand.u32 $0x4000, s31;
	s1 =	sadd.s32 s1, s30  }
0xba: {  	s0 =	sor.u32 s3, s0;
	s1 =	sshll.u32 s1, $0x11  }
0xbb: {  	s0 =	sor.u32 s1, s0  }
0xbc: {  	s0 =	sadd.s32 $0x8F2B, s0  }
0xbd: {  	[sflag:s0] =	ssyncadd.remote.s32 $0x1  }
0xbe: {  	_ =	sfence.sel $0xFFFF  }
0xbf: {  	[dreg:$0x0] =	wrdreg $0xFFFFFFFF;
	(pc) =	sbr.abs _section_cstart, $3  }
0xc0: {  	[dreg:$0x1] =	wrdreg $0xFFFFFFFF  }
0xc1: {  	_ =	task.clear_ibuf [dreg:s6], $0x2FFFF;
	_ =	strace $0x9FFFFFFF  }
0xc2: {  	(tm) =	ssettm $0x7FFFFFFF  }
0xc3: {  	_ =	shalt  }
tec
execute0_lowered:
.L_overlay_start_1:
0x0: {  	(tag) =	ssettag $0x1  }
0x1: {  	s9 =	rddreg [dreg:$0x0]  }
0x2: {  	s1 =	rddreg [dreg:$0x1];
	s2 =	simm.s32 $0x0  }
0x3: {  	s8 =	srdreg.scid;
	s0 =	stileid.u32;
	s18 =	simm.s32 $0x3  }
0x4: {  	s19 =	simm.s32 $0x1000;
	s20 =	simm.s32 $0x50;
	s21 =	simm.s32 $0x2000  }
0x5: {  	s22 =	simm.s32 $0x4800;
	s23 =	simm.s32 $0x1;
	s24 =	simm.s32 $0x2  }
0x6: {  	s25 =	simm.s32 $0x1C00;
	[smem:$0x7FF] =	sst s2;
	s4 =	sadd.s32 $0x4200, s9  }
0x7: {  	s5 =	sadd.s32 $0x2C200, s9;
	s6 =	sadd.s32 $0x69000, s9;
	s7 =	sadd.s32 $0x5F000, s9  }
0x8: {  	s11 =	sand.u32 $0x1, s8;
	s10 =	smul.u32 $0x50000, s0;
	s3 =	sadd.s32 $0x9B000, s9  }
0x9: {  	s9 =	sadd.s32 $0xC3000, s9;
	_ =	strace $0x8000004A;
	[dreg:$0x3] =	wrdreg s3  }
.Ltmp0:
0xa: {  	s12 =	ssub.s32 $0x2, s11;
	p0 =	seq.s32 s11, $0x1;
	(pc) =	sbr.rel .LBB2_1-.Ltmp0, $4  }
0xb: {  	s13 =	sshrl.u32 s12, $0x1;
	s14 =	sshrl.u32 s10, $0x2;
	s10 =	smul.u32 $0x2800, s0  }
0xc: {  	s15 =	ssub.s32 s12, s13;
	s17 =	sadd.s32 s14, s1;
	s12 =	smul.u32 $0x5, s0  }
0xd: {  	s13 =	sshll.u32 s0, $0x6;
	s11 =	sadd.s32 s4, s10;
	s14 =	sadd.s32 s5, s10  }
0xe: {  	s15 =	smax.u32 s15, $0x1;
	s16 =	sor.u32 $0x1C03, s13;
	s17 =	sshrl.u32 s17, $0x3  }
.LBB2_12:
0xf: {  	s2 =	sadd.s32 $0x1, s2  }
0x10: {  	p1 =	sne.s32 s2, s15  }
.Ltmp1:
0x11: {  	s0 =	sadd.s32 s28, s10;
	[bflag:$0x0] =	sbarrier.arrive $0xFFFF;
	(pc) =	sbr.rel @!p1 .LBB2_13-.Ltmp1, $4  }
0x12: {  	[hbm:s0], [sflag:s26] =	dma.local [spmem:s17], $0x2800  }
0x13: {  	_ =	swait.ge [sflag:s18], $0x2800  }
0x14: {  	[sflag:s18] =	ssyncset.done $0x0  }
0x15: {  	[sflag:s18] =	ssyncadd.s32 $0xFFFFD800  }
.LBB2_1:
.Ltmp2:
0x16: {  	(pc) =	sbr.rel @!p0 .LBB2_2-.Ltmp2, $1  }
0x17: {  	_ =	sdelay $0x3  }
0x18: {  	[spmem:s17], [sflag:s16] =	dma.local [hbm:s14], $0x2800  }
0x19: {  	_ =	swait.ge [sflag:s18], $0x2800  }
0x1a: {  	[sflag:s18] =	ssyncset.done $0x0  }
0x1b: {  	[sflag:s18] =	ssyncadd.s32 $0xFFFFD800  }
0x1c: {  	s26 =	simm.s32 $0x0;
	s28 =	simm.s32 $0x0;
	[bflag:$0x0] =	sbarrier.arrive $0xFFFF  }
.LBB2_8:
0x1d: {  	s0 =	sadd.s32 s12, s28  }
0x1e: {  	s0 =	sshll.u32 s0, $0x9  }
0x1f: {  	s3 =	sadd.s32 s6, s0  }
0x20: {  	[tilespmem:s26], [sflag:$0x3] =	stream.linear.gather [hbm4b:s3+s26], $0xC80, $0x38;
	[tilespmem:$0x1B000] =	vst v63  }
0x21: {  	_ =	swait.ge [sflag:s18], $0xC80  }
0x22: {  	[sflag:s18] =	ssyncset.done $0x0  }
0x23: {  	s0 =	sadd.s32 s7, s0;
	[sflag:s18] =	ssyncadd.s32 $0xFFFFF380  }
0x24: {  	[tilespmem:s19], [sflag:$0x3] =	stream.linear.gather [hbm4b:s0+s26], $0xC80, $0x38;
	[tilespmem:$0x1B000] =	vst v63  }
0x25: {  	_ =	swait.ge [sflag:s18], $0xC80  }
0x26: {  	[sflag:s18] =	ssyncset.done $0x0  }
0x27: {  	[sflag:s18] =	ssyncadd.s32 $0xFFFFF380  }
0x28: {  	[tilespmem:s21], [sflag:$0x1] =	stream.indirect.gather [hbm4b:s5+s20], $0x80, s26, s20, $0xb8;
	[tilespmem:$0x1B000] =	vst v63  }
0x29: {  	s31 =	simm.s32 $0x80  }
0x2a: {  	[tilespmem:s22], [sflag:$0x2] =	stream.indirect.gather [hbm4b:s5+s20], $0x80, s31, s20, $0xb8;
	[tilespmem:$0x1B000] =	vst v63  }
0x2b: {  	_ =	swait.ge [sflag:s23], $0x2800  }
0x2c: {  	[sflag:s23] =	ssyncset.done $0x0  }
0x2d: {  	s3 =	simm.s32 $0x1000;
	[sflag:s23] =	ssyncadd.s32 $0xFFFFD800  }
0x2e: {  	[spmem:s1] =	stream.indirect.scatter.add.f32 [tilespmem:s21], [sflag:$0x3], $0x80, s3, s20, $0xb8;
	[tilespmem:$0x1B000] =	vst v63  }
0x2f: {  	_ =	swait.ge [sflag:s18], $0x2800  }
0x30: {  	[sflag:s18] =	ssyncset.done $0x0  }
0x31: {  	s8 =	simm.s32 $0x100;
	[sflag:s18] =	ssyncadd.s32 $0xFFFFD800  }
0x32: {  	[tilespmem:s21], [sflag:$0x1] =	stream.indirect.gather [hbm4b:s5+s20], $0x80, s8, s20, $0xb8;
	[tilespmem:$0x1B000] =	vst v63  }
0x33: {  	_ =	swait.ge [sflag:s24], $0x2800  }
0x34: {  	[sflag:s24] =	ssyncset.done $0x0  }
0x35: {  	s31 =	simm.s32 $0x1080;
	[sflag:s24] =	ssyncadd.s32 $0xFFFFD800  }
0x36: {  	[spmem:s1] =	stream.indirect.scatter.add.f32 [tilespmem:s22], [sflag:$0x3], $0x80, s31, s20, $0xb8;
	[tilespmem:$0x1B000] =	vst v63  }
0x37: {  	_ =	swait.ge [sflag:s18], $0x2800  }
0x38: {  	s30 =	simm.s32 $0x800;
	s29 =	simm.s32 $0x100;
	[sflag:s18] =	ssyncset.done $0x0  }
.LBB2_9:
0x39: {  	s0 =	sadd.s32 $0x80, s29  }
0x3a: {  	[sflag:s18] =	ssyncadd.s32 $0xFFFFD800;
	s3 =	smov.u32 s30;
	s8 =	sadd.s32 $0x400, s30  }
0x3b: {  	[tilespmem:s22], [sflag:$0x2] =	stream.indirect.gather [hbm4b:s5+s20], $0x80, s0, s20, $0xb8;
	[tilespmem:$0x1B000] =	vst v63  }
0x3c: {  	p1 =	sne.s32 s30, $0x2C00;
	_ =	swait.ge [sflag:s23], $0x2800  }
0x3d: {  	[sflag:s23] =	ssyncset.done $0x0  }
0x3e: {  	s0 =	sadd.s32 $0x1000, s29;
	[sflag:s23] =	ssyncadd.s32 $0xFFFFD800  }
0x3f: {  	[spmem:s1] =	stream.indirect.scatter.add.f32 [tilespmem:s21], [sflag:$0x3], $0x80, s0, s20, $0xb8;
	[tilespmem:$0x1B000] =	vst v63  }
0x40: {  	_ =	swait.ge [sflag:s18], $0x2800  }
0x41: {  	[sflag:s18] =	ssyncset.done $0x0  }
0x42: {  	s0 =	sadd.s32 $0x100, s29;
	[sflag:s18] =	ssyncadd.s32 $0xFFFFD800  }
0x43: {  	[tilespmem:s21], [sflag:$0x1] =	stream.indirect.gather [hbm4b:s5+s20], $0x80, s0, s20, $0xb8;
	[tilespmem:$0x1B000] =	vst v63  }
0x44: {  	_ =	swait.ge [sflag:s24], $0x2800  }
.Ltmp3:
0x45: {  	[sflag:s24] =	ssyncset.done $0x0;
	(pc) =	sbr.rel @p1 .LBB2_9-.Ltmp3, $4  }
0x46: {  	s0 =	sadd.s32 $0x1080, s29;
	[sflag:s24] =	ssyncadd.s32 $0xFFFFD800  }
0x47: {  	[spmem:s1] =	stream.indirect.scatter.add.f32 [tilespmem:s22], [sflag:$0x3], $0x80, s0, s20, $0xb8;
	[tilespmem:$0x1B000] =	vst v63  }
0x48: {  	_ =	swait.ge [sflag:s18], $0x2800  }
0x49: {  	s30 =	smov.u32 s8;
	s29 =	sshra.s32 s3, $0x2;
	[sflag:s18] =	ssyncset.done $0x0  }
0x4a: {  	s0 =	sadd.s32 $0x80, s29;
	[sflag:s18] =	ssyncadd.s32 $0xFFFFD800  }
0x4b: {  	[tilespmem:s22], [sflag:$0x2] =	stream.indirect.gather [hbm4b:s5+s20], $0x80, s0, s20, $0xb8;
	[tilespmem:$0x1B000] =	vst v63  }
0x4c: {  	_ =	swait.ge [sflag:s23], $0x2800  }
0x4d: {  	[sflag:s23] =	ssyncset.done $0x0  }
0x4e: {  	s8 =	sadd.s32 $0x1000, s29;
	[sflag:s23] =	ssyncadd.s32 $0xFFFFD800  }
0x4f: {  	[spmem:s1] =	stream.indirect.scatter.add.f32 [tilespmem:s21], [sflag:$0x3], $0x80, s8, s20, $0xb8;
	[tilespmem:$0x1B000] =	vst v63  }
0x50: {  	_ =	swait.ge [sflag:s18], $0x2800  }
0x51: {  	[sflag:s18] =	ssyncset.done $0x0  }
0x52: {  	s30 =	sadd.s32 $0x100, s29;
	[sflag:s18] =	ssyncadd.s32 $0xFFFFD800  }
0x53: {  	[tilespmem:s21], [sflag:$0x1] =	stream.indirect.gather [hbm4b:s5+s20], $0x80, s30, s20, $0xb8;
	[tilespmem:$0x1B000] =	vst v63  }
0x54: {  	_ =	swait.ge [sflag:s24], $0x2800  }
0x55: {  	[sflag:s24] =	ssyncset.done $0x0  }
0x56: {  	s31 =	sadd.s32 $0x1080, s29;
	[sflag:s24] =	ssyncadd.s32 $0xFFFFD800  }
0x57: {  	[spmem:s1] =	stream.indirect.scatter.add.f32 [tilespmem:s22], [sflag:$0x3], $0x80, s31, s20, $0xb8;
	[tilespmem:$0x1B000] =	vst v63  }
0x58: {  	_ =	swait.ge [sflag:s18], $0x2800  }
0x59: {  	[sflag:s18] =	ssyncset.done $0x0  }
0x5a: {  	[sflag:s18] =	ssyncadd.s32 $0xFFFFD800  }
0x5b: {  	s28 =	sadd.s32 $0x1, s28;
	_ =	swait.ge [sflag:s23], $0x2800  }
0x5c: {  	p1 =	sne.s32 s28, $0x5;
	[sflag:s23] =	ssyncset.done $0x0  }
.Ltmp4:
0x5d: {  	[sflag:s23] =	ssyncadd.s32 $0xFFFFD800;
	(pc) =	sbr.rel @p1 .LBB2_8-.Ltmp4, $4  }
0x5e: {  	[spmem:s1] =	stream.indirect.scatter.add.f32 [tilespmem:s21], [sflag:$0x3], $0x80, s25, s20, $0xb8;
	[tilespmem:$0x1B000] =	vst v63  }
0x5f: {  	_ =	swait.ge [sflag:s18], $0x2800  }
0x60: {  	[sflag:s18] =	ssyncset.done $0x0  }
0x61: {  	[sflag:s18] =	ssyncadd.s32 $0xFFFFD800  }
.Ltmp5:
0x62: {  	(pc) =	sbr.rel .LBB2_12-.Ltmp5, $2  }
0x63: {  	_ =	sdelay $0x2  }
0x64: {  	s28 =	smov.u32 s9;
	s26 =	smov.u32 s16  }
.LBB2_2:
0x65: {  	s26 =	sor.u32 $0x1C03, s13  }
0x66: {  	[spmem:s17], [sflag:s26] =	dma.local [hbm:s11], $0x2800  }
0x67: {  	_ =	swait.ge [sflag:s18], $0x2800  }
0x68: {  	[sflag:s18] =	ssyncset.done $0x0  }
0x69: {  	[sflag:s18] =	ssyncadd.s32 $0xFFFFD800  }
0x6a: {  	s28 =	simm.s32 $0x0;
	s29 =	simm.s32 $0x0;
	[bflag:$0x0] =	sbarrier.arrive $0xFFFF  }
.LBB2_3:
0x6b: {  	s30 =	sadd.s32 s12, s29  }
0x6c: {  	s30 =	sshll.u32 s30, $0x9  }
0x6d: {  	s31 =	sadd.s32 s6, s30  }
0x6e: {  	[tilespmem:s28], [sflag:$0x3] =	stream.linear.gather [hbm4b:s31+s28], $0xC80, $0x38;
	[tilespmem:$0x1B000] =	vst v63  }
0x6f: {  	_ =	swait.ge [sflag:s18], $0xC80  }
0x70: {  	[sflag:s18] =	ssyncset.done $0x0  }
0x71: {  	s30 =	sadd.s32 s7, s30;
	[sflag:s18] =	ssyncadd.s32 $0xFFFFF380  }
0x72: {  	[tilespmem:s19], [sflag:$0x3] =	stream.linear.gather [hbm4b:s30+s28], $0xC80, $0x38;
	[tilespmem:$0x1B000] =	vst v63  }
0x73: {  	_ =	swait.ge [sflag:s18], $0xC80  }
0x74: {  	[sflag:s18] =	ssyncset.done $0x0  }
0x75: {  	[sflag:s18] =	ssyncadd.s32 $0xFFFFF380  }
0x76: {  	[tilespmem:s21], [sflag:$0x1] =	stream.indirect.gather [hbm4b:s4+s20], $0x80, s28, s20, $0xb8;
	[tilespmem:$0x1B000] =	vst v63  }
0x77: {  	s30 =	simm.s32 $0x80  }
0x78: {  	[tilespmem:s22], [sflag:$0x2] =	stream.indirect.gather [hbm4b:s4+s20], $0x80, s30, s20, $0xb8;
	[tilespmem:$0x1B000] =	vst v63  }
0x79: {  	_ =	swait.ge [sflag:s23], $0x2800  }
0x7a: {  	[sflag:s23] =	ssyncset.done $0x0  }
0x7b: {  	s30 =	simm.s32 $0x1000;
	[sflag:s23] =	ssyncadd.s32 $0xFFFFD800  }
0x7c: {  	[spmem:s1] =	stream.indirect.scatter.add.f32 [tilespmem:s21], [sflag:$0x3], $0x80, s30, s20, $0xb8;
	[tilespmem:$0x1B000] =	vst v63  }
0x7d: {  	_ =	swait.ge [sflag:s18], $0x2800  }
0x7e: {  	[sflag:s18] =	ssyncset.done $0x0  }
0x7f: {  	s30 =	simm.s32 $0x100;
	[sflag:s18] =	ssyncadd.s32 $0xFFFFD800  }
0x80: {  	[tilespmem:s21], [sflag:$0x1] =	stream.indirect.gather [hbm4b:s4+s20], $0x80, s30, s20, $0xb8;
	[tilespmem:$0x1B000] =	vst v63  }
0x81: {  	_ =	swait.ge [sflag:s24], $0x2800  }
0x82: {  	[sflag:s24] =	ssyncset.done $0x0  }
0x83: {  	s30 =	simm.s32 $0x1080;
	[sflag:s24] =	ssyncadd.s32 $0xFFFFD800  }
0x84: {  	[spmem:s1] =	stream.indirect.scatter.add.f32 [tilespmem:s22], [sflag:$0x3], $0x80, s30, s20, $0xb8;
	[tilespmem:$0x1B000] =	vst v63  }
0x85: {  	_ =	swait.ge [sflag:s18], $0x2800  }
0x86: {  	s31 =	simm.s32 $0x800;
	s30 =	simm.s32 $0x100;
	[sflag:s18] =	ssyncset.done $0x0  }
.LBB2_4:
0x87: {  	s0 =	sadd.s32 $0x80, s30  }
0x88: {  	[sflag:s18] =	ssyncadd.s32 $0xFFFFD800;
	s3 =	smov.u32 s31;
	s8 =	sadd.s32 $0x400, s31  }
0x89: {  	[tilespmem:s22], [sflag:$0x2] =	stream.indirect.gather [hbm4b:s4+s20], $0x80, s0, s20, $0xb8;
	[tilespmem:$0x1B000] =	vst v63  }
0x8a: {  	p1 =	sne.s32 s31, $0x2C00;
	_ =	swait.ge [sflag:s23], $0x2800  }
0x8b: {  	[sflag:s23] =	ssyncset.done $0x0  }
0x8c: {  	s0 =	sadd.s32 $0x1000, s30;
	[sflag:s23] =	ssyncadd.s32 $0xFFFFD800  }
0x8d: {  	[spmem:s1] =	stream.indirect.scatter.add.f32 [tilespmem:s21], [sflag:$0x3], $0x80, s0, s20, $0xb8;
	[tilespmem:$0x1B000] =	vst v63  }
0x8e: {  	_ =	swait.ge [sflag:s18], $0x2800  }
0x8f: {  	[sflag:s18] =	ssyncset.done $0x0  }
0x90: {  	s0 =	sadd.s32 $0x100, s30;
	[sflag:s18] =	ssyncadd.s32 $0xFFFFD800  }
0x91: {  	[tilespmem:s21], [sflag:$0x1] =	stream.indirect.gather [hbm4b:s4+s20], $0x80, s0, s20, $0xb8;
	[tilespmem:$0x1B000] =	vst v63  }
0x92: {  	_ =	swait.ge [sflag:s24], $0x2800  }
.Ltmp6:
0x93: {  	[sflag:s24] =	ssyncset.done $0x0;
	(pc) =	sbr.rel @p1 .LBB2_4-.Ltmp6, $4  }
0x94: {  	s0 =	sadd.s32 $0x1080, s30;
	[sflag:s24] =	ssyncadd.s32 $0xFFFFD800  }
0x95: {  	[spmem:s1] =	stream.indirect.scatter.add.f32 [tilespmem:s22], [sflag:$0x3], $0x80, s0, s20, $0xb8;
	[tilespmem:$0x1B000] =	vst v63  }
0x96: {  	_ =	swait.ge [sflag:s18], $0x2800  }
0x97: {  	s31 =	smov.u32 s8;
	s30 =	sshra.s32 s3, $0x2;
	[sflag:s18] =	ssyncset.done $0x0  }
0x98: {  	s0 =	sadd.s32 $0x80, s30;
	[sflag:s18] =	ssyncadd.s32 $0xFFFFD800  }
0x99: {  	[tilespmem:s22], [sflag:$0x2] =	stream.indirect.gather [hbm4b:s4+s20], $0x80, s0, s20, $0xb8;
	[tilespmem:$0x1B000] =	vst v63  }
0x9a: {  	_ =	swait.ge [sflag:s23], $0x2800  }
0x9b: {  	[sflag:s23] =	ssyncset.done $0x0  }
0x9c: {  	s3 =	sadd.s32 $0x1000, s30;
	[sflag:s23] =	ssyncadd.s32 $0xFFFFD800  }
0x9d: {  	[spmem:s1] =	stream.indirect.scatter.add.f32 [tilespmem:s21], [sflag:$0x3], $0x80, s3, s20, $0xb8;
	[tilespmem:$0x1B000] =	vst v63  }
0x9e: {  	_ =	swait.ge [sflag:s18], $0x2800  }
0x9f: {  	[sflag:s18] =	ssyncset.done $0x0  }
0xa0: {  	s8 =	sadd.s32 $0x100, s30;
	[sflag:s18] =	ssyncadd.s32 $0xFFFFD800  }
0xa1: {  	[tilespmem:s21], [sflag:$0x1] =	stream.indirect.gather [hbm4b:s4+s20], $0x80, s8, s20, $0xb8;
	[tilespmem:$0x1B000] =	vst v63  }
0xa2: {  	_ =	swait.ge [sflag:s24], $0x2800  }
0xa3: {  	[sflag:s24] =	ssyncset.done $0x0  }
0xa4: {  	s31 =	sadd.s32 $0x1080, s30;
	[sflag:s24] =	ssyncadd.s32 $0xFFFFD800  }
0xa5: {  	[spmem:s1] =	stream.indirect.scatter.add.f32 [tilespmem:s22], [sflag:$0x3], $0x80, s31, s20, $0xb8;
	[tilespmem:$0x1B000] =	vst v63  }
0xa6: {  	_ =	swait.ge [sflag:s18], $0x2800  }
0xa7: {  	[sflag:s18] =	ssyncset.done $0x0  }
0xa8: {  	[sflag:s18] =	ssyncadd.s32 $0xFFFFD800  }
0xa9: {  	s29 =	sadd.s32 $0x1, s29;
	_ =	swait.ge [sflag:s23], $0x2800  }
0xaa: {  	p1 =	seq.s32 s29, $0x5;
	[sflag:s23] =	ssyncset.done $0x0  }
.Ltmp7:
0xab: {  	[sflag:s23] =	ssyncadd.s32 $0xFFFFD800;
	(pc) =	sbr.rel @!p1 .LBB2_3-.Ltmp7, $4  }
0xac: {  	[spmem:s1] =	stream.indirect.scatter.add.f32 [tilespmem:s21], [sflag:$0x3], $0x80, s25, s20, $0xb8;
	[tilespmem:$0x1B000] =	vst v63  }
0xad: {  	_ =	swait.ge [sflag:s18], $0x2800  }
0xae: {  	[sflag:s18] =	ssyncset.done $0x0  }
0xaf: {  	[sflag:s18] =	ssyncadd.s32 $0xFFFFD800  }
.Ltmp8:
0xb0: {  	(pc) =	sbr.rel .LBB2_12-.Ltmp8, $2  }
0xb1: {  	_ =	sdelay $0x2  }
0xb2: {  	s28 =	rddreg [dreg:$0x3]  }
.LBB2_13:
0xb3: {  	_ =	sfence.sel $0x180000  }
0xb4: {  	[bflag:$0x0] =	sbarrier.arrive $0xFFFF  }
0xb5: {  	_ =	strace $0x9000004A  }
0xb6: {  	s0 =	stileid.u32;
	[bflag:$0x2] =	sbarrier.arrive $0xFFFF  }
0xb7: {  	p0 =	sne.s32 s0, $0x0;
	s0 =	rddreg [dreg:$0x2]  }
0xb8: {  	s0 =	sadd.s32 @!p0 $0x100000, s0  }
0xb9: {  	[sflag:s0] =	ssyncadd.tile.s32 @!p0 $0x1;
	_ =	shalt  }
.Lfunc_end2:
_tile_overlayer_lowered:
.L_overlay_start_2:
0xba: {  	(tag) =	ssettag $0x2  }
0xbb: {  	s0 =	rddreg [dreg:$0x0];
	s2 =	stileid.u32  }
0xbc: {  	s1 =	rddreg [dreg:$0x1];
	p0 =	sne.s32 s2, $0x0  }
0xbd: {  	s3 =	rddreg [dreg:$0x2];
	[bflag:$0x3] =	sbarrier.arrive $0xFFFF;
	s2 =	simm.s32 @!p0 $0x1C03  }
0xbe: {  	[timem:s3], [sflag:s2] =	dma.local @!p0 [hbm:s0], s1  }
0xbf: {  	s0 =	simm.s32 @!p0 $0x3  }
0xc0: {  	_ =	swait.ge @!p0 [sflag:s0], s1  }
0xc1: {  	s1 =	ssub.s32 @!p0 $0x0, s1;
	[sflag:s0] =	ssyncset.done @!p0 $0x0  }
0xc2: {  	[sflag:s0] =	ssyncadd.s32 @!p0 s1  }
0xc3: {  	[bflag:$0x3] =	sbarrier.arrive $0xFFFF  }
0xc4: {  	_ =	shalt  }

// kernel: kernel.15.cloned.1.call-start
scs
__scs_entry_jumppad:
0x0: {  	(pc) =	sbr.rel $0x88, $3  }
0x1: {  	(tag) =	ssettag $0x0;
	lr =	simm.s32 $0x1  }
0x2: {  	[smem:$0x3F98] =	sst lr;
	_ =	strace $0xD0000000  }
0x3: {  	_ = 	snop  }
0x4: {  	_ = 	snop  }
0x5: {  	_ = 	snop  }
0x6: {  	_ = 	snop  }
0x7: {  	_ = 	snop  }
__scs_overlays_trampoline_lowered:
0x8: {  	[smem:$0x3FA7] =	sst s0  }
0x9: {  	[smem:$0x3FA8] =	sst s1  }
0xa: {  	[smem:$0x3FA9] =	sst s2  }
0xb: {  	[smem:$0x3FAA] =	sst s3  }
0xc: {  	[smem:$0x3FAB] =	sst s4  }
0xd: {  	[smem:$0x3FAC] =	sst s5  }
0xe: {  	[smem:$0x3FAD] =	sst s6  }
0xf: {  	[smem:$0x3FAE] =	sst s7  }
0x10: {  	[smem:$0x3FAF] =	sst s8  }
0x11: {  	[smem:$0x3FB0] =	sst s9;
	s0 =	simm.s32 @!p0 $0x0  }
0x12: {  	s1 =	sld [smem:$0x3F96];
	s0 =	simm.s32 @p0 $0x1  }
0x13: {  	[smem:$0x3FB1] =	sst s0;
	s0 =	simm.s32 @!p1 $0x0  }
0x14: {  	s2 =	sld [smem:$0x3F95];
	s0 =	simm.s32 @p1 $0x1  }
0x15: {  	[smem:$0x3FB2] =	sst s0;
	s0 =	simm.s32 @!p2 $0x0  }
0x16: {  	s3 =	sld [smem:$0x3FDB];
	s0 =	simm.s32 @p2 $0x1  }
0x17: {  	s4 =	simm.s32 $0x1BF5;
	[smem:$0x3FB4] =	sst s0  }
0x18: {  	s0 =	sld [smem:$0x3F97];
	_ =	swait.ge [sflag:s4], $0x0  }
0x19: {  	s7 =	sld [smem:$0x3F98]  }
0x1a: {  	s8 =	sadd.s32 $0xFFFFE003, lr  }
0x1b: {  	s9 =	sadd.s32 $0xFFFFFEF7, lr;
	s5 =	simm.s32 $0xFFFFFFFF;
	p2 =	slt.u32 s8, $0xFFFFF086  }
0x1c: {  	p1 =	slt.u32 s9, $0xF7A;
	s5 =	simm.s32 @!p2 $0x0  }
0x1d: {  	s5 =	simm.s32 @p1 $0x1;
	p0 =	seq.s32 s7, s2  }
0x1e: {  	s7 =	smul.u32 @!p0 $0xF7A, s2;
	p2 =	seq.s32 @!p0 s5, $0x0  }
0x1f: {  	s9 =	smul.u32 $0xF7A, s1;
	s8 =	simm.s32 @!p0 $0x1BF5;
	p2 =	por !p2, p0  }
0x20: {  	[sflag:s8] =	ssyncset.s32 @!p0 $0xFFFFF086;
	s6 =	sadd.s32 @!p0 s3, s7;
	s7 =	simm.s32 @!p0 $0x108  }
0x21: {  	s3 =	sadd.s32 s3, s9;
	s6 =	sadd.s32 @!p0 $0x88, s6;
	s7 =	simm.s32 @p2 $0x1082  }
0x22: {  	[simem:s7], [sflag:s8] =	dma.local @!p0 [hbm:s6], $0xF7A  }
0x23: {  	s9 =	sor.u32 $0xD0000000, s2;
	s6 =	simm.s32 $0x108;
	_ =	swait.ge @!p0 [sflag:s8], $0x0  }
0x24: {  	s3 =	sadd.s32 $0x88, s3;
	s6 =	simm.s32 @!p1 $0x1082;
	[sflag:s4] =	ssyncset.s32 $0xFFFFF086  }
0x25: {  	[simem:s6], [sflag:s4] =	dma.local [hbm:s3], $0xF7A  }
0x26: {  	[smem:$0x3F98] =	sst s1;
	(tag) =	ssettag s2;
	_ =	strace s9  }
0x27: {  	s1 =	sld [smem:$0x3FA8]  }
0x28: {  	s2 =	sld [smem:$0x3FA9]  }
0x29: {  	s4 =	sld [smem:$0x3FAB]  }
0x2a: {  	p0 =	seq.s32 s5, $0x0;
	s5 =	sld [smem:$0x3FAC]  }
0x2b: {  	s6 =	sld [smem:$0x3FAD]  }
0x2c: {  	s7 =	sld [smem:$0x3FAE]  }
0x2d: {  	s3 =	simm.s32 $0x108;
	s8 =	sld [smem:$0x3FAF]  }
0x2e: {  	s3 =	simm.s32 @!p0 $0x1082;
	s9 =	sld [smem:$0x3FB0]  }
0x2f: {  	lr =	sadd.s32 s0, s3;
	s0 =	sld [smem:$0x3FA7]  }
0x30: {  	s3 =	sld [smem:$0x3FAA]  }
0x31: {  	[smem:$0x3FB3] =	sst s10  }
0x32: {  	s10 =	sld [smem:$0x3FB1];
	_ =	sdelay $0x3  }
0x33: {  	p0 =	seq.s32 s10, $0x1;
	s10 =	sld [smem:$0x3FB3];
	_ =	sdelay $0x3  }
0x34: {  	[smem:$0x3FB3] =	sst s10  }
0x35: {  	s10 =	sld [smem:$0x3FB2];
	_ =	sdelay $0x3  }
0x36: {  	p1 =	seq.s32 s10, $0x1;
	s10 =	sld [smem:$0x3FB3];
	_ =	sdelay $0x3  }
0x37: {  	[smem:$0x3FB3] =	sst s10  }
0x38: {  	s10 =	sld [smem:$0x3FB4]  }
0x39: {  	_ = 	snop;
	(pc) =	sbr.ind lr, $3  }
0x3a: {  	_ = 	snop  }
0x3b: {  	_ = 	snop  }
0x3c: {  	p2 =	seq.s32 s10, $0x1;
	s10 =	sld [smem:$0x3FB3]  }
0x3d: {  	_ =	shalt  }
0x3e: {  	_ =	shalt  }
0x3f: {  	_ =	shalt  }
0x40: {  	_ =	shalt  }
0x41: {  	_ =	shalt  }
0x42: {  	_ =	shalt  }
0x43: {  	_ =	shalt  }
0x44: {  	_ =	shalt  }
0x45: {  	_ =	shalt  }
0x46: {  	_ =	shalt  }
0x47: {  	_ =	shalt  }
0x48: {  	_ =	shalt  }
0x49: {  	_ =	shalt  }
0x4a: {  	_ =	shalt  }
0x4b: {  	_ =	shalt  }
0x4c: {  	_ =	shalt  }
0x4d: {  	_ =	shalt  }
0x4e: {  	_ =	shalt  }
0x4f: {  	_ =	shalt  }
0x50: {  	_ =	shalt  }
0x51: {  	_ =	shalt  }
0x52: {  	_ =	shalt  }
0x53: {  	_ =	shalt  }
0x54: {  	_ =	shalt  }
0x55: {  	_ =	shalt  }
0x56: {  	_ =	shalt  }
0x57: {  	_ =	shalt  }
0x58: {  	_ =	shalt  }
0x59: {  	_ =	shalt  }
0x5a: {  	_ =	shalt  }
0x5b: {  	_ =	shalt  }
0x5c: {  	_ =	shalt  }
0x5d: {  	_ =	shalt  }
0x5e: {  	_ =	shalt  }
0x5f: {  	_ =	shalt  }
0x60: {  	_ =	shalt  }
0x61: {  	_ =	shalt  }
0x62: {  	_ =	shalt  }
0x63: {  	_ =	shalt  }
0x64: {  	_ =	shalt  }
0x65: {  	_ =	shalt  }
0x66: {  	_ =	shalt  }
0x67: {  	_ =	shalt  }
0x68: {  	_ =	shalt  }
0x69: {  	_ =	shalt  }
0x6a: {  	_ =	shalt  }
0x6b: {  	_ =	shalt  }
0x6c: {  	_ =	shalt  }
0x6d: {  	_ =	shalt  }
0x6e: {  	_ =	shalt  }
0x6f: {  	_ =	shalt  }
0x70: {  	_ =	shalt  }
0x71: {  	_ =	shalt  }
0x72: {  	_ =	shalt  }
0x73: {  	_ =	shalt  }
0x74: {  	_ =	shalt  }
0x75: {  	_ =	shalt  }
0x76: {  	_ =	shalt  }
0x77: {  	_ =	shalt  }
0x78: {  	_ =	shalt  }
0x79: {  	_ =	shalt  }
0x7a: {  	_ =	shalt  }
0x7b: {  	_ =	shalt  }
0x7c: {  	_ =	shalt  }
0x7d: {  	_ =	shalt  }
0x7e: {  	_ =	shalt  }
0x7f: {  	_ =	shalt  }
0x80: {  	_ =	shalt  }
0x81: {  	_ =	shalt  }
0x82: {  	_ =	shalt  }
0x83: {  	_ =	shalt  }
0x84: {  	_ =	shalt  }
0x85: {  	_ =	shalt  }
0x86: {  	_ =	shalt  }
0x87: {  	_ =	shalt  }
.Lfunc_end0:
.L_simem_size_0:
called_computation.2_lowered:
.L_overlay_start_0:
0x88: {  	s2 =	sld [smem:$0x3FD9]  }
0x89: {  	s3 =	sld [smem:$0x3FFE];
	_ =	sdelay $0x1  }
0x8a: {  	s1 =	srdreg.scid  }
0x8b: {  	s0 =	sand.u32 $0x1, s1  }
0x8c: {  	s16 =	sshll.u32 s0, $0xA;
	s2 =	sadd.s32 s3, s2  }
0x8d: {  	s2 =	sadd.s32 s2, s16  }
0x8e: {  	[smem:$0x3FBF] =	sst s2  }
0x8f: {  	_ = 	snop  }
0x90: {  	(tm) =	ssettm $0x1  }
0x91: {  	s17 =	sld [smem:$0x3FFB];
	_ =	sdelay $0x3  }
0x92: {  	_ =	strace s17  }
0x93: {  	s2 =	sld [smem:$0x3FFC];
	_ =	sdelay $0x3  }
0x94: {  	_ =	strace s2  }
0x95: {  	s2 =	sld [smem:$0x3FFD];
	_ =	sdelay $0x3  }
0x96: {  	_ =	strace s2  }
0x97: {  	_ =	strace $0x8FFFFFFF  }
0x98: {  	s18 =	sld [smem:$0x3FDB];
	_ =	sdelay $0x1  }
0x99: {  	s19 =	simm.s32 $_scs_section_size  }
0x9a: {  	s4 =	simm.s32 $_size__tile_overlayer_lowered;
	s5 =	simm.s32 $_tile_overlayer_lowered  }
0x9b: {  	s22 =	simm.s32 $0x1BFF;
	s21 =	sshll.u32 s5, $0x1;
	s2 =	sadd.s32 s19, s18  }
0x9c: {  	s6 =	simm.s32 $0x0;
	s20 =	sshll.u32 s4, $0x1;
	s4 =	sadd.s32 s21, s2  }
0x9d: {  	[timem:s6], [sflag:s22] =	dma.local [hbm:s4], s20  }
0x9e: {  	_ =	swait.ge [sflag:s22], s20  }
0x9f: {  	s3 =	ssub.s32 $0x0, s20;
	[sflag:s22] =	ssyncset.done $0x0  }
0xa0: {  	[sflag:s22] =	ssyncadd.s32 s3;
	_ =	sdelay $0x1  }
0xa1: {  	s23 =	simm.s32 $0x1B8B  }
0xa2: {  	_ =	swait.ge [sflag:s23], $0x1  }
0xa3: {  	[sflag:s23] =	ssyncset.done $0x0  }
0xa4: {  	s25 =	simm.s32 $0x1B8E;
	s24 =	sld [smem:$0x3FFE];
	[sflag:s23] =	ssyncadd.s32 $0xFFFFFFFF  }
0xa5: {  	s26 =	simm.s32 $execute0_lowered;
	[smem:$0x3FD2] =	sst s25  }
0xa6: {  	s4 =	sshll.u32 s26, $0x1;
	_ =	strace $0x8000004C;
	[dreg:$0x1] =	wrdreg $0xFFFFFFFF  }
0xa7: {  	s28 =	simm.s32 $_size_execute0_lowered;
	s2 =	sadd.s32 s2, s4;
	[dreg:$0x0] =	wrdreg $0x0  }
0xa8: {  	s4 =	sshll.u32 s28, $0x1;
	[dreg:$0x2] =	wrdreg s2  }
0xa9: {  	[dreg:$0x3] =	wrdreg s4  }
0xaa: {  	[dreg:$0x4] =	wrdreg $0xC0  }
0xab: {  	_ =	task [dreg:s6], $0x5FFFF  }
0xac: {  	[dreg:$0x1] =	wrdreg $0xFFFFFFFF  }
0xad: {  	[dreg:$0x0] =	wrdreg $0x60  }
0xae: {  	[dreg:$0x2] =	wrdreg s24  }
0xaf: {  	[dreg:$0x3] =	wrdreg $0x70000  }
0xb0: {  	[dreg:$0x4] =	wrdreg $0x9  }
0xb1: {  	_ =	task.clear_ibuf [dreg:s6], $0x5FFFF;
	_ =	strace $0x9000004C  }
0xb2: {  	s29 =	simm.s32 $0x9;
	_ =	strace $0x8000004E  }
0xb3: {  	_ =	swait.ge [sflag:s29], $0x1  }
0xb4: {  	[sflag:s29] =	ssyncadd.s32 $0xFFFFFFFF  }
0xb5: {  	_ =	strace $0x9000004E  }
0xb6: {  	_ =	sfence  }
0xb7: {  	s30 =	sld [smem:$0x0];
	_ =	sdelay $0x2  }
0xb8: {  	s31 =	sshll.u32 s1, $0xD;
	s1 =	sshrl.u32 s1, $0x2  }
0xb9: {  	s3 =	sand.u32 $0x4000, s31;
	s1 =	sadd.s32 s1, s30  }
0xba: {  	s0 =	sor.u32 s3, s0;
	s1 =	sshll.u32 s1, $0x11  }
0xbb: {  	s0 =	sor.u32 s1, s0  }
0xbc: {  	s0 =	sadd.s32 $0x8F2B, s0  }
0xbd: {  	[sflag:s0] =	ssyncadd.remote.s32 $0x1  }
0xbe: {  	_ =	sfence.sel $0xFFFF  }
0xbf: {  	[dreg:$0x0] =	wrdreg $0xFFFFFFFF;
	(pc) =	sbr.abs _section_cstart, $3  }
0xc0: {  	[dreg:$0x1] =	wrdreg $0xFFFFFFFF  }
0xc1: {  	_ =	task.clear_ibuf [dreg:s6], $0x2FFFF;
	_ =	strace $0x9FFFFFFF  }
0xc2: {  	(tm) =	ssettm $0x7FFFFFFF  }
0xc3: {  	_ =	shalt  }
tec
execute0_lowered:
.L_overlay_start_1:
0x0: {  	(tag) =	ssettag $0x1  }
0x1: {  	s9 =	rddreg [dreg:$0x0]  }
0x2: {  	s1 =	rddreg [dreg:$0x1];
	s2 =	simm.s32 $0x0  }
0x3: {  	s8 =	srdreg.scid;
	s0 =	stileid.u32;
	s18 =	simm.s32 $0x3  }
0x4: {  	s19 =	simm.s32 $0x1000;
	s20 =	simm.s32 $0x50;
	s21 =	simm.s32 $0x2000  }
0x5: {  	s22 =	simm.s32 $0x4800;
	s23 =	simm.s32 $0x1;
	s24 =	simm.s32 $0x2  }
0x6: {  	s25 =	simm.s32 $0x1C00;
	[smem:$0x7FF] =	sst s2;
	s4 =	sadd.s32 $0x4200, s9  }
0x7: {  	s5 =	sadd.s32 $0x2C200, s9;
	s6 =	sadd.s32 $0x69000, s9;
	s7 =	sadd.s32 $0x5F000, s9  }
0x8: {  	s11 =	sand.u32 $0x1, s8;
	s10 =	smul.u32 $0x50000, s0;
	s3 =	sadd.s32 $0x9B000, s9  }
0x9: {  	s9 =	sadd.s32 $0xC3000, s9;
	_ =	strace $0x8000004D;
	[dreg:$0x3] =	wrdreg s3  }
.Ltmp0:
0xa: {  	s12 =	ssub.s32 $0x2, s11;
	p0 =	seq.s32 s11, $0x1;
	(pc) =	sbr.rel .LBB2_1-.Ltmp0, $4  }
0xb: {  	s13 =	sshrl.u32 s12, $0x1;
	s14 =	sshrl.u32 s10, $0x2;
	s10 =	smul.u32 $0x2800, s0  }
0xc: {  	s15 =	ssub.s32 s12, s13;
	s17 =	sadd.s32 s14, s1;
	s12 =	smul.u32 $0x5, s0  }
0xd: {  	s13 =	sshll.u32 s0, $0x6;
	s11 =	sadd.s32 s4, s10;
	s14 =	sadd.s32 s5, s10  }
0xe: {  	s15 =	smax.u32 s15, $0x1;
	s16 =	sor.u32 $0x1C03, s13;
	s17 =	sshrl.u32 s17, $0x3  }
.LBB2_12:
0xf: {  	s2 =	sadd.s32 $0x1, s2  }
0x10: {  	p1 =	sne.s32 s2, s15  }
.Ltmp1:
0x11: {  	s0 =	sadd.s32 s28, s10;
	[bflag:$0x0] =	sbarrier.arrive $0xFFFF;
	(pc) =	sbr.rel @!p1 .LBB2_13-.Ltmp1, $4  }
0x12: {  	[hbm:s0], [sflag:s26] =	dma.local [spmem:s17], $0x2800  }
0x13: {  	_ =	swait.ge [sflag:s18], $0x2800  }
0x14: {  	[sflag:s18] =	ssyncset.done $0x0  }
0x15: {  	[sflag:s18] =	ssyncadd.s32 $0xFFFFD800  }
.LBB2_1:
.Ltmp2:
0x16: {  	(pc) =	sbr.rel @!p0 .LBB2_2-.Ltmp2, $1  }
0x17: {  	_ =	sdelay $0x3  }
0x18: {  	[spmem:s17], [sflag:s16] =	dma.local [hbm:s14], $0x2800  }
0x19: {  	_ =	swait.ge [sflag:s18], $0x2800  }
0x1a: {  	[sflag:s18] =	ssyncset.done $0x0  }
0x1b: {  	[sflag:s18] =	ssyncadd.s32 $0xFFFFD800  }
0x1c: {  	s26 =	simm.s32 $0x0;
	s28 =	simm.s32 $0x0;
	[bflag:$0x0] =	sbarrier.arrive $0xFFFF  }
.LBB2_8:
0x1d: {  	s0 =	sadd.s32 s12, s28  }
0x1e: {  	s0 =	sshll.u32 s0, $0x9  }
0x1f: {  	s3 =	sadd.s32 s6, s0  }
0x20: {  	[tilespmem:s26], [sflag:$0x3] =	stream.linear.gather [hbm4b:s3+s26], $0xC80, $0x38;
	[tilespmem:$0x1B000] =	vst v63  }
0x21: {  	_ =	swait.ge [sflag:s18], $0xC80  }
0x22: {  	[sflag:s18] =	ssyncset.done $0x0  }
0x23: {  	s0 =	sadd.s32 s7, s0;
	[sflag:s18] =	ssyncadd.s32 $0xFFFFF380  }
0x24: {  	[tilespmem:s19], [sflag:$0x3] =	stream.linear.gather [hbm4b:s0+s26], $0xC80, $0x38;
	[tilespmem:$0x1B000] =	vst v63  }
0x25: {  	_ =	swait.ge [sflag:s18], $0xC80  }
0x26: {  	[sflag:s18] =	ssyncset.done $0x0  }
0x27: {  	[sflag:s18] =	ssyncadd.s32 $0xFFFFF380  }
0x28: {  	[tilespmem:s21], [sflag:$0x1] =	stream.indirect.gather [hbm4b:s5+s20], $0x80, s26, s20, $0xb8;
	[tilespmem:$0x1B000] =	vst v63  }
0x29: {  	s31 =	simm.s32 $0x80  }
0x2a: {  	[tilespmem:s22], [sflag:$0x2] =	stream.indirect.gather [hbm4b:s5+s20], $0x80, s31, s20, $0xb8;
	[tilespmem:$0x1B000] =	vst v63  }
0x2b: {  	_ =	swait.ge [sflag:s23], $0x2800  }
0x2c: {  	[sflag:s23] =	ssyncset.done $0x0  }
0x2d: {  	s3 =	simm.s32 $0x1000;
	[sflag:s23] =	ssyncadd.s32 $0xFFFFD800  }
0x2e: {  	[spmem:s1] =	stream.indirect.scatter.add.f32 [tilespmem:s21], [sflag:$0x3], $0x80, s3, s20, $0xb8;
	[tilespmem:$0x1B000] =	vst v63  }
0x2f: {  	_ =	swait.ge [sflag:s18], $0x2800  }
0x30: {  	[sflag:s18] =	ssyncset.done $0x0  }
0x31: {  	s8 =	simm.s32 $0x100;
	[sflag:s18] =	ssyncadd.s32 $0xFFFFD800  }
0x32: {  	[tilespmem:s21], [sflag:$0x1] =	stream.indirect.gather [hbm4b:s5+s20], $0x80, s8, s20, $0xb8;
	[tilespmem:$0x1B000] =	vst v63  }
0x33: {  	_ =	swait.ge [sflag:s24], $0x2800  }
0x34: {  	[sflag:s24] =	ssyncset.done $0x0  }
0x35: {  	s31 =	simm.s32 $0x1080;
	[sflag:s24] =	ssyncadd.s32 $0xFFFFD800  }
0x36: {  	[spmem:s1] =	stream.indirect.scatter.add.f32 [tilespmem:s22], [sflag:$0x3], $0x80, s31, s20, $0xb8;
	[tilespmem:$0x1B000] =	vst v63  }
0x37: {  	_ =	swait.ge [sflag:s18], $0x2800  }
0x38: {  	s30 =	simm.s32 $0x800;
	s29 =	simm.s32 $0x100;
	[sflag:s18] =	ssyncset.done $0x0  }
.LBB2_9:
0x39: {  	s0 =	sadd.s32 $0x80, s29  }
0x3a: {  	[sflag:s18] =	ssyncadd.s32 $0xFFFFD800;
	s3 =	smov.u32 s30;
	s8 =	sadd.s32 $0x400, s30  }
0x3b: {  	[tilespmem:s22], [sflag:$0x2] =	stream.indirect.gather [hbm4b:s5+s20], $0x80, s0, s20, $0xb8;
	[tilespmem:$0x1B000] =	vst v63  }
0x3c: {  	p1 =	sne.s32 s30, $0x2C00;
	_ =	swait.ge [sflag:s23], $0x2800  }
0x3d: {  	[sflag:s23] =	ssyncset.done $0x0  }
0x3e: {  	s0 =	sadd.s32 $0x1000, s29;
	[sflag:s23] =	ssyncadd.s32 $0xFFFFD800  }
0x3f: {  	[spmem:s1] =	stream.indirect.scatter.add.f32 [tilespmem:s21], [sflag:$0x3], $0x80, s0, s20, $0xb8;
	[tilespmem:$0x1B000] =	vst v63  }
0x40: {  	_ =	swait.ge [sflag:s18], $0x2800  }
0x41: {  	[sflag:s18] =	ssyncset.done $0x0  }
0x42: {  	s0 =	sadd.s32 $0x100, s29;
	[sflag:s18] =	ssyncadd.s32 $0xFFFFD800  }
0x43: {  	[tilespmem:s21], [sflag:$0x1] =	stream.indirect.gather [hbm4b:s5+s20], $0x80, s0, s20, $0xb8;
	[tilespmem:$0x1B000] =	vst v63  }
0x44: {  	_ =	swait.ge [sflag:s24], $0x2800  }
.Ltmp3:
0x45: {  	[sflag:s24] =	ssyncset.done $0x0;
	(pc) =	sbr.rel @p1 .LBB2_9-.Ltmp3, $4  }
0x46: {  	s0 =	sadd.s32 $0x1080, s29;
	[sflag:s24] =	ssyncadd.s32 $0xFFFFD800  }
0x47: {  	[spmem:s1] =	stream.indirect.scatter.add.f32 [tilespmem:s22], [sflag:$0x3], $0x80, s0, s20, $0xb8;
	[tilespmem:$0x1B000] =	vst v63  }
0x48: {  	_ =	swait.ge [sflag:s18], $0x2800  }
0x49: {  	s30 =	smov.u32 s8;
	s29 =	sshra.s32 s3, $0x2;
	[sflag:s18] =	ssyncset.done $0x0  }
0x4a: {  	s0 =	sadd.s32 $0x80, s29;
	[sflag:s18] =	ssyncadd.s32 $0xFFFFD800  }
0x4b: {  	[tilespmem:s22], [sflag:$0x2] =	stream.indirect.gather [hbm4b:s5+s20], $0x80, s0, s20, $0xb8;
	[tilespmem:$0x1B000] =	vst v63  }
0x4c: {  	_ =	swait.ge [sflag:s23], $0x2800  }
0x4d: {  	[sflag:s23] =	ssyncset.done $0x0  }
0x4e: {  	s8 =	sadd.s32 $0x1000, s29;
	[sflag:s23] =	ssyncadd.s32 $0xFFFFD800  }
0x4f: {  	[spmem:s1] =	stream.indirect.scatter.add.f32 [tilespmem:s21], [sflag:$0x3], $0x80, s8, s20, $0xb8;
	[tilespmem:$0x1B000] =	vst v63  }
0x50: {  	_ =	swait.ge [sflag:s18], $0x2800  }
0x51: {  	[sflag:s18] =	ssyncset.done $0x0  }
0x52: {  	s30 =	sadd.s32 $0x100, s29;
	[sflag:s18] =	ssyncadd.s32 $0xFFFFD800  }
0x53: {  	[tilespmem:s21], [sflag:$0x1] =	stream.indirect.gather [hbm4b:s5+s20], $0x80, s30, s20, $0xb8;
	[tilespmem:$0x1B000] =	vst v63  }
0x54: {  	_ =	swait.ge [sflag:s24], $0x2800  }
0x55: {  	[sflag:s24] =	ssyncset.done $0x0  }
0x56: {  	s31 =	sadd.s32 $0x1080, s29;
	[sflag:s24] =	ssyncadd.s32 $0xFFFFD800  }
0x57: {  	[spmem:s1] =	stream.indirect.scatter.add.f32 [tilespmem:s22], [sflag:$0x3], $0x80, s31, s20, $0xb8;
	[tilespmem:$0x1B000] =	vst v63  }
0x58: {  	_ =	swait.ge [sflag:s18], $0x2800  }
0x59: {  	[sflag:s18] =	ssyncset.done $0x0  }
0x5a: {  	[sflag:s18] =	ssyncadd.s32 $0xFFFFD800  }
0x5b: {  	s28 =	sadd.s32 $0x1, s28;
	_ =	swait.ge [sflag:s23], $0x2800  }
0x5c: {  	p1 =	sne.s32 s28, $0x5;
	[sflag:s23] =	ssyncset.done $0x0  }
.Ltmp4:
0x5d: {  	[sflag:s23] =	ssyncadd.s32 $0xFFFFD800;
	(pc) =	sbr.rel @p1 .LBB2_8-.Ltmp4, $4  }
0x5e: {  	[spmem:s1] =	stream.indirect.scatter.add.f32 [tilespmem:s21], [sflag:$0x3], $0x80, s25, s20, $0xb8;
	[tilespmem:$0x1B000] =	vst v63  }
0x5f: {  	_ =	swait.ge [sflag:s18], $0x2800  }
0x60: {  	[sflag:s18] =	ssyncset.done $0x0  }
0x61: {  	[sflag:s18] =	ssyncadd.s32 $0xFFFFD800  }
.Ltmp5:
0x62: {  	(pc) =	sbr.rel .LBB2_12-.Ltmp5, $2  }
0x63: {  	_ =	sdelay $0x2  }
0x64: {  	s28 =	smov.u32 s9;
	s26 =	smov.u32 s16  }
.LBB2_2:
0x65: {  	s26 =	sor.u32 $0x1C03, s13  }
0x66: {  	[spmem:s17], [sflag:s26] =	dma.local [hbm:s11], $0x2800  }
0x67: {  	_ =	swait.ge [sflag:s18], $0x2800  }
0x68: {  	[sflag:s18] =	ssyncset.done $0x0  }
0x69: {  	[sflag:s18] =	ssyncadd.s32 $0xFFFFD800  }
0x6a: {  	s28 =	simm.s32 $0x0;
	s29 =	simm.s32 $0x0;
	[bflag:$0x0] =	sbarrier.arrive $0xFFFF  }
.LBB2_3:
0x6b: {  	s30 =	sadd.s32 s12, s29  }
0x6c: {  	s30 =	sshll.u32 s30, $0x9  }
0x6d: {  	s31 =	sadd.s32 s6, s30  }
0x6e: {  	[tilespmem:s28], [sflag:$0x3] =	stream.linear.gather [hbm4b:s31+s28], $0xC80, $0x38;
	[tilespmem:$0x1B000] =	vst v63  }
0x6f: {  	_ =	swait.ge [sflag:s18], $0xC80  }
0x70: {  	[sflag:s18] =	ssyncset.done $0x0  }
0x71: {  	s30 =	sadd.s32 s7, s30;
	[sflag:s18] =	ssyncadd.s32 $0xFFFFF380  }
0x72: {  	[tilespmem:s19], [sflag:$0x3] =	stream.linear.gather [hbm4b:s30+s28], $0xC80, $0x38;
	[tilespmem:$0x1B000] =	vst v63  }
0x73: {  	_ =	swait.ge [sflag:s18], $0xC80  }
0x74: {  	[sflag:s18] =	ssyncset.done $0x0  }
0x75: {  	[sflag:s18] =	ssyncadd.s32 $0xFFFFF380  }
0x76: {  	[tilespmem:s21], [sflag:$0x1] =	stream.indirect.gather [hbm4b:s4+s20], $0x80, s28, s20, $0xb8;
	[tilespmem:$0x1B000] =	vst v63  }
0x77: {  	s30 =	simm.s32 $0x80  }
0x78: {  	[tilespmem:s22], [sflag:$0x2] =	stream.indirect.gather [hbm4b:s4+s20], $0x80, s30, s20, $0xb8;
	[tilespmem:$0x1B000] =	vst v63  }
0x79: {  	_ =	swait.ge [sflag:s23], $0x2800  }
0x7a: {  	[sflag:s23] =	ssyncset.done $0x0  }
0x7b: {  	s30 =	simm.s32 $0x1000;
	[sflag:s23] =	ssyncadd.s32 $0xFFFFD800  }
0x7c: {  	[spmem:s1] =	stream.indirect.scatter.add.f32 [tilespmem:s21], [sflag:$0x3], $0x80, s30, s20, $0xb8;
	[tilespmem:$0x1B000] =	vst v63  }
0x7d: {  	_ =	swait.ge [sflag:s18], $0x2800  }
0x7e: {  	[sflag:s18] =	ssyncset.done $0x0  }
0x7f: {  	s30 =	simm.s32 $0x100;
	[sflag:s18] =	ssyncadd.s32 $0xFFFFD800  }
0x80: {  	[tilespmem:s21], [sflag:$0x1] =	stream.indirect.gather [hbm4b:s4+s20], $0x80, s30, s20, $0xb8;
	[tilespmem:$0x1B000] =	vst v63  }
0x81: {  	_ =	swait.ge [sflag:s24], $0x2800  }
0x82: {  	[sflag:s24] =	ssyncset.done $0x0  }
0x83: {  	s30 =	simm.s32 $0x1080;
	[sflag:s24] =	ssyncadd.s32 $0xFFFFD800  }
0x84: {  	[spmem:s1] =	stream.indirect.scatter.add.f32 [tilespmem:s22], [sflag:$0x3], $0x80, s30, s20, $0xb8;
	[tilespmem:$0x1B000] =	vst v63  }
0x85: {  	_ =	swait.ge [sflag:s18], $0x2800  }
0x86: {  	s31 =	simm.s32 $0x800;
	s30 =	simm.s32 $0x100;
	[sflag:s18] =	ssyncset.done $0x0  }
.LBB2_4:
0x87: {  	s0 =	sadd.s32 $0x80, s30  }
0x88: {  	[sflag:s18] =	ssyncadd.s32 $0xFFFFD800;
	s3 =	smov.u32 s31;
	s8 =	sadd.s32 $0x400, s31  }
0x89: {  	[tilespmem:s22], [sflag:$0x2] =	stream.indirect.gather [hbm4b:s4+s20], $0x80, s0, s20, $0xb8;
	[tilespmem:$0x1B000] =	vst v63  }
0x8a: {  	p1 =	sne.s32 s31, $0x2C00;
	_ =	swait.ge [sflag:s23], $0x2800  }
0x8b: {  	[sflag:s23] =	ssyncset.done $0x0  }
0x8c: {  	s0 =	sadd.s32 $0x1000, s30;
	[sflag:s23] =	ssyncadd.s32 $0xFFFFD800  }
0x8d: {  	[spmem:s1] =	stream.indirect.scatter.add.f32 [tilespmem:s21], [sflag:$0x3], $0x80, s0, s20, $0xb8;
	[tilespmem:$0x1B000] =	vst v63  }
0x8e: {  	_ =	swait.ge [sflag:s18], $0x2800  }
0x8f: {  	[sflag:s18] =	ssyncset.done $0x0  }
0x90: {  	s0 =	sadd.s32 $0x100, s30;
	[sflag:s18] =	ssyncadd.s32 $0xFFFFD800  }
0x91: {  	[tilespmem:s21], [sflag:$0x1] =	stream.indirect.gather [hbm4b:s4+s20], $0x80, s0, s20, $0xb8;
	[tilespmem:$0x1B000] =	vst v63  }
0x92: {  	_ =	swait.ge [sflag:s24], $0x2800  }
.Ltmp6:
0x93: {  	[sflag:s24] =	ssyncset.done $0x0;
	(pc) =	sbr.rel @p1 .LBB2_4-.Ltmp6, $4  }
0x94: {  	s0 =	sadd.s32 $0x1080, s30;
	[sflag:s24] =	ssyncadd.s32 $0xFFFFD800  }
0x95: {  	[spmem:s1] =	stream.indirect.scatter.add.f32 [tilespmem:s22], [sflag:$0x3], $0x80, s0, s20, $0xb8;
	[tilespmem:$0x1B000] =	vst v63  }
0x96: {  	_ =	swait.ge [sflag:s18], $0x2800  }
0x97: {  	s31 =	smov.u32 s8;
	s30 =	sshra.s32 s3, $0x2;
	[sflag:s18] =	ssyncset.done $0x0  }
0x98: {  	s0 =	sadd.s32 $0x80, s30;
	[sflag:s18] =	ssyncadd.s32 $0xFFFFD800  }
0x99: {  	[tilespmem:s22], [sflag:$0x2] =	stream.indirect.gather [hbm4b:s4+s20], $0x80, s0, s20, $0xb8;
	[tilespmem:$0x1B000] =	vst v63  }
0x9a: {  	_ =	swait.ge [sflag:s23], $0x2800  }
0x9b: {  	[sflag:s23] =	ssyncset.done $0x0  }
0x9c: {  	s3 =	sadd.s32 $0x1000, s30;
	[sflag:s23] =	ssyncadd.s32 $0xFFFFD800  }
0x9d: {  	[spmem:s1] =	stream.indirect.scatter.add.f32 [tilespmem:s21], [sflag:$0x3], $0x80, s3, s20, $0xb8;
	[tilespmem:$0x1B000] =	vst v63  }
0x9e: {  	_ =	swait.ge [sflag:s18], $0x2800  }
0x9f: {  	[sflag:s18] =	ssyncset.done $0x0  }
0xa0: {  	s8 =	sadd.s32 $0x100, s30;
	[sflag:s18] =	ssyncadd.s32 $0xFFFFD800  }
0xa1: {  	[tilespmem:s21], [sflag:$0x1] =	stream.indirect.gather [hbm4b:s4+s20], $0x80, s8, s20, $0xb8;
	[tilespmem:$0x1B000] =	vst v63  }
0xa2: {  	_ =	swait.ge [sflag:s24], $0x2800  }
0xa3: {  	[sflag:s24] =	ssyncset.done $0x0  }
0xa4: {  	s31 =	sadd.s32 $0x1080, s30;
	[sflag:s24] =	ssyncadd.s32 $0xFFFFD800  }
0xa5: {  	[spmem:s1] =	stream.indirect.scatter.add.f32 [tilespmem:s22], [sflag:$0x3], $0x80, s31, s20, $0xb8;
	[tilespmem:$0x1B000] =	vst v63  }
0xa6: {  	_ =	swait.ge [sflag:s18], $0x2800  }
0xa7: {  	[sflag:s18] =	ssyncset.done $0x0  }
0xa8: {  	[sflag:s18] =	ssyncadd.s32 $0xFFFFD800  }
0xa9: {  	s29 =	sadd.s32 $0x1, s29;
	_ =	swait.ge [sflag:s23], $0x2800  }
0xaa: {  	p1 =	seq.s32 s29, $0x5;
	[sflag:s23] =	ssyncset.done $0x0  }
.Ltmp7:
0xab: {  	[sflag:s23] =	ssyncadd.s32 $0xFFFFD800;
	(pc) =	sbr.rel @!p1 .LBB2_3-.Ltmp7, $4  }
0xac: {  	[spmem:s1] =	stream.indirect.scatter.add.f32 [tilespmem:s21], [sflag:$0x3], $0x80, s25, s20, $0xb8;
	[tilespmem:$0x1B000] =	vst v63  }
0xad: {  	_ =	swait.ge [sflag:s18], $0x2800  }
0xae: {  	[sflag:s18] =	ssyncset.done $0x0  }
0xaf: {  	[sflag:s18] =	ssyncadd.s32 $0xFFFFD800  }
.Ltmp8:
0xb0: {  	(pc) =	sbr.rel .LBB2_12-.Ltmp8, $2  }
0xb1: {  	_ =	sdelay $0x2  }
0xb2: {  	s28 =	rddreg [dreg:$0x3]  }
.LBB2_13:
0xb3: {  	_ =	sfence.sel $0x180000  }
0xb4: {  	[bflag:$0x0] =	sbarrier.arrive $0xFFFF  }
0xb5: {  	_ =	strace $0x9000004D  }
0xb6: {  	s0 =	stileid.u32;
	[bflag:$0x2] =	sbarrier.arrive $0xFFFF  }
0xb7: {  	p0 =	sne.s32 s0, $0x0;
	s0 =	rddreg [dreg:$0x2]  }
0xb8: {  	s0 =	sadd.s32 @!p0 $0x100000, s0  }
0xb9: {  	[sflag:s0] =	ssyncadd.tile.s32 @!p0 $0x1;
	_ =	shalt  }
.Lfunc_end2:
_tile_overlayer_lowered:
.L_overlay_start_2:
0xba: {  	(tag) =	ssettag $0x2  }
0xbb: {  	s0 =	rddreg [dreg:$0x0];
	s2 =	stileid.u32  }
0xbc: {  	s1 =	rddreg [dreg:$0x1];
	p0 =	sne.s32 s2, $0x0  }
0xbd: {  	s3 =	rddreg [dreg:$0x2];
	[bflag:$0x3] =	sbarrier.arrive $0xFFFF;
	s2 =	simm.s32 @!p0 $0x1C03  }
0xbe: {  	[timem:s3], [sflag:s2] =	dma.local @!p0 [hbm:s0], s1  }
0xbf: {  	s0 =	simm.s32 @!p0 $0x3  }
0xc0: {  	_ =	swait.ge @!p0 [sflag:s0], s1  }
0xc1: {  	s1 =	ssub.s32 @!p0 $0x0, s1;
	[sflag:s0] =	ssyncset.done @!p0 $0x0  }
0xc2: {  	[sflag:s0] =	ssyncadd.s32 @!p0 s1  }
0xc3: {  	[bflag:$0x3] =	sbarrier.arrive $0xFFFF  }
0xc4: {  	_ =	shalt  }

// kernel: kernel.9.cloned.1.call-start
scs
__scs_entry_jumppad:
0x0: {  	(pc) =	sbr.rel $0x88, $3  }
0x1: {  	(tag) =	ssettag $0x0;
	lr =	simm.s32 $0x1  }
0x2: {  	[smem:$0x3F98] =	sst lr;
	_ =	strace $0xD0000000  }
0x3: {  	_ = 	snop  }
0x4: {  	_ = 	snop  }
0x5: {  	_ = 	snop  }
0x6: {  	_ = 	snop  }
0x7: {  	_ = 	snop  }
__scs_overlays_trampoline_lowered:
0x8: {  	[smem:$0x3FA7] =	sst s0  }
0x9: {  	[smem:$0x3FA8] =	sst s1  }
0xa: {  	[smem:$0x3FA9] =	sst s2  }
0xb: {  	[smem:$0x3FAA] =	sst s3  }
0xc: {  	[smem:$0x3FAB] =	sst s4  }
0xd: {  	[smem:$0x3FAC] =	sst s5  }
0xe: {  	[smem:$0x3FAD] =	sst s6  }
0xf: {  	[smem:$0x3FAE] =	sst s7  }
0x10: {  	[smem:$0x3FAF] =	sst s8  }
0x11: {  	[smem:$0x3FB0] =	sst s9;
	s0 =	simm.s32 @!p0 $0x0  }
0x12: {  	s1 =	sld [smem:$0x3F96];
	s0 =	simm.s32 @p0 $0x1  }
0x13: {  	[smem:$0x3FB1] =	sst s0;
	s0 =	simm.s32 @!p1 $0x0  }
0x14: {  	s2 =	sld [smem:$0x3F95];
	s0 =	simm.s32 @p1 $0x1  }
0x15: {  	[smem:$0x3FB2] =	sst s0;
	s0 =	simm.s32 @!p2 $0x0  }
0x16: {  	s3 =	sld [smem:$0x3FDB];
	s0 =	simm.s32 @p2 $0x1  }
0x17: {  	s4 =	simm.s32 $0x1BF5;
	[smem:$0x3FB4] =	sst s0  }
0x18: {  	s0 =	sld [smem:$0x3F97];
	_ =	swait.ge [sflag:s4], $0x0  }
0x19: {  	s7 =	sld [smem:$0x3F98]  }
0x1a: {  	s8 =	sadd.s32 $0xFFFFE003, lr  }
0x1b: {  	s9 =	sadd.s32 $0xFFFFFEF7, lr;
	s5 =	simm.s32 $0xFFFFFFFF;
	p2 =	slt.u32 s8, $0xFFFFF086  }
0x1c: {  	p1 =	slt.u32 s9, $0xF7A;
	s5 =	simm.s32 @!p2 $0x0  }
0x1d: {  	s5 =	simm.s32 @p1 $0x1;
	p0 =	seq.s32 s7, s2  }
0x1e: {  	s7 =	smul.u32 @!p0 $0xF7A, s2;
	p2 =	seq.s32 @!p0 s5, $0x0  }
0x1f: {  	s9 =	smul.u32 $0xF7A, s1;
	s8 =	simm.s32 @!p0 $0x1BF5;
	p2 =	por !p2, p0  }
0x20: {  	[sflag:s8] =	ssyncset.s32 @!p0 $0xFFFFF086;
	s6 =	sadd.s32 @!p0 s3, s7;
	s7 =	simm.s32 @!p0 $0x108  }
0x21: {  	s3 =	sadd.s32 s3, s9;
	s6 =	sadd.s32 @!p0 $0x88, s6;
	s7 =	simm.s32 @p2 $0x1082  }
0x22: {  	[simem:s7], [sflag:s8] =	dma.local @!p0 [hbm:s6], $0xF7A  }
0x23: {  	s9 =	sor.u32 $0xD0000000, s2;
	s6 =	simm.s32 $0x108;
	_ =	swait.ge @!p0 [sflag:s8], $0x0  }
0x24: {  	s3 =	sadd.s32 $0x88, s3;
	s6 =	simm.s32 @!p1 $0x1082;
	[sflag:s4] =	ssyncset.s32 $0xFFFFF086  }
0x25: {  	[simem:s6], [sflag:s4] =	dma.local [hbm:s3], $0xF7A  }
0x26: {  	[smem:$0x3F98] =	sst s1;
	(tag) =	ssettag s2;
	_ =	strace s9  }
0x27: {  	s1 =	sld [smem:$0x3FA8]  }
0x28: {  	s2 =	sld [smem:$0x3FA9]  }
0x29: {  	s4 =	sld [smem:$0x3FAB]  }
0x2a: {  	p0 =	seq.s32 s5, $0x0;
	s5 =	sld [smem:$0x3FAC]  }
0x2b: {  	s6 =	sld [smem:$0x3FAD]  }
0x2c: {  	s7 =	sld [smem:$0x3FAE]  }
0x2d: {  	s3 =	simm.s32 $0x108;
	s8 =	sld [smem:$0x3FAF]  }
0x2e: {  	s3 =	simm.s32 @!p0 $0x1082;
	s9 =	sld [smem:$0x3FB0]  }
0x2f: {  	lr =	sadd.s32 s0, s3;
	s0 =	sld [smem:$0x3FA7]  }
0x30: {  	s3 =	sld [smem:$0x3FAA]  }
0x31: {  	[smem:$0x3FB3] =	sst s10  }
0x32: {  	s10 =	sld [smem:$0x3FB1];
	_ =	sdelay $0x3  }
0x33: {  	p0 =	seq.s32 s10, $0x1;
	s10 =	sld [smem:$0x3FB3];
	_ =	sdelay $0x3  }
0x34: {  	[smem:$0x3FB3] =	sst s10  }
0x35: {  	s10 =	sld [smem:$0x3FB2];
	_ =	sdelay $0x3  }
0x36: {  	p1 =	seq.s32 s10, $0x1;
	s10 =	sld [smem:$0x3FB3];
	_ =	sdelay $0x3  }
0x37: {  	[smem:$0x3FB3] =	sst s10  }
0x38: {  	s10 =	sld [smem:$0x3FB4]  }
0x39: {  	_ = 	snop;
	(pc) =	sbr.ind lr, $3  }
0x3a: {  	_ = 	snop  }
0x3b: {  	_ = 	snop  }
0x3c: {  	p2 =	seq.s32 s10, $0x1;
	s10 =	sld [smem:$0x3FB3]  }
0x3d: {  	_ =	shalt  }
0x3e: {  	_ =	shalt  }
0x3f: {  	_ =	shalt  }
0x40: {  	_ =	shalt  }
0x41: {  	_ =	shalt  }
0x42: {  	_ =	shalt  }
0x43: {  	_ =	shalt  }
0x44: {  	_ =	shalt  }
0x45: {  	_ =	shalt  }
0x46: {  	_ =	shalt  }
0x47: {  	_ =	shalt  }
0x48: {  	_ =	shalt  }
0x49: {  	_ =	shalt  }
0x4a: {  	_ =	shalt  }
0x4b: {  	_ =	shalt  }
0x4c: {  	_ =	shalt  }
0x4d: {  	_ =	shalt  }
0x4e: {  	_ =	shalt  }
0x4f: {  	_ =	shalt  }
0x50: {  	_ =	shalt  }
0x51: {  	_ =	shalt  }
0x52: {  	_ =	shalt  }
0x53: {  	_ =	shalt  }
0x54: {  	_ =	shalt  }
0x55: {  	_ =	shalt  }
0x56: {  	_ =	shalt  }
0x57: {  	_ =	shalt  }
0x58: {  	_ =	shalt  }
0x59: {  	_ =	shalt  }
0x5a: {  	_ =	shalt  }
0x5b: {  	_ =	shalt  }
0x5c: {  	_ =	shalt  }
0x5d: {  	_ =	shalt  }
0x5e: {  	_ =	shalt  }
0x5f: {  	_ =	shalt  }
0x60: {  	_ =	shalt  }
0x61: {  	_ =	shalt  }
0x62: {  	_ =	shalt  }
0x63: {  	_ =	shalt  }
0x64: {  	_ =	shalt  }
0x65: {  	_ =	shalt  }
0x66: {  	_ =	shalt  }
0x67: {  	_ =	shalt  }
0x68: {  	_ =	shalt  }
0x69: {  	_ =	shalt  }
0x6a: {  	_ =	shalt  }
0x6b: {  	_ =	shalt  }
0x6c: {  	_ =	shalt  }
0x6d: {  	_ =	shalt  }
0x6e: {  	_ =	shalt  }
0x6f: {  	_ =	shalt  }
0x70: {  	_ =	shalt  }
0x71: {  	_ =	shalt  }
0x72: {  	_ =	shalt  }
0x73: {  	_ =	shalt  }
0x74: {  	_ =	shalt  }
0x75: {  	_ =	shalt  }
0x76: {  	_ =	shalt  }
0x77: {  	_ =	shalt  }
0x78: {  	_ =	shalt  }
0x79: {  	_ =	shalt  }
0x7a: {  	_ =	shalt  }
0x7b: {  	_ =	shalt  }
0x7c: {  	_ =	shalt  }
0x7d: {  	_ =	shalt  }
0x7e: {  	_ =	shalt  }
0x7f: {  	_ =	shalt  }
0x80: {  	_ =	shalt  }
0x81: {  	_ =	shalt  }
0x82: {  	_ =	shalt  }
0x83: {  	_ =	shalt  }
0x84: {  	_ =	shalt  }
0x85: {  	_ =	shalt  }
0x86: {  	_ =	shalt  }
0x87: {  	_ =	shalt  }
.Lfunc_end0:
.L_simem_size_0:
called_computation_lowered:
.L_overlay_start_0:
0x88: {  	s2 =	sld [smem:$0x3FD9]  }
0x89: {  	s3 =	sld [smem:$0x3FFE];
	_ =	sdelay $0x1  }
0x8a: {  	s1 =	srdreg.scid  }
0x8b: {  	s0 =	sand.u32 $0x1, s1  }
0x8c: {  	s16 =	sshll.u32 s0, $0xA;
	s2 =	sadd.s32 s3, s2  }
0x8d: {  	s2 =	sadd.s32 s2, s16  }
0x8e: {  	[smem:$0x3FBF] =	sst s2  }
0x8f: {  	_ = 	snop  }
0x90: {  	(tm) =	ssettm $0x1  }
0x91: {  	s17 =	sld [smem:$0x3FFB];
	_ =	sdelay $0x3  }
0x92: {  	_ =	strace s17  }
0x93: {  	s2 =	sld [smem:$0x3FFC];
	_ =	sdelay $0x3  }
0x94: {  	_ =	strace s2  }
0x95: {  	s2 =	sld [smem:$0x3FFD];
	_ =	sdelay $0x3  }
0x96: {  	_ =	strace s2  }
0x97: {  	_ =	strace $0x8FFFFFFF  }
0x98: {  	s18 =	sld [smem:$0x3FDB];
	_ =	sdelay $0x1  }
0x99: {  	s19 =	simm.s32 $_scs_section_size  }
0x9a: {  	s4 =	simm.s32 $_size__tile_overlayer_lowered;
	s5 =	simm.s32 $_tile_overlayer_lowered  }
0x9b: {  	s22 =	simm.s32 $0x1BFF;
	s21 =	sshll.u32 s5, $0x1;
	s2 =	sadd.s32 s19, s18  }
0x9c: {  	s6 =	simm.s32 $0x0;
	s20 =	sshll.u32 s4, $0x1;
	s4 =	sadd.s32 s21, s2  }
0x9d: {  	[timem:s6], [sflag:s22] =	dma.local [hbm:s4], s20  }
0x9e: {  	_ =	swait.ge [sflag:s22], s20  }
0x9f: {  	s3 =	ssub.s32 $0x0, s20;
	[sflag:s22] =	ssyncset.done $0x0  }
0xa0: {  	[sflag:s22] =	ssyncadd.s32 s3;
	_ =	sdelay $0x1  }
0xa1: {  	s23 =	simm.s32 $0x1B8B  }
0xa2: {  	_ =	swait.ge [sflag:s23], $0x1  }
0xa3: {  	[sflag:s23] =	ssyncset.done $0x0  }
0xa4: {  	s25 =	simm.s32 $0x1B8E;
	s24 =	sld [smem:$0x3FFE];
	[sflag:s23] =	ssyncadd.s32 $0xFFFFFFFF  }
0xa5: {  	s26 =	simm.s32 $execute0_lowered;
	[smem:$0x3FD2] =	sst s25  }
0xa6: {  	s4 =	sshll.u32 s26, $0x1;
	_ =	strace $0x80000046;
	[dreg:$0x1] =	wrdreg $0xFFFFFFFF  }
0xa7: {  	s28 =	simm.s32 $_size_execute0_lowered;
	s2 =	sadd.s32 s2, s4;
	[dreg:$0x0] =	wrdreg $0x0  }
0xa8: {  	s4 =	sshll.u32 s28, $0x1;
	[dreg:$0x2] =	wrdreg s2  }
0xa9: {  	[dreg:$0x3] =	wrdreg s4  }
0xaa: {  	[dreg:$0x4] =	wrdreg $0xC0  }
0xab: {  	_ =	task [dreg:s6], $0x5FFFF  }
0xac: {  	[dreg:$0x1] =	wrdreg $0xFFFFFFFF  }
0xad: {  	[dreg:$0x0] =	wrdreg $0x60  }
0xae: {  	[dreg:$0x2] =	wrdreg s24  }
0xaf: {  	[dreg:$0x3] =	wrdreg $0x48000  }
0xb0: {  	[dreg:$0x4] =	wrdreg $0x9  }
0xb1: {  	_ =	task.clear_ibuf [dreg:s6], $0x5FFFF;
	_ =	strace $0x90000046  }
0xb2: {  	s29 =	simm.s32 $0x9;
	_ =	strace $0x80000048  }
0xb3: {  	_ =	swait.ge [sflag:s29], $0x1  }
0xb4: {  	[sflag:s29] =	ssyncadd.s32 $0xFFFFFFFF  }
0xb5: {  	_ =	strace $0x90000048  }
0xb6: {  	_ =	sfence  }
0xb7: {  	s30 =	sld [smem:$0x0];
	_ =	sdelay $0x2  }
0xb8: {  	s31 =	sshll.u32 s1, $0xD;
	s1 =	sshrl.u32 s1, $0x2  }
0xb9: {  	s3 =	sand.u32 $0x4000, s31;
	s1 =	sadd.s32 s1, s30  }
0xba: {  	s0 =	sor.u32 s3, s0;
	s1 =	sshll.u32 s1, $0x11  }
0xbb: {  	s0 =	sor.u32 s1, s0  }
0xbc: {  	s0 =	sadd.s32 $0x8F2B, s0  }
0xbd: {  	[sflag:s0] =	ssyncadd.remote.s32 $0x1  }
0xbe: {  	_ =	sfence.sel $0xFFFF  }
0xbf: {  	[dreg:$0x0] =	wrdreg $0xFFFFFFFF;
	(pc) =	sbr.abs _section_cstart, $3  }
0xc0: {  	[dreg:$0x1] =	wrdreg $0xFFFFFFFF  }
0xc1: {  	_ =	task.clear_ibuf [dreg:s6], $0x2FFFF;
	_ =	strace $0x9FFFFFFF  }
0xc2: {  	(tm) =	ssettm $0x7FFFFFFF  }
0xc3: {  	_ =	shalt  }
tec
execute0_lowered:
.L_overlay_start_1:
0x0: {  	(tag) =	ssettag $0x1  }
0x1: {  	s8 =	rddreg [dreg:$0x0]  }
0x2: {  	s2 =	rddreg [dreg:$0x1]  }
0x3: {  	s0 =	rddreg [dreg:$0x2];
	s3 =	simm.s32 $0x0  }
0x4: {  	s1 =	stileid.u32;
	s4 =	srdreg.scid;
	s13 =	simm.s32 $0x50  }
0x5: {  	s14 =	simm.s32 $0x1;
	s15 =	simm.s32 $0x0;
	[smem:$0x7FF] =	sst s3  }
0x6: {  	s5 =	sshll.u32 s1, $0xA;
	s7 =	sand.u32 $0x1, s4;
	s28 =	smul.u32 $0x50000, s1  }
0x7: {  	s4 =	sadd.s32 $0xEA00, s8;
	s30 =	smul.u32 $0x2800, s1;
	s31 =	sshll.u32 s1, $0x6  }
0x8: {  	_ =	strace $0x80000047;
	s6 =	sadd.s32 s5, s8;
	s9 =	ssub.s32 $0x2, s7  }
0x9: {  	s5 =	sadd.s32 $0xC200, s8;
	s11 =	sshll.u32 s7, $0xE;
	p0 =	seq.s32 s7, $0x1  }
0xa: {  	s10 =	sshrl.u32 s9, $0x1;
	s6 =	sadd.s32 s11, s6;
	s11 =	simm.s32 $0x37000  }
0xb: {  	s29 =	sshrl.u32 s28, $0x2;
	s9 =	ssub.s32 s9, s10;
	s6 =	sadd.s32 $0x4200, s6  }
0xc: {  	s11 =	simm.s32 @!p0 $0xF000;
	s12 =	sadd.s32 s29, s2;
	s10 =	simm.s32 $0x2000  }
0xd: {  	s7 =	smax.u32 s9, $0x1;
	s8 =	sadd.s32 s11, s8;
	s9 =	simm.s32 $0x2  }
0xe: {  	s11 =	sor.u32 $0x1C02, s31;
	s12 =	sshrl.u32 s12, $0x3;
	s8 =	sadd.s32 s8, s30  }
.LBB2_1:
0xf: {  	[tilespmem:s3], [sflag:$0x2] =	stream.linear.gather [hbm4b:s6+s3], $0x1F80, $0x38;
	[tilespmem:$0x18800] =	vst v63  }
0x10: {  	_ =	swait.ge [sflag:s9], $0x1F80  }
0x11: {  	[sflag:s9] =	ssyncset.done $0x0  }
0x12: {  	[sflag:s9] =	ssyncadd.s32 $0xFFFFE080  }
0x13: {  	[tilespmem:s10], [sflag:$0x2] =	stream.linear.gather [hbm4b:s4+s3], $0x2800, $0x38;
	[tilespmem:$0x18800] =	vst v63  }
0x14: {  	_ =	swait.ge [sflag:s9], $0x2800  }
0x15: {  	[sflag:s9] =	ssyncset.done $0x0  }
0x16: {  	[sflag:s9] =	ssyncadd.s32 $0xFFFFD800  }
0x17: {  	[spmem:s12], [sflag:s11] =	dma.local [hbm:s5], $0x2800  }
0x18: {  	_ =	swait.ge [sflag:s9], $0x2800  }
0x19: {  	[sflag:s9] =	ssyncset.done $0x0  }
0x1a: {  	p0 =	por $0x1, $0x1;
	[sflag:s9] =	ssyncadd.s32 $0xFFFFD800  }
0x1b: {  	s18 =	simm.s32 @!p0 $0x1;
	[bflag:$0x0] =	sbarrier.arrive $0xFFFF  }
0x1c: {  	[spmem:s2] =	stream.indirect.scatter.add.f32 [tilespmem:s10], [sflag:$0x1], $0x80, s3, s13, $0xb8;
	[tilespmem:$0x18800] =	vst v63  }
0x1d: {  	_ =	swait.ge @!p0 [sflag:s18], $0x2800  }
0x1e: {  	s16 =	simm.s32 $0x1;
	s17 =	simm.s32 $0x0;
	[sflag:s18] =	ssyncset.done @!p0 $0x0  }
.LBB2_2:
0x1f: {  	[sflag:s18] =	ssyncadd.s32 @!p0 $0xFFFFD800  }
0x20: {  	s17 =	sadd.s32 $0x80, s17;
	s18 =	smov.u32 s16;
	s16 =	sadd.s32 $0x1, s16  }
0x21: {  	p1 =	sne.s32 s16, $0x3F  }
0x22: {  	[spmem:s2] =	stream.indirect.scatter.add.f32 [tilespmem:s10], [sflag:$0x1], $0x80, s17, s13, $0xb8;
	[tilespmem:$0x18800] =	vst v63  }
.Ltmp0:
0x23: {  	_ = 	snop;
	(pc) =	sbr.rel @p1 .LBB2_2-.Ltmp0, $4  }
0x24: {  	p0 =	slt.u32 s18, $0x8  }
0x25: {  	s18 =	simm.s32 @!p0 $0x1  }
0x26: {  	_ =	swait.ge @!p0 [sflag:s18], $0x2800  }
0x27: {  	[sflag:s18] =	ssyncset.done @!p0 $0x0  }
0x28: {  	[sflag:s18] =	ssyncadd.s32 @!p0 $0xFFFFD800  }
0x29: {  	_ =	swait.ge [sflag:s14], $0x2800  }
0x2a: {  	[sflag:s14] =	ssyncset.done $0x0  }
0x2b: {  	[sflag:s14] =	ssyncadd.s32 $0xFFFFD800  }
0x2c: {  	_ =	swait.ge [sflag:s14], $0x2800  }
0x2d: {  	[sflag:s14] =	ssyncset.done $0x0  }
0x2e: {  	[sflag:s14] =	ssyncadd.s32 $0xFFFFD800  }
0x2f: {  	_ =	swait.ge [sflag:s14], $0x2800  }
0x30: {  	[sflag:s14] =	ssyncset.done $0x0  }
0x31: {  	[sflag:s14] =	ssyncadd.s32 $0xFFFFD800  }
0x32: {  	_ =	swait.ge [sflag:s14], $0x2800  }
0x33: {  	[sflag:s14] =	ssyncset.done $0x0  }
0x34: {  	[sflag:s14] =	ssyncadd.s32 $0xFFFFD800  }
0x35: {  	_ =	swait.ge [sflag:s14], $0x2800  }
0x36: {  	[sflag:s14] =	ssyncset.done $0x0  }
0x37: {  	[sflag:s14] =	ssyncadd.s32 $0xFFFFD800  }
0x38: {  	_ =	swait.ge [sflag:s14], $0x2800  }
0x39: {  	[sflag:s14] =	ssyncset.done $0x0  }
0x3a: {  	[sflag:s14] =	ssyncadd.s32 $0xFFFFD800  }
0x3b: {  	_ =	swait.ge [sflag:s14], $0x2800  }
0x3c: {  	[sflag:s14] =	ssyncset.done $0x0  }
0x3d: {  	[sflag:s14] =	ssyncadd.s32 $0xFFFFD800  }
0x3e: {  	_ =	swait.ge [sflag:s14], $0x2800  }
0x3f: {  	s15 =	sadd.s32 $0x1, s15;
	[sflag:s14] =	ssyncset.done $0x0  }
0x40: {  	p0 =	sne.s32 s15, s7;
	[sflag:s14] =	ssyncadd.s32 $0xFFFFD800  }
.Ltmp1:
0x41: {  	[bflag:$0x0] =	sbarrier.arrive $0xFFFF;
	(pc) =	sbr.rel @p0 .LBB2_1-.Ltmp1, $4  }
0x42: {  	[hbm:s8], [sflag:s11] =	dma.local [spmem:s12], $0x2800  }
0x43: {  	_ =	swait.ge [sflag:s9], $0x2800  }
0x44: {  	[sflag:s9] =	ssyncset.done $0x0  }
0x45: {  	[sflag:s9] =	ssyncadd.s32 $0xFFFFD800  }
0x46: {  	_ =	sfence.sel $0x180000  }
0x47: {  	[bflag:$0x0] =	sbarrier.arrive $0xFFFF  }
0x48: {  	p0 =	sne.s32 s1, $0x0;
	_ =	strace $0x90000047  }
0x49: {  	s0 =	sadd.s32 @!p0 $0x100000, s0;
	[bflag:$0x2] =	sbarrier.arrive $0xFFFF  }
0x4a: {  	[sflag:s0] =	ssyncadd.tile.s32 @!p0 $0x1;
	_ =	shalt  }
.Lfunc_end2:
_tile_overlayer_lowered:
.L_overlay_start_2:
0x4b: {  	(tag) =	ssettag $0x2  }
0x4c: {  	s0 =	rddreg [dreg:$0x0];
	s2 =	stileid.u32  }
0x4d: {  	s1 =	rddreg [dreg:$0x1];
	p0 =	sne.s32 s2, $0x0  }
0x4e: {  	s3 =	rddreg [dreg:$0x2];
	[bflag:$0x3] =	sbarrier.arrive $0xFFFF;
	s2 =	simm.s32 @!p0 $0x1C02  }
0x4f: {  	[timem:s3], [sflag:s2] =	dma.local @!p0 [hbm:s0], s1  }
0x50: {  	s0 =	simm.s32 @!p0 $0x2  }
0x51: {  	_ =	swait.ge @!p0 [sflag:s0], s1  }
0x52: {  	s1 =	ssub.s32 @!p0 $0x0, s1;
	[sflag:s0] =	ssyncset.done @!p0 $0x0  }
0x53: {  	[sflag:s0] =	ssyncadd.s32 @!p0 s1  }
0x54: {  	[bflag:$0x3] =	sbarrier.arrive $0xFFFF  }
0x55: {  	_ =	shalt  }

</sc_bundles>
